<compile_context>
chip_gen: v7x
topology: tpu7x:2x2x1
jax: 0.10.2.dev20260603
libtpu: 0.0.44.dev20260713+nightly
codegen_flags: <defaults>
</compile_context>

<pallas_src>
import functools

import jax
import jax.numpy as jnp
from jax import lax
from jax.experimental import pallas as pl
from jax.experimental.pallas import tpu as pltpu
from jax.experimental.pallas import tpu_sc as plsc

FEAT = 128
K = 6
GCN_G = 32
CONV_G = 4
B = 4
T = 2048
TILE = 256
NTILES = T // TILE
NEG = -3.0e38
F32 = jnp.float32



def _densify(w, groups):
    o, ig = w.shape[0], w.shape[1]
    rest = w.shape[2:]
    og = o // groups
    w5 = w.reshape((groups, og, ig) + rest)
    out = jnp.zeros((groups, og, groups, ig) + rest, w.dtype)
    out = out.at[jnp.arange(groups), :, jnp.arange(groups)].set(w5)
    return out.reshape((o, groups * ig) + rest)


def _taps(dense):
    return jnp.transpose(dense, (2, 1, 0))



def _dot(a, b):
    return jnp.dot(a, b, preferred_element_type=F32)


def _conv3(x, taps_ref, bias):
    acc = _dot(x, taps_ref[1]) + bias
    a0 = _dot(x, taps_ref[0])
    a2 = _dot(x, taps_ref[2])
    z = jnp.zeros((1, x.shape[1]), F32)
    acc = acc + jnp.concatenate([z, a0[:-1]], axis=0)
    acc = acc + jnp.concatenate([a2[1:], z], axis=0)
    return acc


def _backbone_body(x_ref, taps_ref, s_ref, b_ref, h_ref):
    x = x_ref[0]
    acc = _conv3(x, taps_ref, jnp.zeros((1, FEAT), F32))
    h_ref[0] = jnp.maximum(acc * s_ref[...] + b_ref[...], 0.0)


def _pre_body(h_ref, q_ref, t1w_ref, t1b_ref, t2t_ref, t2b_ref, t3w_ref,
              t3b_ref, wx_ref, s1b_ref, wn_ref,
              idx_ref, base_ref, yx_ref, yn_ref):
    b0 = pl.program_id(0)
    i = pl.program_id(1)
    hf = h_ref[0]
    q = q_ref[0]
    inner2 = 2.0 * lax.dot_general(q, hf, (((1,), (1,)), ((), ())),
                                   preferred_element_type=F32)
    hsq = hf * hf
    xxf = lax.dot_general(jnp.ones((1, FEAT), F32), hsq,
                          (((1,), (1,)), ((), ())), preferred_element_type=F32)
    d = inner2 - xxf
    qt = q.shape[0]
    cols = lax.broadcasted_iota(jnp.int32, (qt, T), 1)
    rows = i * qt + lax.broadcasted_iota(jnp.int32, (qt, 1), 0)
    outs = [rows]
    d = jnp.where(cols == rows, NEG, d)
    for _ in range(K - 1):
        m = jnp.max(d, axis=1, keepdims=True)
        sel = d == m
        idxj = jnp.min(jnp.where(sel, cols, T), axis=1, keepdims=True)
        outs.append(idxj)
        d = jnp.where(sel, NEG, d)
    idx_ref[0] = jnp.concatenate(outs, axis=1) + b0 * T

    @pl.when(i == 0)
    def _():
        h1 = jnp.maximum(_dot(hf, t1w_ref[...]) + t1b_ref[...], 0.0)
        h2 = jnp.maximum(_conv3(h1, t2t_ref, t2b_ref[...]), 0.0)
        base_ref[0] = _dot(h2, t3w_ref[...]) + t3b_ref[...] + hf
        yx_ref[0] = _dot(hf, wx_ref[...]) + s1b_ref[...]
        yn_ref[0] = _dot(hf, wn_ref[...])


def _stage_c_body(g_ref, yx_ref, base_ref, w2_ref, b2_ref, w3_ref, b3_ref,
                  out_ref):
    yx = yx_ref[0]
    acc = None
    for j in range(K):
        s1 = jnp.maximum(g_ref[0, j] + yx, 0.0)
        s2 = jnp.maximum(_dot(s1, w2_ref[...]) + b2_ref[...], 0.0)
        s3 = _dot(s2, w3_ref[...]) + b3_ref[...]
        acc = s3 if acc is None else jnp.maximum(acc, s3)
    out_ref[0] = jnp.maximum(base_ref[0] + acc, 0.0)


def _stage_c_final_body(g_ref, yx_ref, base_ref, resid_ref, w2_ref, b2_ref,
                        w3_ref, b3_ref, out_ref):
    yx = yx_ref[0]
    acc = None
    for j in range(K):
        s1 = jnp.maximum(g_ref[0, j] + yx, 0.0)
        s2 = jnp.maximum(_dot(s1, w2_ref[...]) + b2_ref[...], 0.0)
        s3 = _dot(s2, w3_ref[...]) + b3_ref[...]
        acc = s3 if acc is None else jnp.maximum(acc, s3)
    out_ref[0] = jnp.maximum(base_ref[0] + acc, 0.0) + resid_ref[0]



def _full_spec(shape):
    n = len(shape)
    return pl.BlockSpec(shape, lambda *_: (0,) * n)


def _bt_spec():
    return pl.BlockSpec((1, T, FEAT), lambda b, *_: (b, 0, 0))


_TC_PARAMS = pltpu.CompilerParams(vmem_limit_bytes=100 * 2**20)
_BT_SD = jax.ShapeDtypeStruct((B, T, FEAT), F32)


def _backbone(x_t, taps, s, b):
    return pl.pallas_call(
        _backbone_body,
        grid=(B,),
        in_specs=[_bt_spec(), _full_spec(taps.shape), _full_spec(s.shape),
                  _full_spec(b.shape)],
        out_specs=_bt_spec(),
        out_shape=_BT_SD,
        compiler_params=_TC_PARAMS,
    )(x_t, taps, s, b)


_QT = 512


def _pre(h, *ws):
    full = pl.BlockSpec((1, T, FEAT), lambda b, i: (b, 0, 0))
    return pl.pallas_call(
        _pre_body,
        grid=(B, T // _QT),
        in_specs=[full, pl.BlockSpec((1, _QT, FEAT), lambda b, i: (b, i, 0))]
        + [_full_spec(w.shape) for w in ws],
        out_specs=[pl.BlockSpec((1, _QT, K), lambda b, i: (b, i, 0)),
                   full, full, full],
        out_shape=[jax.ShapeDtypeStruct((B, T, K), jnp.int32),
                   _BT_SD, _BT_SD, _BT_SD],
        compiler_params=_TC_PARAMS,
    )(h, h, *ws)


def _stage_c(body, gat, yx, base, extra, ws, n_out=1):
    tile_spec = pl.BlockSpec((1, TILE, FEAT), lambda b, i: (b, i, 0))
    in_specs = [pl.BlockSpec((1, K, TILE, FEAT), lambda b, i: (b, 0, i, 0)),
                tile_spec, tile_spec]
    args = [gat, yx, base]
    if extra is not None:
        in_specs.append(tile_spec)
        args.append(extra)
    in_specs += [_full_spec(w.shape) for w in ws]
    args += list(ws)
    return pl.pallas_call(
        body,
        grid=(B, NTILES),
        in_specs=in_specs,
        out_specs=[tile_spec] * n_out if n_out > 1 else tile_spec,
        out_shape=[_BT_SD] * n_out if n_out > 1 else _BT_SD,
        compiler_params=_TC_PARAMS,
    )(*args)



_NW = 32
_CH = 128


def _sc_gather_impl(table, gidx):
    rows = gidx.shape[0]
    per_w = rows // _NW
    nch = per_w // _CH
    mesh = plsc.VectorSubcoreMesh(core_axis_name="c", subcore_axis_name="s")

    cpr = 3
    nrounds = nch // cpr
    assert nrounds * cpr == nch
    rnd = cpr * _CH

    @functools.partial(
        pl.kernel,
        out_type=jax.ShapeDtypeStruct((rows, FEAT), F32),
        mesh=mesh,
        scratch_types=[
            pltpu.VMEM((per_w,), jnp.int32),
            pltpu.VMEM((rnd, FEAT), F32),
            pltpu.VMEM((rnd, FEAT), F32),
            pltpu.SemaphoreType.DMA,
            pltpu.SemaphoreType.DMA,
            pltpu.SemaphoreType.DMA,
            pltpu.SemaphoreType.DMA,
        ],
    )
    def gather_k(table_hbm, idx_hbm, out_hbm, idx_v, buf0, buf1,
                 g0, g1, s0, s1):
        wid = lax.axis_index("s") * 2 + lax.axis_index("c")
        base = wid * per_w
        bufs = (buf0, buf1)
        gsems = (g0, g1)
        ssems = (s0, s1)
        pltpu.sync_copy(idx_hbm.at[pl.ds(base, per_w)], idx_v)

        def fire(r):
            s = r % 2
            hs = []
            for j in range(cpr):
                c = r * cpr + j
                hs.append(pltpu.async_copy(
                    table_hbm.at[idx_v.at[pl.ds(c * _CH, _CH)]],
                    bufs[s].at[pl.ds(j * _CH, _CH)], gsems[s]))
            return hs

        stores = [None, None]
        pending = None
        for r in range(nrounds):
            s = r % 2
            if stores[s] is not None:
                stores[s].wait()
                stores[s] = None
            hs = fire(r)
            if pending is not None:
                pr, phs = pending
                for hh in phs:
                    hh.wait()
                stores[pr % 2] = pltpu.async_copy(
                    bufs[pr % 2], out_hbm.at[pl.ds(base + pr * rnd, rnd)],
                    ssems[pr % 2])
            pending = (r, hs)
        pr, phs = pending
        for hh in phs:
            hh.wait()
        stores[pr % 2] = pltpu.async_copy(
            bufs[pr % 2], out_hbm.at[pl.ds(base + pr * rnd, rnd)],
            ssems[pr % 2])
        for s in range(2):
            if stores[s] is not None:
                stores[s].wait()

    return gather_k(table, gidx)


def _gather_rows(table, gidx):
    return _sc_gather_impl(table, gidx)



def _row(v):
    return v.reshape(1, FEAT)


def _block_weights(p, g):
    s1w = p[g + '_s1_w'][:, :, 0, 0]
    return dict(
        t1w=jnp.transpose(p[g + '_t1_w'][:, :, 0]),
        t2t=_taps(_densify(p[g + '_t2_w'], GCN_G)),
        t3w=jnp.transpose(p[g + '_t3_w'][:, :, 0]),
        wn=jnp.transpose(s1w[:, :FEAT]),
        wx=jnp.transpose(s1w[:, FEAT:]),
        w2=jnp.transpose(_densify(p[g + '_s2_w'][:, :, 0, 0], GCN_G)),
        w3=jnp.transpose(p[g + '_s3_w'][:, :, 0, 0]),
        t1b=_row(p[g + '_t1_b']), t2b=_row(p[g + '_t2_b']),
        t3b=_row(p[g + '_t3_b']), s1b=_row(p[g + '_s1_b']),
        s2b=_row(p[g + '_s2_b']), s3b=_row(p[g + '_s3_b']),
    )


def kernel(snip_feature, params):
    p = params
    x_t = jnp.transpose(snip_feature, (0, 2, 1))
    w1 = _block_weights(p, 'g1')
    w2 = _block_weights(p, 'g2')

    bb_taps = _taps(_densify(p['bb_w'], CONV_G))
    inv = 1.0 / jnp.sqrt(jnp.float32(1.0 + 1e-05))
    eff_s = _row(p['bn_g'] * inv)
    eff_b = _row(p['bb_b'] * p['bn_g'] * inv + p['bn_b'])
    h = _backbone(x_t, bb_taps, eff_s, eff_b)

    idx, base, yx, yn = _pre(h, w1['t1w'], w1['t1b'], w1['t2t'], w1['t2b'],
                             w1['t3w'], w1['t3b'], w1['wx'], w1['s1b'],
                             w1['wn'])
    gidx = jnp.transpose(idx, (0, 2, 1)).reshape(-1)
    gat = _gather_rows(yn.reshape(B * T, FEAT), gidx).reshape(B, K, T, FEAT)
    h = _stage_c(_stage_c_body, gat, yx, base, None,
                 (w1['w2'], w1['s2b'], w1['w3'], w1['s3b']))

    idx, base, yx, yn = _pre(h, w2['t1w'], w2['t1b'], w2['t2t'], w2['t2b'],
                             w2['t3w'], w2['t3b'], w2['wx'], w2['s1b'],
                             w2['wn'])
    gidx = jnp.transpose(idx, (0, 2, 1)).reshape(-1)
    gat = _gather_rows(yn.reshape(B * T, FEAT), gidx).reshape(B, K, T, FEAT)
    out_t = _stage_c(_stage_c_final_body, gat, yx, base, x_t,
                     (w2['w2'], w2['s2b'], w2['w3'], w2['s3b']))

    return jnp.transpose(out_t, (0, 2, 1))

# --- scband reference (transcript-rebuilt; emitter-appended) ---
"""Pipeline reference for scband-snippet-gcn-31430570672703 (READ-ONLY COPY).

The authoritative reference and input builder live on the scoring server;
editing this copy changes nothing except your own understanding.
"""

import jax, jax.numpy as jnp
import numpy as np

FEAT = 128
K = 6
GCN_G = 32
CONV_G = 4
B = 4
T = 2048
WIDTH = 4 * GCN_G


def _p(key, shape):
    return jax.random.normal(key, shape, dtype=jnp.float32) * 0.05


def setup_inputs(seed: int = 0):
    key = jax.random.key(seed)
    ks = jax.random.split(key, 40)
    params = {}
    params['bb_w'] = _p(ks[0], (FEAT, FEAT // CONV_G, 3))
    params['bb_b'] = _p(ks[1], (FEAT,))
    params['bn_g'] = jnp.ones((FEAT,), jnp.float32)
    params['bn_b'] = jnp.zeros((FEAT,), jnp.float32)
    i = 2
    for g in ('g1', 'g2'):
        params[g + '_t1_w'] = _p(ks[i], (WIDTH, FEAT, 1)); i += 1
        params[g + '_t1_b'] = _p(ks[i], (WIDTH,)); i += 1
        params[g + '_t2_w'] = _p(ks[i], (WIDTH, WIDTH // GCN_G, 3)); i += 1
        params[g + '_t2_b'] = _p(ks[i], (WIDTH,)); i += 1
        params[g + '_t3_w'] = _p(ks[i], (FEAT, WIDTH, 1)); i += 1
        params[g + '_t3_b'] = _p(ks[i], (FEAT,)); i += 1
        params[g + '_s1_w'] = _p(ks[i], (WIDTH, 2 * FEAT, 1, 1)); i += 1
        params[g + '_s1_b'] = _p(ks[i], (WIDTH,)); i += 1
        params[g + '_s2_w'] = _p(ks[i], (WIDTH, WIDTH // GCN_G, 1, 1)); i += 1
        params[g + '_s2_b'] = _p(ks[i], (WIDTH,)); i += 1
        params[g + '_s3_w'] = _p(ks[i], (FEAT, WIDTH, 1, 1)); i += 1
        params[g + '_s3_b'] = _p(ks[i], (FEAT,)); i += 1
    x = jax.random.normal(ks[30], (B, FEAT, T), dtype=jnp.float32)
    return {'snip_feature': x, 'params': params}


def conv1d(x, w, b, groups, pad):
    out = jax.lax.conv_general_dilated(x, w, (1,), [(pad, pad)], dimension_numbers=('NCH', 'OIH', 'NCH'), feature_group_count=groups)
    return out + b[None, :, None]


def conv2d(x, w, b, groups):
    out = jax.lax.conv_general_dilated(x, w, (1, 1), 'VALID', dimension_numbers=('NCHW', 'OIHW', 'NCHW'), feature_group_count=groups)
    return out + b[None, :, None, None]


def batchnorm1d_eval(x, g, b):
    return g[None, :, None] * x / jnp.sqrt(1.0 + 1e-05) + b[None, :, None]


def knn_idx(x, k):
    inner = -2.0 * jnp.einsum('bct,bcs->bts', x, x)
    xx = jnp.sum(x * x, axis=1, keepdims=True)
    pd = -xx - inner - jnp.transpose(xx, (0, 2, 1))
    _, idx = jax.lax.top_k(pd, k)
    return idx


def get_graph_feature(x, k):
    Bb, C, Tt = x.shape
    idx = knn_idx(x, k)
    xt = jnp.transpose(x, (0, 2, 1))
    feature = jax.vmap(lambda a, i: a[i])(xt, idx)
    xrep = jnp.broadcast_to(xt[:, :, None, :], (Bb, Tt, k, C))
    f = jnp.concatenate([feature, xrep], axis=3)
    return jnp.transpose(f, (0, 3, 1, 2))


def gcnext(x, p, g):
    identity = x
    h = jax.nn.relu(conv1d(x, p[g + '_t1_w'], p[g + '_t1_b'], 1, 0))
    h = jax.nn.relu(conv1d(h, p[g + '_t2_w'], p[g + '_t2_b'], GCN_G, 1))
    tout = conv1d(h, p[g + '_t3_w'], p[g + '_t3_b'], 1, 0)
    xf = get_graph_feature(x, K)
    s = jax.nn.relu(conv2d(xf, p[g + '_s1_w'], p[g + '_s1_b'], 1))
    s = jax.nn.relu(conv2d(s, p[g + '_s2_w'], p[g + '_s2_b'], GCN_G))
    s = conv2d(s, p[g + '_s3_w'], p[g + '_s3_b'], 1)
    sout = jnp.max(s, axis=-1)
    return jax.nn.relu(tout + identity + sout)


def reference(snip_feature, params):
    identity = snip_feature
    h = conv1d(snip_feature, params['bb_w'], params['bb_b'], CONV_G, 1)
    h = batchnorm1d_eval(h, params['bn_g'], params['bn_b'])
    h = jax.nn.relu(h)
    h = gcnext(h, params, 'g1')
    h = gcnext(h, params, 'g2')
    return h + identity

if __name__ == "__main__":
    import jax
    _d = setup_inputs()
    print(jax.jit(kernel)(*tuple(_d.values())))

</pallas_src>

<mosaic_0001>
#map = affine_map<(d0, d1) -> (0, 0)>
#map1 = affine_map<(d0, d1) -> (0)>
module attributes {stable_mosaic.version = 14 : i64} {
  func.func @gather_k(%arg0: i32, %arg1: i32, %arg2: memref<8192x128xf32, #tpu.memory_space<hbm>>, %arg3: memref<49152xi32, #tpu.memory_space<hbm>>, %arg4: memref<49152x128xf32, #tpu.memory_space<hbm>>, %arg5: memref<1536xi32, #tpu.memory_space<vmem>>, %arg6: memref<384x128xf32, #tpu.memory_space<vmem>>, %arg7: memref<384x128xf32, #tpu.memory_space<vmem>>, %arg8: memref<!tpu.dma_semaphore, #tpu.memory_space<semaphore_mem>>, %arg9: memref<!tpu.dma_semaphore, #tpu.memory_space<semaphore_mem>>, %arg10: memref<!tpu.dma_semaphore, #tpu.memory_space<semaphore_mem>>, %arg11: memref<!tpu.dma_semaphore, #tpu.memory_space<semaphore_mem>>) attributes {dimension_semantics = [#tpu.dimension_semantics<core_parallel>, #tpu.dimension_semantics<subcore_parallel>], iteration_bounds = array<i64: 2, 16>, scalar_prefetch = 0 : i64, scratch_operands = 7 : i64, tpu.core_type = #tpu.core_type<sc_vector_subcore>, window_params = [{transform_indices = #map}, {transform_indices = #map1}, {transform_indices = #map}]} {
    %mul3A = arith.constant 2 : i32
    %mul3A_0 = arith.muli %arg1, %mul3A : i32
    %add3A = arith.addi %mul3A_0, %arg0 : i32
    %mul3A_1 = arith.constant 1536 : i32
    %mul3A_2 = arith.muli %add3A, %mul3A_1 : i32
    "tpu.region"() ({
      %run_scoped3A = tpu.sem_alloc : memref<!tpu.dma_semaphore, #tpu.memory_space<semaphore_mem>>
      %dma_start3A_233 = tpu.memref_slice %arg3[%mul3A_2] : memref<49152xi32, #tpu.memory_space<hbm>> -> memref<1536xi32, #tpu.memory_space<hbm>>
      %dma_start3A_234 = tpu.memref_slice %arg3[%mul3A_2] : memref<49152xi32, #tpu.memory_space<hbm>> -> memref<1536xi32, #tpu.memory_space<hbm>>
      tpu.enqueue_dma source(%dma_start3A_234 : memref<1536xi32, #tpu.memory_space<hbm>>) target(%arg5 : memref<1536xi32, #tpu.memory_space<vmem>>) target_semaphore(%run_scoped3A : memref<!tpu.dma_semaphore, #tpu.memory_space<semaphore_mem>>)
      %dma_wait3A_235 = tpu.memref_slice %arg3[%mul3A_2] : memref<49152xi32, #tpu.memory_space<hbm>> -> memref<1536xi32, #tpu.memory_space<hbm>>
      %dma_wait3A_236 = tpu.memref_slice %arg3[%mul3A_2] : memref<49152xi32, #tpu.memory_space<hbm>> -> memref<1536xi32, #tpu.memory_space<hbm>>
      tpu.wait_dma2 semaphore(%run_scoped3A : memref<!tpu.dma_semaphore, #tpu.memory_space<semaphore_mem>>) src(%dma_wait3A_236 : memref<1536xi32, #tpu.memory_space<hbm>>) dst(%arg5 : memref<1536xi32, #tpu.memory_space<vmem>>)
      tpu.yield
    }) : () -> ()
    %dma_start3A = arith.constant 0 : i32
    %dma_start3A_3 = arith.constant 0 : i32
    %dma_start3A_4 = tpu.memref_slice %arg6[%dma_start3A, %dma_start3A_3] : memref<384x128xf32, #tpu.memory_space<vmem>> -> memref<128x128xf32, #tpu.memory_space<vmem>>
    %dma_start3A_5 = arith.constant 0 : i32
    %dma_start3A_6 = tpu.memref_slice %arg5[%dma_start3A_5] : memref<1536xi32, #tpu.memory_space<vmem>> -> memref<128xi32, #tpu.memory_space<vmem>>
    %dma_start3A_7 = arith.constant 0 : i32
    %dma_start3A_8 = arith.constant 0 : i32
    %dma_start3A_9 = tpu.memref_slice %arg2[%dma_start3A_7, %dma_start3A_8] : memref<8192x128xf32, #tpu.memory_space<hbm>> -> memref<8192x128xf32, #tpu.memory_space<hbm>>
    tpu.enqueue_indirect_dma source(%dma_start3A_9 : memref<8192x128xf32, #tpu.memory_space<hbm>>) target(%dma_start3A_4 : memref<128x128xf32, #tpu.memory_space<vmem>>) offsets(%dma_start3A_6 : memref<128xi32, #tpu.memory_space<vmem>>) semaphore(%arg8 : memref<!tpu.dma_semaphore, #tpu.memory_space<semaphore_mem>>)
    %dma_start3A_10 = arith.constant 128 : i32
    %dma_start3A_11 = arith.constant 0 : i32
    %dma_start3A_12 = tpu.memref_slice %arg6[%dma_start3A_10, %dma_start3A_11] : memref<384x128xf32, #tpu.memory_space<vmem>> -> memref<128x128xf32, #tpu.memory_space<vmem>>
    %dma_start3A_13 = arith.constant 128 : i32
    %dma_start3A_14 = tpu.memref_slice %arg5[%dma_start3A_13] : memref<1536xi32, #tpu.memory_space<vmem>> -> memref<128xi32, #tpu.memory_space<vmem>>
    %dma_start3A_15 = arith.constant 0 : i32
    %dma_start3A_16 = arith.constant 0 : i32
    %dma_start3A_17 = tpu.memref_slice %arg2[%dma_start3A_15, %dma_start3A_16] : memref<8192x128xf32, #tpu.memory_space<hbm>> -> memref<8192x128xf32, #tpu.memory_space<hbm>>
    tpu.enqueue_indirect_dma source(%dma_start3A_17 : memref<8192x128xf32, #tpu.memory_space<hbm>>) target(%dma_start3A_12 : memref<128x128xf32, #tpu.memory_space<vmem>>) offsets(%dma_start3A_14 : memref<128xi32, #tpu.memory_space<vmem>>) semaphore(%arg8 : memref<!tpu.dma_semaphore, #tpu.memory_space<semaphore_mem>>)
    %dma_start3A_18 = arith.constant 256 : i32
    %dma_start3A_19 = arith.constant 0 : i32
    %dma_start3A_20 = tpu.memref_slice %arg6[%dma_start3A_18, %dma_start3A_19] : memref<384x128xf32, #tpu.memory_space<vmem>> -> memref<128x128xf32, #tpu.memory_space<vmem>>
    %dma_start3A_21 = arith.constant 256 : i32
    %dma_start3A_22 = tpu.memref_slice %arg5[%dma_start3A_21] : memref<1536xi32, #tpu.memory_space<vmem>> -> memref<128xi32, #tpu.memory_space<vmem>>
    %dma_start3A_23 = arith.constant 0 : i32
    %dma_start3A_24 = arith.constant 0 : i32
    %dma_start3A_25 = tpu.memref_slice %arg2[%dma_start3A_23, %dma_start3A_24] : memref<8192x128xf32, #tpu.memory_space<hbm>> -> memref<8192x128xf32, #tpu.memory_space<hbm>>
    tpu.enqueue_indirect_dma source(%dma_start3A_25 : memref<8192x128xf32, #tpu.memory_space<hbm>>) target(%dma_start3A_20 : memref<128x128xf32, #tpu.memory_space<vmem>>) offsets(%dma_start3A_22 : memref<128xi32, #tpu.memory_space<vmem>>) semaphore(%arg8 : memref<!tpu.dma_semaphore, #tpu.memory_space<semaphore_mem>>)
    %dma_start3A_26 = arith.constant 0 : i32
    %dma_start3A_27 = arith.constant 0 : i32
    %dma_start3A_28 = tpu.memref_slice %arg7[%dma_start3A_26, %dma_start3A_27] : memref<384x128xf32, #tpu.memory_space<vmem>> -> memref<128x128xf32, #tpu.memory_space<vmem>>
    %dma_start3A_29 = arith.constant 384 : i32
    %dma_start3A_30 = tpu.memref_slice %arg5[%dma_start3A_29] : memref<1536xi32, #tpu.memory_space<vmem>> -> memref<128xi32, #tpu.memory_space<vmem>>
    %dma_start3A_31 = arith.constant 0 : i32
    %dma_start3A_32 = arith.constant 0 : i32
    %dma_start3A_33 = tpu.memref_slice %arg2[%dma_start3A_31, %dma_start3A_32] : memref<8192x128xf32, #tpu.memory_space<hbm>> -> memref<8192x128xf32, #tpu.memory_space<hbm>>
    tpu.enqueue_indirect_dma source(%dma_start3A_33 : memref<8192x128xf32, #tpu.memory_space<hbm>>) target(%dma_start3A_28 : memref<128x128xf32, #tpu.memory_space<vmem>>) offsets(%dma_start3A_30 : memref<128xi32, #tpu.memory_space<vmem>>) semaphore(%arg9 : memref<!tpu.dma_semaphore, #tpu.memory_space<semaphore_mem>>)
    %dma_start3A_34 = arith.constant 128 : i32
    %dma_start3A_35 = arith.constant 0 : i32
    %dma_start3A_36 = tpu.memref_slice %arg7[%dma_start3A_34, %dma_start3A_35] : memref<384x128xf32, #tpu.memory_space<vmem>> -> memref<128x128xf32, #tpu.memory_space<vmem>>
    %dma_start3A_37 = arith.constant 512 : i32
    %dma_start3A_38 = tpu.memref_slice %arg5[%dma_start3A_37] : memref<1536xi32, #tpu.memory_space<vmem>> -> memref<128xi32, #tpu.memory_space<vmem>>
    %dma_start3A_39 = arith.constant 0 : i32
    %dma_start3A_40 = arith.constant 0 : i32
    %dma_start3A_41 = tpu.memref_slice %arg2[%dma_start3A_39, %dma_start3A_40] : memref<8192x128xf32, #tpu.memory_space<hbm>> -> memref<8192x128xf32, #tpu.memory_space<hbm>>
    tpu.enqueue_indirect_dma source(%dma_start3A_41 : memref<8192x128xf32, #tpu.memory_space<hbm>>) target(%dma_start3A_36 : memref<128x128xf32, #tpu.memory_space<vmem>>) offsets(%dma_start3A_38 : memref<128xi32, #tpu.memory_space<vmem>>) semaphore(%arg9 : memref<!tpu.dma_semaphore, #tpu.memory_space<semaphore_mem>>)
    %dma_start3A_42 = arith.constant 256 : i32
    %dma_start3A_43 = arith.constant 0 : i32
    %dma_start3A_44 = tpu.memref_slice %arg7[%dma_start3A_42, %dma_start3A_43] : memref<384x128xf32, #tpu.memory_space<vmem>> -> memref<128x128xf32, #tpu.memory_space<vmem>>
    %dma_start3A_45 = arith.constant 640 : i32
    %dma_start3A_46 = tpu.memref_slice %arg5[%dma_start3A_45] : memref<1536xi32, #tpu.memory_space<vmem>> -> memref<128xi32, #tpu.memory_space<vmem>>
    %dma_start3A_47 = arith.constant 0 : i32
    %dma_start3A_48 = arith.constant 0 : i32
    %dma_start3A_49 = tpu.memref_slice %arg2[%dma_start3A_47, %dma_start3A_48] : memref<8192x128xf32, #tpu.memory_space<hbm>> -> memref<8192x128xf32, #tpu.memory_space<hbm>>
    tpu.enqueue_indirect_dma source(%dma_start3A_49 : memref<8192x128xf32, #tpu.memory_space<hbm>>) target(%dma_start3A_44 : memref<128x128xf32, #tpu.memory_space<vmem>>) offsets(%dma_start3A_46 : memref<128xi32, #tpu.memory_space<vmem>>) semaphore(%arg9 : memref<!tpu.dma_semaphore, #tpu.memory_space<semaphore_mem>>)
    %dma_wait3A = arith.constant 0 : i32
    %dma_wait3A_50 = arith.constant 0 : i32
    %dma_wait3A_51 = tpu.memref_slice %arg6[%dma_wait3A, %dma_wait3A_50] : memref<384x128xf32, #tpu.memory_space<vmem>> -> memref<128x128xf32, #tpu.memory_space<vmem>>
    %dma_wait3A_52 = arith.constant 0 : i32
    %dma_wait3A_53 = tpu.memref_slice %arg5[%dma_wait3A_52] : memref<1536xi32, #tpu.memory_space<vmem>> -> memref<128xi32, #tpu.memory_space<vmem>>
    %dma_wait3A_54 = arith.constant 0 : i32
    %dma_wait3A_55 = arith.constant 0 : i32
    %dma_wait3A_56 = tpu.memref_slice %arg2[%dma_wait3A_54, %dma_wait3A_55] : memref<8192x128xf32, #tpu.memory_space<hbm>> -> memref<8192x128xf32, #tpu.memory_space<hbm>>
    tpu.wait_indirect_dma semaphore(%arg8 : memref<!tpu.dma_semaphore, #tpu.memory_space<semaphore_mem>>) src(%dma_wait3A_56 : memref<8192x128xf32, #tpu.memory_space<hbm>>) dst(%dma_wait3A_51 : memref<128x128xf32, #tpu.memory_space<vmem>>)
    %dma_wait3A_57 = arith.constant 128 : i32
    %dma_wait3A_58 = arith.constant 0 : i32
    %dma_wait3A_59 = tpu.memref_slice %arg6[%dma_wait3A_57, %dma_wait3A_58] : memref<384x128xf32, #tpu.memory_space<vmem>> -> memref<128x128xf32, #tpu.memory_space<vmem>>
    %dma_wait3A_60 = arith.constant 128 : i32
    %dma_wait3A_61 = tpu.memref_slice %arg5[%dma_wait3A_60] : memref<1536xi32, #tpu.memory_space<vmem>> -> memref<128xi32, #tpu.memory_space<vmem>>
    %dma_wait3A_62 = arith.constant 0 : i32
    %dma_wait3A_63 = arith.constant 0 : i32
    %dma_wait3A_64 = tpu.memref_slice %arg2[%dma_wait3A_62, %dma_wait3A_63] : memref<8192x128xf32, #tpu.memory_space<hbm>> -> memref<8192x128xf32, #tpu.memory_space<hbm>>
    tpu.wait_indirect_dma semaphore(%arg8 : memref<!tpu.dma_semaphore, #tpu.memory_space<semaphore_mem>>) src(%dma_wait3A_64 : memref<8192x128xf32, #tpu.memory_space<hbm>>) dst(%dma_wait3A_59 : memref<128x128xf32, #tpu.memory_space<vmem>>)
    %dma_wait3A_65 = arith.constant 256 : i32
    %dma_wait3A_66 = arith.constant 0 : i32
    %dma_wait3A_67 = tpu.memref_slice %arg6[%dma_wait3A_65, %dma_wait3A_66] : memref<384x128xf32, #tpu.memory_space<vmem>> -> memref<128x128xf32, #tpu.memory_space<vmem>>
    %dma_wait3A_68 = arith.constant 256 : i32
    %dma_wait3A_69 = tpu.memref_slice %arg5[%dma_wait3A_68] : memref<1536xi32, #tpu.memory_space<vmem>> -> memref<128xi32, #tpu.memory_space<vmem>>
    %dma_wait3A_70 = arith.constant 0 : i32
    %dma_wait3A_71 = arith.constant 0 : i32
    %dma_wait3A_72 = tpu.memref_slice %arg2[%dma_wait3A_70, %dma_wait3A_71] : memref<8192x128xf32, #tpu.memory_space<hbm>> -> memref<8192x128xf32, #tpu.memory_space<hbm>>
    tpu.wait_indirect_dma semaphore(%arg8 : memref<!tpu.dma_semaphore, #tpu.memory_space<semaphore_mem>>) src(%dma_wait3A_72 : memref<8192x128xf32, #tpu.memory_space<hbm>>) dst(%dma_wait3A_67 : memref<128x128xf32, #tpu.memory_space<vmem>>)
    %add3A_73 = arith.constant 0 : i32
    %add3A_74 = arith.addi %mul3A_2, %add3A_73 : i32
    %dma_start3A_75 = arith.constant 0 : i32
    %dma_start3A_76 = tpu.memref_slice %arg4[%add3A_74, %dma_start3A_75] : memref<49152x128xf32, #tpu.memory_space<hbm>> -> memref<384x128xf32, #tpu.memory_space<hbm>>
    %dma_start3A_77 = arith.constant 0 : i32
    %dma_start3A_78 = tpu.memref_slice %arg4[%add3A_74, %dma_start3A_77] : memref<49152x128xf32, #tpu.memory_space<hbm>> -> memref<384x128xf32, #tpu.memory_space<hbm>>
    tpu.enqueue_dma source(%arg6 : memref<384x128xf32, #tpu.memory_space<vmem>>) target(%dma_start3A_78 : memref<384x128xf32, #tpu.memory_space<hbm>>) target_semaphore(%arg10 : memref<!tpu.dma_semaphore, #tpu.memory_space<semaphore_mem>>)
    %dma_wait3A_79 = arith.constant 0 : i32
    %dma_wait3A_80 = tpu.memref_slice %arg4[%add3A_74, %dma_wait3A_79] : memref<49152x128xf32, #tpu.memory_space<hbm>> -> memref<384x128xf32, #tpu.memory_space<hbm>>
    %dma_wait3A_81 = arith.constant 0 : i32
    %dma_wait3A_82 = tpu.memref_slice %arg4[%add3A_74, %dma_wait3A_81] : memref<49152x128xf32, #tpu.memory_space<hbm>> -> memref<384x128xf32, #tpu.memory_space<hbm>>
    tpu.wait_dma2 semaphore(%arg10 : memref<!tpu.dma_semaphore, #tpu.memory_space<semaphore_mem>>) src(%arg6 : memref<384x128xf32, #tpu.memory_space<vmem>>) dst(%dma_wait3A_82 : memref<384x128xf32, #tpu.memory_space<hbm>>)
    %dma_start3A_83 = arith.constant 0 : i32
    %dma_start3A_84 = arith.constant 0 : i32
    %dma_start3A_85 = tpu.memref_slice %arg6[%dma_start3A_83, %dma_start3A_84] : memref<384x128xf32, #tpu.memory_space<vmem>> -> memref<128x128xf32, #tpu.memory_space<vmem>>
    %dma_start3A_86 = arith.constant 768 : i32
    %dma_start3A_87 = tpu.memref_slice %arg5[%dma_start3A_86] : memref<1536xi32, #tpu.memory_space<vmem>> -> memref<128xi32, #tpu.memory_space<vmem>>
    %dma_start3A_88 = arith.constant 0 : i32
    %dma_start3A_89 = arith.constant 0 : i32
    %dma_start3A_90 = tpu.memref_slice %arg2[%dma_start3A_88, %dma_start3A_89] : memref<8192x128xf32, #tpu.memory_space<hbm>> -> memref<8192x128xf32, #tpu.memory_space<hbm>>
    tpu.enqueue_indirect_dma source(%dma_start3A_90 : memref<8192x128xf32, #tpu.memory_space<hbm>>) target(%dma_start3A_85 : memref<128x128xf32, #tpu.memory_space<vmem>>) offsets(%dma_start3A_87 : memref<128xi32, #tpu.memory_space<vmem>>) semaphore(%arg8 : memref<!tpu.dma_semaphore, #tpu.memory_space<semaphore_mem>>)
    %dma_start3A_91 = arith.constant 128 : i32
    %dma_start3A_92 = arith.constant 0 : i32
    %dma_start3A_93 = tpu.memref_slice %arg6[%dma_start3A_91, %dma_start3A_92] : memref<384x128xf32, #tpu.memory_space<vmem>> -> memref<128x128xf32, #tpu.memory_space<vmem>>
    %dma_start3A_94 = arith.constant 896 : i32
    %dma_start3A_95 = tpu.memref_slice %arg5[%dma_start3A_94] : memref<1536xi32, #tpu.memory_space<vmem>> -> memref<128xi32, #tpu.memory_space<vmem>>
    %dma_start3A_96 = arith.constant 0 : i32
    %dma_start3A_97 = arith.constant 0 : i32
    %dma_start3A_98 = tpu.memref_slice %arg2[%dma_start3A_96, %dma_start3A_97] : memref<8192x128xf32, #tpu.memory_space<hbm>> -> memref<8192x128xf32, #tpu.memory_space<hbm>>
    tpu.enqueue_indirect_dma source(%dma_start3A_98 : memref<8192x128xf32, #tpu.memory_space<hbm>>) target(%dma_start3A_93 : memref<128x128xf32, #tpu.memory_space<vmem>>) offsets(%dma_start3A_95 : memref<128xi32, #tpu.memory_space<vmem>>) semaphore(%arg8 : memref<!tpu.dma_semaphore, #tpu.memory_space<semaphore_mem>>)
    %dma_start3A_99 = arith.constant 256 : i32
    %dma_start3A_100 = arith.constant 0 : i32
    %dma_start3A_101 = tpu.memref_slice %arg6[%dma_start3A_99, %dma_start3A_100] : memref<384x128xf32, #tpu.memory_space<vmem>> -> memref<128x128xf32, #tpu.memory_space<vmem>>
    %dma_start3A_102 = arith.constant 1024 : i32
    %dma_start3A_103 = tpu.memref_slice %arg5[%dma_start3A_102] : memref<1536xi32, #tpu.memory_space<vmem>> -> memref<128xi32, #tpu.memory_space<vmem>>
    %dma_start3A_104 = arith.constant 0 : i32
    %dma_start3A_105 = arith.constant 0 : i32
    %dma_start3A_106 = tpu.memref_slice %arg2[%dma_start3A_104, %dma_start3A_105] : memref<8192x128xf32, #tpu.memory_space<hbm>> -> memref<8192x128xf32, #tpu.memory_space<hbm>>
    tpu.enqueue_indirect_dma source(%dma_start3A_106 : memref<8192x128xf32, #tpu.memory_space<hbm>>) target(%dma_start3A_101 : memref<128x128xf32, #tpu.memory_space<vmem>>) offsets(%dma_start3A_103 : memref<128xi32, #tpu.memory_space<vmem>>) semaphore(%arg8 : memref<!tpu.dma_semaphore, #tpu.memory_space<semaphore_mem>>)
    %dma_wait3A_107 = arith.constant 0 : i32
    %dma_wait3A_108 = arith.constant 0 : i32
    %dma_wait3A_109 = tpu.memref_slice %arg7[%dma_wait3A_107, %dma_wait3A_108] : memref<384x128xf32, #tpu.memory_space<vmem>> -> memref<128x128xf32, #tpu.memory_space<vmem>>
    %dma_wait3A_110 = arith.constant 384 : i32
    %dma_wait3A_111 = tpu.memref_slice %arg5[%dma_wait3A_110] : memref<1536xi32, #tpu.memory_space<vmem>> -> memref<128xi32, #tpu.memory_space<vmem>>
    %dma_wait3A_112 = arith.constant 0 : i32
    %dma_wait3A_113 = arith.constant 0 : i32
    %dma_wait3A_114 = tpu.memref_slice %arg2[%dma_wait3A_112, %dma_wait3A_113] : memref<8192x128xf32, #tpu.memory_space<hbm>> -> memref<8192x128xf32, #tpu.memory_space<hbm>>
    tpu.wait_indirect_dma semaphore(%arg9 : memref<!tpu.dma_semaphore, #tpu.memory_space<semaphore_mem>>) src(%dma_wait3A_114 : memref<8192x128xf32, #tpu.memory_space<hbm>>) dst(%dma_wait3A_109 : memref<128x128xf32, #tpu.memory_space<vmem>>)
    %dma_wait3A_115 = arith.constant 128 : i32
    %dma_wait3A_116 = arith.constant 0 : i32
    %dma_wait3A_117 = tpu.memref_slice %arg7[%dma_wait3A_115, %dma_wait3A_116] : memref<384x128xf32, #tpu.memory_space<vmem>> -> memref<128x128xf32, #tpu.memory_space<vmem>>
    %dma_wait3A_118 = arith.constant 512 : i32
    %dma_wait3A_119 = tpu.memref_slice %arg5[%dma_wait3A_118] : memref<1536xi32, #tpu.memory_space<vmem>> -> memref<128xi32, #tpu.memory_space<vmem>>
    %dma_wait3A_120 = arith.constant 0 : i32
    %dma_wait3A_121 = arith.constant 0 : i32
    %dma_wait3A_122 = tpu.memref_slice %arg2[%dma_wait3A_120, %dma_wait3A_121] : memref<8192x128xf32, #tpu.memory_space<hbm>> -> memref<8192x128xf32, #tpu.memory_space<hbm>>
    tpu.wait_indirect_dma semaphore(%arg9 : memref<!tpu.dma_semaphore, #tpu.memory_space<semaphore_mem>>) src(%dma_wait3A_122 : memref<8192x128xf32, #tpu.memory_space<hbm>>) dst(%dma_wait3A_117 : memref<128x128xf32, #tpu.memory_space<vmem>>)
    %dma_wait3A_123 = arith.constant 256 : i32
    %dma_wait3A_124 = arith.constant 0 : i32
    %dma_wait3A_125 = tpu.memref_slice %arg7[%dma_wait3A_123, %dma_wait3A_124] : memref<384x128xf32, #tpu.memory_space<vmem>> -> memref<128x128xf32, #tpu.memory_space<vmem>>
    %dma_wait3A_126 = arith.constant 640 : i32
    %dma_wait3A_127 = tpu.memref_slice %arg5[%dma_wait3A_126] : memref<1536xi32, #tpu.memory_space<vmem>> -> memref<128xi32, #tpu.memory_space<vmem>>
    %dma_wait3A_128 = arith.constant 0 : i32
    %dma_wait3A_129 = arith.constant 0 : i32
    %dma_wait3A_130 = tpu.memref_slice %arg2[%dma_wait3A_128, %dma_wait3A_129] : memref<8192x128xf32, #tpu.memory_space<hbm>> -> memref<8192x128xf32, #tpu.memory_space<hbm>>
    tpu.wait_indirect_dma semaphore(%arg9 : memref<!tpu.dma_semaphore, #tpu.memory_space<semaphore_mem>>) src(%dma_wait3A_130 : memref<8192x128xf32, #tpu.memory_space<hbm>>) dst(%dma_wait3A_125 : memref<128x128xf32, #tpu.memory_space<vmem>>)
    %add3A_131 = arith.constant 384 : i32
    %add3A_132 = arith.addi %mul3A_2, %add3A_131 : i32
    %dma_start3A_133 = arith.constant 0 : i32
    %dma_start3A_134 = tpu.memref_slice %arg4[%add3A_132, %dma_start3A_133] : memref<49152x128xf32, #tpu.memory_space<hbm>> -> memref<384x128xf32, #tpu.memory_space<hbm>>
    %dma_start3A_135 = arith.constant 0 : i32
    %dma_start3A_136 = tpu.memref_slice %arg4[%add3A_132, %dma_start3A_135] : memref<49152x128xf32, #tpu.memory_space<hbm>> -> memref<384x128xf32, #tpu.memory_space<hbm>>
    tpu.enqueue_dma source(%arg7 : memref<384x128xf32, #tpu.memory_space<vmem>>) target(%dma_start3A_136 : memref<384x128xf32, #tpu.memory_space<hbm>>) target_semaphore(%arg11 : memref<!tpu.dma_semaphore, #tpu.memory_space<semaphore_mem>>)
    %dma_wait3A_137 = arith.constant 0 : i32
    %dma_wait3A_138 = tpu.memref_slice %arg4[%add3A_132, %dma_wait3A_137] : memref<49152x128xf32, #tpu.memory_space<hbm>> -> memref<384x128xf32, #tpu.memory_space<hbm>>
    %dma_wait3A_139 = arith.constant 0 : i32
    %dma_wait3A_140 = tpu.memref_slice %arg4[%add3A_132, %dma_wait3A_139] : memref<49152x128xf32, #tpu.memory_space<hbm>> -> memref<384x128xf32, #tpu.memory_space<hbm>>
    tpu.wait_dma2 semaphore(%arg11 : memref<!tpu.dma_semaphore, #tpu.memory_space<semaphore_mem>>) src(%arg7 : memref<384x128xf32, #tpu.memory_space<vmem>>) dst(%dma_wait3A_140 : memref<384x128xf32, #tpu.memory_space<hbm>>)
    %dma_start3A_141 = arith.constant 0 : i32
    %dma_start3A_142 = arith.constant 0 : i32
    %dma_start3A_143 = tpu.memref_slice %arg7[%dma_start3A_141, %dma_start3A_142] : memref<384x128xf32, #tpu.memory_space<vmem>> -> memref<128x128xf32, #tpu.memory_space<vmem>>
    %dma_start3A_144 = arith.constant 1152 : i32
    %dma_start3A_145 = tpu.memref_slice %arg5[%dma_start3A_144] : memref<1536xi32, #tpu.memory_space<vmem>> -> memref<128xi32, #tpu.memory_space<vmem>>
    %dma_start3A_146 = arith.constant 0 : i32
    %dma_start3A_147 = arith.constant 0 : i32
    %dma_start3A_148 = tpu.memref_slice %arg2[%dma_start3A_146, %dma_start3A_147] : memref<8192x128xf32, #tpu.memory_space<hbm>> -> memref<8192x128xf32, #tpu.memory_space<hbm>>
    tpu.enqueue_indirect_dma source(%dma_start3A_148 : memref<8192x128xf32, #tpu.memory_space<hbm>>) target(%dma_start3A_143 : memref<128x128xf32, #tpu.memory_space<vmem>>) offsets(%dma_start3A_145 : memref<128xi32, #tpu.memory_space<vmem>>) semaphore(%arg9 : memref<!tpu.dma_semaphore, #tpu.memory_space<semaphore_mem>>)
    %dma_start3A_149 = arith.constant 128 : i32
    %dma_start3A_150 = arith.constant 0 : i32
    %dma_start3A_151 = tpu.memref_slice %arg7[%dma_start3A_149, %dma_start3A_150] : memref<384x128xf32, #tpu.memory_space<vmem>> -> memref<128x128xf32, #tpu.memory_space<vmem>>
    %dma_start3A_152 = arith.constant 1280 : i32
    %dma_start3A_153 = tpu.memref_slice %arg5[%dma_start3A_152] : memref<1536xi32, #tpu.memory_space<vmem>> -> memref<128xi32, #tpu.memory_space<vmem>>
    %dma_start3A_154 = arith.constant 0 : i32
    %dma_start3A_155 = arith.constant 0 : i32
    %dma_start3A_156 = tpu.memref_slice %arg2[%dma_start3A_154, %dma_start3A_155] : memref<8192x128xf32, #tpu.memory_space<hbm>> -> memref<8192x128xf32, #tpu.memory_space<hbm>>
    tpu.enqueue_indirect_dma source(%dma_start3A_156 : memref<8192x128xf32, #tpu.memory_space<hbm>>) target(%dma_start3A_151 : memref<128x128xf32, #tpu.memory_space<vmem>>) offsets(%dma_start3A_153 : memref<128xi32, #tpu.memory_space<vmem>>) semaphore(%arg9 : memref<!tpu.dma_semaphore, #tpu.memory_space<semaphore_mem>>)
    %dma_start3A_157 = arith.constant 256 : i32
    %dma_start3A_158 = arith.constant 0 : i32
    %dma_start3A_159 = tpu.memref_slice %arg7[%dma_start3A_157, %dma_start3A_158] : memref<384x128xf32, #tpu.memory_space<vmem>> -> memref<128x128xf32, #tpu.memory_space<vmem>>
    %dma_start3A_160 = arith.constant 1408 : i32
    %dma_start3A_161 = tpu.memref_slice %arg5[%dma_start3A_160] : memref<1536xi32, #tpu.memory_space<vmem>> -> memref<128xi32, #tpu.memory_space<vmem>>
    %dma_start3A_162 = arith.constant 0 : i32
    %dma_start3A_163 = arith.constant 0 : i32
    %dma_start3A_164 = tpu.memref_slice %arg2[%dma_start3A_162, %dma_start3A_163] : memref<8192x128xf32, #tpu.memory_space<hbm>> -> memref<8192x128xf32, #tpu.memory_space<hbm>>
    tpu.enqueue_indirect_dma source(%dma_start3A_164 : memref<8192x128xf32, #tpu.memory_space<hbm>>) target(%dma_start3A_159 : memref<128x128xf32, #tpu.memory_space<vmem>>) offsets(%dma_start3A_161 : memref<128xi32, #tpu.memory_space<vmem>>) semaphore(%arg9 : memref<!tpu.dma_semaphore, #tpu.memory_space<semaphore_mem>>)
    %dma_wait3A_165 = arith.constant 0 : i32
    %dma_wait3A_166 = arith.constant 0 : i32
    %dma_wait3A_167 = tpu.memref_slice %arg6[%dma_wait3A_165, %dma_wait3A_166] : memref<384x128xf32, #tpu.memory_space<vmem>> -> memref<128x128xf32, #tpu.memory_space<vmem>>
    %dma_wait3A_168 = arith.constant 768 : i32
    %dma_wait3A_169 = tpu.memref_slice %arg5[%dma_wait3A_168] : memref<1536xi32, #tpu.memory_space<vmem>> -> memref<128xi32, #tpu.memory_space<vmem>>
    %dma_wait3A_170 = arith.constant 0 : i32
    %dma_wait3A_171 = arith.constant 0 : i32
    %dma_wait3A_172 = tpu.memref_slice %arg2[%dma_wait3A_170, %dma_wait3A_171] : memref<8192x128xf32, #tpu.memory_space<hbm>> -> memref<8192x128xf32, #tpu.memory_space<hbm>>
    tpu.wait_indirect_dma semaphore(%arg8 : memref<!tpu.dma_semaphore, #tpu.memory_space<semaphore_mem>>) src(%dma_wait3A_172 : memref<8192x128xf32, #tpu.memory_space<hbm>>) dst(%dma_wait3A_167 : memref<128x128xf32, #tpu.memory_space<vmem>>)
    %dma_wait3A_173 = arith.constant 128 : i32
    %dma_wait3A_174 = arith.constant 0 : i32
    %dma_wait3A_175 = tpu.memref_slice %arg6[%dma_wait3A_173, %dma_wait3A_174] : memref<384x128xf32, #tpu.memory_space<vmem>> -> memref<128x128xf32, #tpu.memory_space<vmem>>
    %dma_wait3A_176 = arith.constant 896 : i32
    %dma_wait3A_177 = tpu.memref_slice %arg5[%dma_wait3A_176] : memref<1536xi32, #tpu.memory_space<vmem>> -> memref<128xi32, #tpu.memory_space<vmem>>
    %dma_wait3A_178 = arith.constant 0 : i32
    %dma_wait3A_179 = arith.constant 0 : i32
    %dma_wait3A_180 = tpu.memref_slice %arg2[%dma_wait3A_178, %dma_wait3A_179] : memref<8192x128xf32, #tpu.memory_space<hbm>> -> memref<8192x128xf32, #tpu.memory_space<hbm>>
    tpu.wait_indirect_dma semaphore(%arg8 : memref<!tpu.dma_semaphore, #tpu.memory_space<semaphore_mem>>) src(%dma_wait3A_180 : memref<8192x128xf32, #tpu.memory_space<hbm>>) dst(%dma_wait3A_175 : memref<128x128xf32, #tpu.memory_space<vmem>>)
    %dma_wait3A_181 = arith.constant 256 : i32
    %dma_wait3A_182 = arith.constant 0 : i32
    %dma_wait3A_183 = tpu.memref_slice %arg6[%dma_wait3A_181, %dma_wait3A_182] : memref<384x128xf32, #tpu.memory_space<vmem>> -> memref<128x128xf32, #tpu.memory_space<vmem>>
    %dma_wait3A_184 = arith.constant 1024 : i32
    %dma_wait3A_185 = tpu.memref_slice %arg5[%dma_wait3A_184] : memref<1536xi32, #tpu.memory_space<vmem>> -> memref<128xi32, #tpu.memory_space<vmem>>
    %dma_wait3A_186 = arith.constant 0 : i32
    %dma_wait3A_187 = arith.constant 0 : i32
    %dma_wait3A_188 = tpu.memref_slice %arg2[%dma_wait3A_186, %dma_wait3A_187] : memref<8192x128xf32, #tpu.memory_space<hbm>> -> memref<8192x128xf32, #tpu.memory_space<hbm>>
    tpu.wait_indirect_dma semaphore(%arg8 : memref<!tpu.dma_semaphore, #tpu.memory_space<semaphore_mem>>) src(%dma_wait3A_188 : memref<8192x128xf32, #tpu.memory_space<hbm>>) dst(%dma_wait3A_183 : memref<128x128xf32, #tpu.memory_space<vmem>>)
    %add3A_189 = arith.constant 768 : i32
    %add3A_190 = arith.addi %mul3A_2, %add3A_189 : i32
    %dma_start3A_191 = arith.constant 0 : i32
    %dma_start3A_192 = tpu.memref_slice %arg4[%add3A_190, %dma_start3A_191] : memref<49152x128xf32, #tpu.memory_space<hbm>> -> memref<384x128xf32, #tpu.memory_space<hbm>>
    %dma_start3A_193 = arith.constant 0 : i32
    %dma_start3A_194 = tpu.memref_slice %arg4[%add3A_190, %dma_start3A_193] : memref<49152x128xf32, #tpu.memory_space<hbm>> -> memref<384x128xf32, #tpu.memory_space<hbm>>
    tpu.enqueue_dma source(%arg6 : memref<384x128xf32, #tpu.memory_space<vmem>>) target(%dma_start3A_194 : memref<384x128xf32, #tpu.memory_space<hbm>>) target_semaphore(%arg10 : memref<!tpu.dma_semaphore, #tpu.memory_space<semaphore_mem>>)
    %dma_wait3A_195 = arith.constant 0 : i32
    %dma_wait3A_196 = arith.constant 0 : i32
    %dma_wait3A_197 = tpu.memref_slice %arg7[%dma_wait3A_195, %dma_wait3A_196] : memref<384x128xf32, #tpu.memory_space<vmem>> -> memref<128x128xf32, #tpu.memory_space<vmem>>
    %dma_wait3A_198 = arith.constant 1152 : i32
    %dma_wait3A_199 = tpu.memref_slice %arg5[%dma_wait3A_198] : memref<1536xi32, #tpu.memory_space<vmem>> -> memref<128xi32, #tpu.memory_space<vmem>>
    %dma_wait3A_200 = arith.constant 0 : i32
    %dma_wait3A_201 = arith.constant 0 : i32
    %dma_wait3A_202 = tpu.memref_slice %arg2[%dma_wait3A_200, %dma_wait3A_201] : memref<8192x128xf32, #tpu.memory_space<hbm>> -> memref<8192x128xf32, #tpu.memory_space<hbm>>
    tpu.wait_indirect_dma semaphore(%arg9 : memref<!tpu.dma_semaphore, #tpu.memory_space<semaphore_mem>>) src(%dma_wait3A_202 : memref<8192x128xf32, #tpu.memory_space<hbm>>) dst(%dma_wait3A_197 : memref<128x128xf32, #tpu.memory_space<vmem>>)
    %dma_wait3A_203 = arith.constant 128 : i32
    %dma_wait3A_204 = arith.constant 0 : i32
    %dma_wait3A_205 = tpu.memref_slice %arg7[%dma_wait3A_203, %dma_wait3A_204] : memref<384x128xf32, #tpu.memory_space<vmem>> -> memref<128x128xf32, #tpu.memory_space<vmem>>
    %dma_wait3A_206 = arith.constant 1280 : i32
    %dma_wait3A_207 = tpu.memref_slice %arg5[%dma_wait3A_206] : memref<1536xi32, #tpu.memory_space<vmem>> -> memref<128xi32, #tpu.memory_space<vmem>>
    %dma_wait3A_208 = arith.constant 0 : i32
    %dma_wait3A_209 = arith.constant 0 : i32
    %dma_wait3A_210 = tpu.memref_slice %arg2[%dma_wait3A_208, %dma_wait3A_209] : memref<8192x128xf32, #tpu.memory_space<hbm>> -> memref<8192x128xf32, #tpu.memory_space<hbm>>
    tpu.wait_indirect_dma semaphore(%arg9 : memref<!tpu.dma_semaphore, #tpu.memory_space<semaphore_mem>>) src(%dma_wait3A_210 : memref<8192x128xf32, #tpu.memory_space<hbm>>) dst(%dma_wait3A_205 : memref<128x128xf32, #tpu.memory_space<vmem>>)
    %dma_wait3A_211 = arith.constant 256 : i32
    %dma_wait3A_212 = arith.constant 0 : i32
    %dma_wait3A_213 = tpu.memref_slice %arg7[%dma_wait3A_211, %dma_wait3A_212] : memref<384x128xf32, #tpu.memory_space<vmem>> -> memref<128x128xf32, #tpu.memory_space<vmem>>
    %dma_wait3A_214 = arith.constant 1408 : i32
    %dma_wait3A_215 = tpu.memref_slice %arg5[%dma_wait3A_214] : memref<1536xi32, #tpu.memory_space<vmem>> -> memref<128xi32, #tpu.memory_space<vmem>>
    %dma_wait3A_216 = arith.constant 0 : i32
    %dma_wait3A_217 = arith.constant 0 : i32
    %dma_wait3A_218 = tpu.memref_slice %arg2[%dma_wait3A_216, %dma_wait3A_217] : memref<8192x128xf32, #tpu.memory_space<hbm>> -> memref<8192x128xf32, #tpu.memory_space<hbm>>
    tpu.wait_indirect_dma semaphore(%arg9 : memref<!tpu.dma_semaphore, #tpu.memory_space<semaphore_mem>>) src(%dma_wait3A_218 : memref<8192x128xf32, #tpu.memory_space<hbm>>) dst(%dma_wait3A_213 : memref<128x128xf32, #tpu.memory_space<vmem>>)
    %add3A_219 = arith.constant 1152 : i32
    %add3A_220 = arith.addi %mul3A_2, %add3A_219 : i32
    %dma_start3A_221 = arith.constant 0 : i32
    %dma_start3A_222 = tpu.memref_slice %arg4[%add3A_220, %dma_start3A_221] : memref<49152x128xf32, #tpu.memory_space<hbm>> -> memref<384x128xf32, #tpu.memory_space<hbm>>
    %dma_start3A_223 = arith.constant 0 : i32
    %dma_start3A_224 = tpu.memref_slice %arg4[%add3A_220, %dma_start3A_223] : memref<49152x128xf32, #tpu.memory_space<hbm>> -> memref<384x128xf32, #tpu.memory_space<hbm>>
    tpu.enqueue_dma source(%arg7 : memref<384x128xf32, #tpu.memory_space<vmem>>) target(%dma_start3A_224 : memref<384x128xf32, #tpu.memory_space<hbm>>) target_semaphore(%arg11 : memref<!tpu.dma_semaphore, #tpu.memory_space<semaphore_mem>>)
    %dma_wait3A_225 = arith.constant 0 : i32
    %dma_wait3A_226 = tpu.memref_slice %arg4[%add3A_190, %dma_wait3A_225] : memref<49152x128xf32, #tpu.memory_space<hbm>> -> memref<384x128xf32, #tpu.memory_space<hbm>>
    %dma_wait3A_227 = arith.constant 0 : i32
    %dma_wait3A_228 = tpu.memref_slice %arg4[%add3A_190, %dma_wait3A_227] : memref<49152x128xf32, #tpu.memory_space<hbm>> -> memref<384x128xf32, #tpu.memory_space<hbm>>
    tpu.wait_dma2 semaphore(%arg10 : memref<!tpu.dma_semaphore, #tpu.memory_space<semaphore_mem>>) src(%arg6 : memref<384x128xf32, #tpu.memory_space<vmem>>) dst(%dma_wait3A_228 : memref<384x128xf32, #tpu.memory_space<hbm>>)
    %dma_wait3A_229 = arith.constant 0 : i32
    %dma_wait3A_230 = tpu.memref_slice %arg4[%add3A_220, %dma_wait3A_229] : memref<49152x128xf32, #tpu.memory_space<hbm>> -> memref<384x128xf32, #tpu.memory_space<hbm>>
    %dma_wait3A_231 = arith.constant 0 : i32
    %dma_wait3A_232 = tpu.memref_slice %arg4[%add3A_220, %dma_wait3A_231] : memref<49152x128xf32, #tpu.memory_space<hbm>> -> memref<384x128xf32, #tpu.memory_space<hbm>>
    tpu.wait_dma2 semaphore(%arg11 : memref<!tpu.dma_semaphore, #tpu.memory_space<semaphore_mem>>) src(%arg7 : memref<384x128xf32, #tpu.memory_space<vmem>>) dst(%dma_wait3A_232 : memref<384x128xf32, #tpu.memory_space<hbm>>)
    return
  }
}

#map = affine_map<(d0, d1) -> (0, 0)>
#map1 = affine_map<(d0, d1) -> (0)>
module attributes {stable_mosaic.version = 14 : i64} {
  func.func @gather_k(%arg0: i32, %arg1: i32, %arg2: memref<8192x128xf32, #tpu.memory_space<hbm>>, %arg3: memref<49152xi32, #tpu.memory_space<hbm>>, %arg4: memref<49152x128xf32, #tpu.memory_space<hbm>>, %arg5: memref<1536xi32, #tpu.memory_space<vmem>>, %arg6: memref<384x128xf32, #tpu.memory_space<vmem>>, %arg7: memref<384x128xf32, #tpu.memory_space<vmem>>, %arg8: memref<!tpu.dma_semaphore, #tpu.memory_space<semaphore_mem>>, %arg9: memref<!tpu.dma_semaphore, #tpu.memory_space<semaphore_mem>>, %arg10: memref<!tpu.dma_semaphore, #tpu.memory_space<semaphore_mem>>, %arg11: memref<!tpu.dma_semaphore, #tpu.memory_space<semaphore_mem>>) attributes {dimension_semantics = [#tpu.dimension_semantics<core_parallel>, #tpu.dimension_semantics<subcore_parallel>], iteration_bounds = array<i64: 2, 16>, scalar_prefetch = 0 : i64, scratch_operands = 7 : i64, tpu.core_type = #tpu.core_type<sc_vector_subcore>, window_params = [{transform_indices = #map}, {transform_indices = #map1}, {transform_indices = #map}]} {
    %mul3A = arith.constant 2 : i32
    %mul3A_0 = arith.muli %arg1, %mul3A : i32
    %add3A = arith.addi %mul3A_0, %arg0 : i32
    %mul3A_1 = arith.constant 1536 : i32
    %mul3A_2 = arith.muli %add3A, %mul3A_1 : i32
    "tpu.region"() ({
      %run_scoped3A = tpu.sem_alloc : memref<!tpu.dma_semaphore, #tpu.memory_space<semaphore_mem>>
      %dma_start3A_233 = tpu.memref_slice %arg3[%mul3A_2] : memref<49152xi32, #tpu.memory_space<hbm>> -> memref<1536xi32, #tpu.memory_space<hbm>>
      %dma_start3A_234 = tpu.memref_slice %arg3[%mul3A_2] : memref<49152xi32, #tpu.memory_space<hbm>> -> memref<1536xi32, #tpu.memory_space<hbm>>
      tpu.enqueue_dma source(%dma_start3A_234 : memref<1536xi32, #tpu.memory_space<hbm>>) target(%arg5 : memref<1536xi32, #tpu.memory_space<vmem>>) target_semaphore(%run_scoped3A : memref<!tpu.dma_semaphore, #tpu.memory_space<semaphore_mem>>)
      %dma_wait3A_235 = tpu.memref_slice %arg3[%mul3A_2] : memref<49152xi32, #tpu.memory_space<hbm>> -> memref<1536xi32, #tpu.memory_space<hbm>>
      %dma_wait3A_236 = tpu.memref_slice %arg3[%mul3A_2] : memref<49152xi32, #tpu.memory_space<hbm>> -> memref<1536xi32, #tpu.memory_space<hbm>>
      tpu.wait_dma2 semaphore(%run_scoped3A : memref<!tpu.dma_semaphore, #tpu.memory_space<semaphore_mem>>) src(%dma_wait3A_236 : memref<1536xi32, #tpu.memory_space<hbm>>) dst(%arg5 : memref<1536xi32, #tpu.memory_space<vmem>>)
      tpu.yield
    }) : () -> ()
    %dma_start3A = arith.constant 0 : i32
    %dma_start3A_3 = arith.constant 0 : i32
    %dma_start3A_4 = tpu.memref_slice %arg6[%dma_start3A, %dma_start3A_3] : memref<384x128xf32, #tpu.memory_space<vmem>> -> memref<128x128xf32, #tpu.memory_space<vmem>>
    %dma_start3A_5 = arith.constant 0 : i32
    %dma_start3A_6 = tpu.memref_slice %arg5[%dma_start3A_5] : memref<1536xi32, #tpu.memory_space<vmem>> -> memref<128xi32, #tpu.memory_space<vmem>>
    %dma_start3A_7 = arith.constant 0 : i32
    %dma_start3A_8 = arith.constant 0 : i32
    %dma_start3A_9 = tpu.memref_slice %arg2[%dma_start3A_7, %dma_start3A_8] : memref<8192x128xf32, #tpu.memory_space<hbm>> -> memref<8192x128xf32, #tpu.memory_space<hbm>>
    tpu.enqueue_indirect_dma source(%dma_start3A_9 : memref<8192x128xf32, #tpu.memory_space<hbm>>) target(%dma_start3A_4 : memref<128x128xf32, #tpu.memory_space<vmem>>) offsets(%dma_start3A_6 : memref<128xi32, #tpu.memory_space<vmem>>) semaphore(%arg8 : memref<!tpu.dma_semaphore, #tpu.memory_space<semaphore_mem>>)
    %dma_start3A_10 = arith.constant 128 : i32
    %dma_start3A_11 = arith.constant 0 : i32
    %dma_start3A_12 = tpu.memref_slice %arg6[%dma_start3A_10, %dma_start3A_11] : memref<384x128xf32, #tpu.memory_space<vmem>> -> memref<128x128xf32, #tpu.memory_space<vmem>>
    %dma_start3A_13 = arith.constant 128 : i32
    %dma_start3A_14 = tpu.memref_slice %arg5[%dma_start3A_13] : memref<1536xi32, #tpu.memory_space<vmem>> -> memref<128xi32, #tpu.memory_space<vmem>>
    %dma_start3A_15 = arith.constant 0 : i32
    %dma_start3A_16 = arith.constant 0 : i32
    %dma_start3A_17 = tpu.memref_slice %arg2[%dma_start3A_15, %dma_start3A_16] : memref<8192x128xf32, #tpu.memory_space<hbm>> -> memref<8192x128xf32, #tpu.memory_space<hbm>>
    tpu.enqueue_indirect_dma source(%dma_start3A_17 : memref<8192x128xf32, #tpu.memory_space<hbm>>) target(%dma_start3A_12 : memref<128x128xf32, #tpu.memory_space<vmem>>) offsets(%dma_start3A_14 : memref<128xi32, #tpu.memory_space<vmem>>) semaphore(%arg8 : memref<!tpu.dma_semaphore, #tpu.memory_space<semaphore_mem>>)
    %dma_start3A_18 = arith.constant 256 : i32
    %dma_start3A_19 = arith.constant 0 : i32
    %dma_start3A_20 = tpu.memref_slice %arg6[%dma_start3A_18, %dma_start3A_19] : memref<384x128xf32, #tpu.memory_space<vmem>> -> memref<128x128xf32, #tpu.memory_space<vmem>>
    %dma_start3A_21 = arith.constant 256 : i32
    %dma_start3A_22 = tpu.memref_slice %arg5[%dma_start3A_21] : memref<1536xi32, #tpu.memory_space<vmem>> -> memref<128xi32, #tpu.memory_space<vmem>>
    %dma_start3A_23 = arith.constant 0 : i32
    %dma_start3A_24 = arith.constant 0 : i32
    %dma_start3A_25 = tpu.memref_slice %arg2[%dma_start3A_23, %dma_start3A_24] : memref<8192x128xf32, #tpu.memory_space<hbm>> -> memref<8192x128xf32, #tpu.memory_space<hbm>>
    tpu.enqueue_indirect_dma source(%dma_start3A_25 : memref<8192x128xf32, #tpu.memory_space<hbm>>) target(%dma_start3A_20 : memref<128x128xf32, #tpu.memory_space<vmem>>) offsets(%dma_start3A_22 : memref<128xi32, #tpu.memory_space<vmem>>) semaphore(%arg8 : memref<!tpu.dma_semaphore, #tpu.memory_space<semaphore_mem>>)
    %dma_start3A_26 = arith.constant 0 : i32
    %dma_start3A_27 = arith.constant 0 : i32
    %dma_start3A_28 = tpu.memref_slice %arg7[%dma_start3A_26, %dma_start3A_27] : memref<384x128xf32, #tpu.memory_space<vmem>> -> memref<128x128xf32, #tpu.memory_space<vmem>>
    %dma_start3A_29 = arith.constant 384 : i32
    %dma_start3A_30 = tpu.memref_slice %arg5[%dma_start3A_29] : memref<1536xi32, #tpu.memory_space<vmem>> -> memref<128xi32, #tpu.memory_space<vmem>>
    %dma_start3A_31 = arith.constant 0 : i32
    %dma_start3A_32 = arith.constant 0 : i32
    %dma_start3A_33 = tpu.memref_slice %arg2[%dma_start3A_31, %dma_start3A_32] : memref<8192x128xf32, #tpu.memory_space<hbm>> -> memref<8192x128xf32, #tpu.memory_space<hbm>>
    tpu.enqueue_indirect_dma source(%dma_start3A_33 : memref<8192x128xf32, #tpu.memory_space<hbm>>) target(%dma_start3A_28 : memref<128x128xf32, #tpu.memory_space<vmem>>) offsets(%dma_start3A_30 : memref<128xi32, #tpu.memory_space<vmem>>) semaphore(%arg9 : memref<!tpu.dma_semaphore, #tpu.memory_space<semaphore_mem>>)
    %dma_start3A_34 = arith.constant 128 : i32
    %dma_start3A_35 = arith.constant 0 : i32
    %dma_start3A_36 = tpu.memref_slice %arg7[%dma_start3A_34, %dma_start3A_35] : memref<384x128xf32, #tpu.memory_space<vmem>> -> memref<128x128xf32, #tpu.memory_space<vmem>>
    %dma_start3A_37 = arith.constant 512 : i32
    %dma_start3A_38 = tpu.memref_slice %arg5[%dma_start3A_37] : memref<1536xi32, #tpu.memory_space<vmem>> -> memref<128xi32, #tpu.memory_space<vmem>>
    %dma_start3A_39 = arith.constant 0 : i32
    %dma_start3A_40 = arith.constant 0 : i32
    %dma_start3A_41 = tpu.memref_slice %arg2[%dma_start3A_39, %dma_start3A_40] : memref<8192x128xf32, #tpu.memory_space<hbm>> -> memref<8192x128xf32, #tpu.memory_space<hbm>>
    tpu.enqueue_indirect_dma source(%dma_start3A_41 : memref<8192x128xf32, #tpu.memory_space<hbm>>) target(%dma_start3A_36 : memref<128x128xf32, #tpu.memory_space<vmem>>) offsets(%dma_start3A_38 : memref<128xi32, #tpu.memory_space<vmem>>) semaphore(%arg9 : memref<!tpu.dma_semaphore, #tpu.memory_space<semaphore_mem>>)
    %dma_start3A_42 = arith.constant 256 : i32
    %dma_start3A_43 = arith.constant 0 : i32
    %dma_start3A_44 = tpu.memref_slice %arg7[%dma_start3A_42, %dma_start3A_43] : memref<384x128xf32, #tpu.memory_space<vmem>> -> memref<128x128xf32, #tpu.memory_space<vmem>>
    %dma_start3A_45 = arith.constant 640 : i32
    %dma_start3A_46 = tpu.memref_slice %arg5[%dma_start3A_45] : memref<1536xi32, #tpu.memory_space<vmem>> -> memref<128xi32, #tpu.memory_space<vmem>>
    %dma_start3A_47 = arith.constant 0 : i32
    %dma_start3A_48 = arith.constant 0 : i32
    %dma_start3A_49 = tpu.memref_slice %arg2[%dma_start3A_47, %dma_start3A_48] : memref<8192x128xf32, #tpu.memory_space<hbm>> -> memref<8192x128xf32, #tpu.memory_space<hbm>>
    tpu.enqueue_indirect_dma source(%dma_start3A_49 : memref<8192x128xf32, #tpu.memory_space<hbm>>) target(%dma_start3A_44 : memref<128x128xf32, #tpu.memory_space<vmem>>) offsets(%dma_start3A_46 : memref<128xi32, #tpu.memory_space<vmem>>) semaphore(%arg9 : memref<!tpu.dma_semaphore, #tpu.memory_space<semaphore_mem>>)
    %dma_wait3A = arith.constant 0 : i32
    %dma_wait3A_50 = arith.constant 0 : i32
    %dma_wait3A_51 = tpu.memref_slice %arg6[%dma_wait3A, %dma_wait3A_50] : memref<384x128xf32, #tpu.memory_space<vmem>> -> memref<128x128xf32, #tpu.memory_space<vmem>>
    %dma_wait3A_52 = arith.constant 0 : i32
    %dma_wait3A_53 = tpu.memref_slice %arg5[%dma_wait3A_52] : memref<1536xi32, #tpu.memory_space<vmem>> -> memref<128xi32, #tpu.memory_space<vmem>>
    %dma_wait3A_54 = arith.constant 0 : i32
    %dma_wait3A_55 = arith.constant 0 : i32
    %dma_wait3A_56 = tpu.memref_slice %arg2[%dma_wait3A_54, %dma_wait3A_55] : memref<8192x128xf32, #tpu.memory_space<hbm>> -> memref<8192x128xf32, #tpu.memory_space<hbm>>
    tpu.wait_indirect_dma semaphore(%arg8 : memref<!tpu.dma_semaphore, #tpu.memory_space<semaphore_mem>>) src(%dma_wait3A_56 : memref<8192x128xf32, #tpu.memory_space<hbm>>) dst(%dma_wait3A_51 : memref<128x128xf32, #tpu.memory_space<vmem>>)
    %dma_wait3A_57 = arith.constant 128 : i32
    %dma_wait3A_58 = arith.constant 0 : i32
    %dma_wait3A_59 = tpu.memref_slice %arg6[%dma_wait3A_57, %dma_wait3A_58] : memref<384x128xf32, #tpu.memory_space<vmem>> -> memref<128x128xf32, #tpu.memory_space<vmem>>
    %dma_wait3A_60 = arith.constant 128 : i32
    %dma_wait3A_61 = tpu.memref_slice %arg5[%dma_wait3A_60] : memref<1536xi32, #tpu.memory_space<vmem>> -> memref<128xi32, #tpu.memory_space<vmem>>
    %dma_wait3A_62 = arith.constant 0 : i32
    %dma_wait3A_63 = arith.constant 0 : i32
    %dma_wait3A_64 = tpu.memref_slice %arg2[%dma_wait3A_62, %dma_wait3A_63] : memref<8192x128xf32, #tpu.memory_space<hbm>> -> memref<8192x128xf32, #tpu.memory_space<hbm>>
    tpu.wait_indirect_dma semaphore(%arg8 : memref<!tpu.dma_semaphore, #tpu.memory_space<semaphore_mem>>) src(%dma_wait3A_64 : memref<8192x128xf32, #tpu.memory_space<hbm>>) dst(%dma_wait3A_59 : memref<128x128xf32, #tpu.memory_space<vmem>>)
    %dma_wait3A_65 = arith.constant 256 : i32
    %dma_wait3A_66 = arith.constant 0 : i32
    %dma_wait3A_67 = tpu.memref_slice %arg6[%dma_wait3A_65, %dma_wait3A_66] : memref<384x128xf32, #tpu.memory_space<vmem>> -> memref<128x128xf32, #tpu.memory_space<vmem>>
    %dma_wait3A_68 = arith.constant 256 : i32
    %dma_wait3A_69 = tpu.memref_slice %arg5[%dma_wait3A_68] : memref<1536xi32, #tpu.memory_space<vmem>> -> memref<128xi32, #tpu.memory_space<vmem>>
    %dma_wait3A_70 = arith.constant 0 : i32
    %dma_wait3A_71 = arith.constant 0 : i32
    %dma_wait3A_72 = tpu.memref_slice %arg2[%dma_wait3A_70, %dma_wait3A_71] : memref<8192x128xf32, #tpu.memory_space<hbm>> -> memref<8192x128xf32, #tpu.memory_space<hbm>>
    tpu.wait_indirect_dma semaphore(%arg8 : memref<!tpu.dma_semaphore, #tpu.memory_space<semaphore_mem>>) src(%dma_wait3A_72 : memref<8192x128xf32, #tpu.memory_space<hbm>>) dst(%dma_wait3A_67 : memref<128x128xf32, #tpu.memory_space<vmem>>)
    %add3A_73 = arith.constant 0 : i32
    %add3A_74 = arith.addi %mul3A_2, %add3A_73 : i32
    %dma_start3A_75 = arith.constant 0 : i32
    %dma_start3A_76 = tpu.memref_slice %arg4[%add3A_74, %dma_start3A_75] : memref<49152x128xf32, #tpu.memory_space<hbm>> -> memref<384x128xf32, #tpu.memory_space<hbm>>
    %dma_start3A_77 = arith.constant 0 : i32
    %dma_start3A_78 = tpu.memref_slice %arg4[%add3A_74, %dma_start3A_77] : memref<49152x128xf32, #tpu.memory_space<hbm>> -> memref<384x128xf32, #tpu.memory_space<hbm>>
    tpu.enqueue_dma source(%arg6 : memref<384x128xf32, #tpu.memory_space<vmem>>) target(%dma_start3A_78 : memref<384x128xf32, #tpu.memory_space<hbm>>) target_semaphore(%arg10 : memref<!tpu.dma_semaphore, #tpu.memory_space<semaphore_mem>>)
    %dma_wait3A_79 = arith.constant 0 : i32
    %dma_wait3A_80 = tpu.memref_slice %arg4[%add3A_74, %dma_wait3A_79] : memref<49152x128xf32, #tpu.memory_space<hbm>> -> memref<384x128xf32, #tpu.memory_space<hbm>>
    %dma_wait3A_81 = arith.constant 0 : i32
    %dma_wait3A_82 = tpu.memref_slice %arg4[%add3A_74, %dma_wait3A_81] : memref<49152x128xf32, #tpu.memory_space<hbm>> -> memref<384x128xf32, #tpu.memory_space<hbm>>
    tpu.wait_dma2 semaphore(%arg10 : memref<!tpu.dma_semaphore, #tpu.memory_space<semaphore_mem>>) src(%arg6 : memref<384x128xf32, #tpu.memory_space<vmem>>) dst(%dma_wait3A_82 : memref<384x128xf32, #tpu.memory_space<hbm>>)
    %dma_start3A_83 = arith.constant 0 : i32
    %dma_start3A_84 = arith.constant 0 : i32
    %dma_start3A_85 = tpu.memref_slice %arg6[%dma_start3A_83, %dma_start3A_84] : memref<384x128xf32, #tpu.memory_space<vmem>> -> memref<128x128xf32, #tpu.memory_space<vmem>>
    %dma_start3A_86 = arith.constant 768 : i32
    %dma_start3A_87 = tpu.memref_slice %arg5[%dma_start3A_86] : memref<1536xi32, #tpu.memory_space<vmem>> -> memref<128xi32, #tpu.memory_space<vmem>>
    %dma_start3A_88 = arith.constant 0 : i32
    %dma_start3A_89 = arith.constant 0 : i32
    %dma_start3A_90 = tpu.memref_slice %arg2[%dma_start3A_88, %dma_start3A_89] : memref<8192x128xf32, #tpu.memory_space<hbm>> -> memref<8192x128xf32, #tpu.memory_space<hbm>>
    tpu.enqueue_indirect_dma source(%dma_start3A_90 : memref<8192x128xf32, #tpu.memory_space<hbm>>) target(%dma_start3A_85 : memref<128x128xf32, #tpu.memory_space<vmem>>) offsets(%dma_start3A_87 : memref<128xi32, #tpu.memory_space<vmem>>) semaphore(%arg8 : memref<!tpu.dma_semaphore, #tpu.memory_space<semaphore_mem>>)
    %dma_start3A_91 = arith.constant 128 : i32
    %dma_start3A_92 = arith.constant 0 : i32
    %dma_start3A_93 = tpu.memref_slice %arg6[%dma_start3A_91, %dma_start3A_92] : memref<384x128xf32, #tpu.memory_space<vmem>> -> memref<128x128xf32, #tpu.memory_space<vmem>>
    %dma_start3A_94 = arith.constant 896 : i32
    %dma_start3A_95 = tpu.memref_slice %arg5[%dma_start3A_94] : memref<1536xi32, #tpu.memory_space<vmem>> -> memref<128xi32, #tpu.memory_space<vmem>>
    %dma_start3A_96 = arith.constant 0 : i32
    %dma_start3A_97 = arith.constant 0 : i32
    %dma_start3A_98 = tpu.memref_slice %arg2[%dma_start3A_96, %dma_start3A_97] : memref<8192x128xf32, #tpu.memory_space<hbm>> -> memref<8192x128xf32, #tpu.memory_space<hbm>>
    tpu.enqueue_indirect_dma source(%dma_start3A_98 : memref<8192x128xf32, #tpu.memory_space<hbm>>) target(%dma_start3A_93 : memref<128x128xf32, #tpu.memory_space<vmem>>) offsets(%dma_start3A_95 : memref<128xi32, #tpu.memory_space<vmem>>) semaphore(%arg8 : memref<!tpu.dma_semaphore, #tpu.memory_space<semaphore_mem>>)
    %dma_start3A_99 = arith.constant 256 : i32
    %dma_start3A_100 = arith.constant 0 : i32
    %dma_start3A_101 = tpu.memref_slice %arg6[%dma_start3A_99, %dma_start3A_100] : memref<384x128xf32, #tpu.memory_space<vmem>> -> memref<128x128xf32, #tpu.memory_space<vmem>>
    %dma_start3A_102 = arith.constant 1024 : i32
    %dma_start3A_103 = tpu.memref_slice %arg5[%dma_start3A_102] : memref<1536xi32, #tpu.memory_space<vmem>> -> memref<128xi32, #tpu.memory_space<vmem>>
    %dma_start3A_104 = arith.constant 0 : i32
    %dma_start3A_105 = arith.constant 0 : i32
    %dma_start3A_106 = tpu.memref_slice %arg2[%dma_start3A_104, %dma_start3A_105] : memref<8192x128xf32, #tpu.memory_space<hbm>> -> memref<8192x128xf32, #tpu.memory_space<hbm>>
    tpu.enqueue_indirect_dma source(%dma_start3A_106 : memref<8192x128xf32, #tpu.memory_space<hbm>>) target(%dma_start3A_101 : memref<128x128xf32, #tpu.memory_space<vmem>>) offsets(%dma_start3A_103 : memref<128xi32, #tpu.memory_space<vmem>>) semaphore(%arg8 : memref<!tpu.dma_semaphore, #tpu.memory_space<semaphore_mem>>)
    %dma_wait3A_107 = arith.constant 0 : i32
    %dma_wait3A_108 = arith.constant 0 : i32
    %dma_wait3A_109 = tpu.memref_slice %arg7[%dma_wait3A_107, %dma_wait3A_108] : memref<384x128xf32, #tpu.memory_space<vmem>> -> memref<128x128xf32, #tpu.memory_space<vmem>>
    %dma_wait3A_110 = arith.constant 384 : i32
    %dma_wait3A_111 = tpu.memref_slice %arg5[%dma_wait3A_110] : memref<1536xi32, #tpu.memory_space<vmem>> -> memref<128xi32, #tpu.memory_space<vmem>>
    %dma_wait3A_112 = arith.constant 0 : i32
    %dma_wait3A_113 = arith.constant 0 : i32
    %dma_wait3A_114 = tpu.memref_slice %arg2[%dma_wait3A_112, %dma_wait3A_113] : memref<8192x128xf32, #tpu.memory_space<hbm>> -> memref<8192x128xf32, #tpu.memory_space<hbm>>
    tpu.wait_indirect_dma semaphore(%arg9 : memref<!tpu.dma_semaphore, #tpu.memory_space<semaphore_mem>>) src(%dma_wait3A_114 : memref<8192x128xf32, #tpu.memory_space<hbm>>) dst(%dma_wait3A_109 : memref<128x128xf32, #tpu.memory_space<vmem>>)
    %dma_wait3A_115 = arith.constant 128 : i32
    %dma_wait3A_116 = arith.constant 0 : i32
    %dma_wait3A_117 = tpu.memref_slice %arg7[%dma_wait3A_115, %dma_wait3A_116] : memref<384x128xf32, #tpu.memory_space<vmem>> -> memref<128x128xf32, #tpu.memory_space<vmem>>
    %dma_wait3A_118 = arith.constant 512 : i32
    %dma_wait3A_119 = tpu.memref_slice %arg5[%dma_wait3A_118] : memref<1536xi32, #tpu.memory_space<vmem>> -> memref<128xi32, #tpu.memory_space<vmem>>
    %dma_wait3A_120 = arith.constant 0 : i32
    %dma_wait3A_121 = arith.constant 0 : i32
    %dma_wait3A_122 = tpu.memref_slice %arg2[%dma_wait3A_120, %dma_wait3A_121] : memref<8192x128xf32, #tpu.memory_space<hbm>> -> memref<8192x128xf32, #tpu.memory_space<hbm>>
    tpu.wait_indirect_dma semaphore(%arg9 : memref<!tpu.dma_semaphore, #tpu.memory_space<semaphore_mem>>) src(%dma_wait3A_122 : memref<8192x128xf32, #tpu.memory_space<hbm>>) dst(%dma_wait3A_117 : memref<128x128xf32, #tpu.memory_space<vmem>>)
    %dma_wait3A_123 = arith.constant 256 : i32
    %dma_wait3A_124 = arith.constant 0 : i32
    %dma_wait3A_125 = tpu.memref_slice %arg7[%dma_wait3A_123, %dma_wait3A_124] : memref<384x128xf32, #tpu.memory_space<vmem>> -> memref<128x128xf32, #tpu.memory_space<vmem>>
    %dma_wait3A_126 = arith.constant 640 : i32
    %dma_wait3A_127 = tpu.memref_slice %arg5[%dma_wait3A_126] : memref<1536xi32, #tpu.memory_space<vmem>> -> memref<128xi32, #tpu.memory_space<vmem>>
    %dma_wait3A_128 = arith.constant 0 : i32
    %dma_wait3A_129 = arith.constant 0 : i32
    %dma_wait3A_130 = tpu.memref_slice %arg2[%dma_wait3A_128, %dma_wait3A_129] : memref<8192x128xf32, #tpu.memory_space<hbm>> -> memref<8192x128xf32, #tpu.memory_space<hbm>>
    tpu.wait_indirect_dma semaphore(%arg9 : memref<!tpu.dma_semaphore, #tpu.memory_space<semaphore_mem>>) src(%dma_wait3A_130 : memref<8192x128xf32, #tpu.memory_space<hbm>>) dst(%dma_wait3A_125 : memref<128x128xf32, #tpu.memory_space<vmem>>)
    %add3A_131 = arith.constant 384 : i32
    %add3A_132 = arith.addi %mul3A_2, %add3A_131 : i32
    %dma_start3A_133 = arith.constant 0 : i32
    %dma_start3A_134 = tpu.memref_slice %arg4[%add3A_132, %dma_start3A_133] : memref<49152x128xf32, #tpu.memory_space<hbm>> -> memref<384x128xf32, #tpu.memory_space<hbm>>
    %dma_start3A_135 = arith.constant 0 : i32
    %dma_start3A_136 = tpu.memref_slice %arg4[%add3A_132, %dma_start3A_135] : memref<49152x128xf32, #tpu.memory_space<hbm>> -> memref<384x128xf32, #tpu.memory_space<hbm>>
    tpu.enqueue_dma source(%arg7 : memref<384x128xf32, #tpu.memory_space<vmem>>) target(%dma_start3A_136 : memref<384x128xf32, #tpu.memory_space<hbm>>) target_semaphore(%arg11 : memref<!tpu.dma_semaphore, #tpu.memory_space<semaphore_mem>>)
    %dma_wait3A_137 = arith.constant 0 : i32
    %dma_wait3A_138 = tpu.memref_slice %arg4[%add3A_132, %dma_wait3A_137] : memref<49152x128xf32, #tpu.memory_space<hbm>> -> memref<384x128xf32, #tpu.memory_space<hbm>>
    %dma_wait3A_139 = arith.constant 0 : i32
    %dma_wait3A_140 = tpu.memref_slice %arg4[%add3A_132, %dma_wait3A_139] : memref<49152x128xf32, #tpu.memory_space<hbm>> -> memref<384x128xf32, #tpu.memory_space<hbm>>
    tpu.wait_dma2 semaphore(%arg11 : memref<!tpu.dma_semaphore, #tpu.memory_space<semaphore_mem>>) src(%arg7 : memref<384x128xf32, #tpu.memory_space<vmem>>) dst(%dma_wait3A_140 : memref<384x128xf32, #tpu.memory_space<hbm>>)
    %dma_start3A_141 = arith.constant 0 : i32
    %dma_start3A_142 = arith.constant 0 : i32
    %dma_start3A_143 = tpu.memref_slice %arg7[%dma_start3A_141, %dma_start3A_142] : memref<384x128xf32, #tpu.memory_space<vmem>> -> memref<128x128xf32, #tpu.memory_space<vmem>>
    %dma_start3A_144 = arith.constant 1152 : i32
    %dma_start3A_145 = tpu.memref_slice %arg5[%dma_start3A_144] : memref<1536xi32, #tpu.memory_space<vmem>> -> memref<128xi32, #tpu.memory_space<vmem>>
    %dma_start3A_146 = arith.constant 0 : i32
    %dma_start3A_147 = arith.constant 0 : i32
    %dma_start3A_148 = tpu.memref_slice %arg2[%dma_start3A_146, %dma_start3A_147] : memref<8192x128xf32, #tpu.memory_space<hbm>> -> memref<8192x128xf32, #tpu.memory_space<hbm>>
    tpu.enqueue_indirect_dma source(%dma_start3A_148 : memref<8192x128xf32, #tpu.memory_space<hbm>>) target(%dma_start3A_143 : memref<128x128xf32, #tpu.memory_space<vmem>>) offsets(%dma_start3A_145 : memref<128xi32, #tpu.memory_space<vmem>>) semaphore(%arg9 : memref<!tpu.dma_semaphore, #tpu.memory_space<semaphore_mem>>)
    %dma_start3A_149 = arith.constant 128 : i32
    %dma_start3A_150 = arith.constant 0 : i32
    %dma_start3A_151 = tpu.memref_slice %arg7[%dma_start3A_149, %dma_start3A_150] : memref<384x128xf32, #tpu.memory_space<vmem>> -> memref<128x128xf32, #tpu.memory_space<vmem>>
    %dma_start3A_152 = arith.constant 1280 : i32
    %dma_start3A_153 = tpu.memref_slice %arg5[%dma_start3A_152] : memref<1536xi32, #tpu.memory_space<vmem>> -> memref<128xi32, #tpu.memory_space<vmem>>
    %dma_start3A_154 = arith.constant 0 : i32
    %dma_start3A_155 = arith.constant 0 : i32
    %dma_start3A_156 = tpu.memref_slice %arg2[%dma_start3A_154, %dma_start3A_155] : memref<8192x128xf32, #tpu.memory_space<hbm>> -> memref<8192x128xf32, #tpu.memory_space<hbm>>
    tpu.enqueue_indirect_dma source(%dma_start3A_156 : memref<8192x128xf32, #tpu.memory_space<hbm>>) target(%dma_start3A_151 : memref<128x128xf32, #tpu.memory_space<vmem>>) offsets(%dma_start3A_153 : memref<128xi32, #tpu.memory_space<vmem>>) semaphore(%arg9 : memref<!tpu.dma_semaphore, #tpu.memory_space<semaphore_mem>>)
    %dma_start3A_157 = arith.constant 256 : i32
    %dma_start3A_158 = arith.constant 0 : i32
    %dma_start3A_159 = tpu.memref_slice %arg7[%dma_start3A_157, %dma_start3A_158] : memref<384x128xf32, #tpu.memory_space<vmem>> -> memref<128x128xf32, #tpu.memory_space<vmem>>
    %dma_start3A_160 = arith.constant 1408 : i32
    %dma_start3A_161 = tpu.memref_slice %arg5[%dma_start3A_160] : memref<1536xi32, #tpu.memory_space<vmem>> -> memref<128xi32, #tpu.memory_space<vmem>>
    %dma_start3A_162 = arith.constant 0 : i32
    %dma_start3A_163 = arith.constant 0 : i32
    %dma_start3A_164 = tpu.memref_slice %arg2[%dma_start3A_162, %dma_start3A_163] : memref<8192x128xf32, #tpu.memory_space<hbm>> -> memref<8192x128xf32, #tpu.memory_space<hbm>>
    tpu.enqueue_indirect_dma source(%dma_start3A_164 : memref<8192x128xf32, #tpu.memory_space<hbm>>) target(%dma_start3A_159 : memref<128x128xf32, #tpu.memory_space<vmem>>) offsets(%dma_start3A_161 : memref<128xi32, #tpu.memory_space<vmem>>) semaphore(%arg9 : memref<!tpu.dma_semaphore, #tpu.memory_space<semaphore_mem>>)
    %dma_wait3A_165 = arith.constant 0 : i32
    %dma_wait3A_166 = arith.constant 0 : i32
    %dma_wait3A_167 = tpu.memref_slice %arg6[%dma_wait3A_165, %dma_wait3A_166] : memref<384x128xf32, #tpu.memory_space<vmem>> -> memref<128x128xf32, #tpu.memory_space<vmem>>
    %dma_wait3A_168 = arith.constant 768 : i32
    %dma_wait3A_169 = tpu.memref_slice %arg5[%dma_wait3A_168] : memref<1536xi32, #tpu.memory_space<vmem>> -> memref<128xi32, #tpu.memory_space<vmem>>
    %dma_wait3A_170 = arith.constant 0 : i32
    %dma_wait3A_171 = arith.constant 0 : i32
    %dma_wait3A_172 = tpu.memref_slice %arg2[%dma_wait3A_170, %dma_wait3A_171] : memref<8192x128xf32, #tpu.memory_space<hbm>> -> memref<8192x128xf32, #tpu.memory_space<hbm>>
    tpu.wait_indirect_dma semaphore(%arg8 : memref<!tpu.dma_semaphore, #tpu.memory_space<semaphore_mem>>) src(%dma_wait3A_172 : memref<8192x128xf32, #tpu.memory_space<hbm>>) dst(%dma_wait3A_167 : memref<128x128xf32, #tpu.memory_space<vmem>>)
    %dma_wait3A_173 = arith.constant 128 : i32
    %dma_wait3A_174 = arith.constant 0 : i32
    %dma_wait3A_175 = tpu.memref_slice %arg6[%dma_wait3A_173, %dma_wait3A_174] : memref<384x128xf32, #tpu.memory_space<vmem>> -> memref<128x128xf32, #tpu.memory_space<vmem>>
    %dma_wait3A_176 = arith.constant 896 : i32
    %dma_wait3A_177 = tpu.memref_slice %arg5[%dma_wait3A_176] : memref<1536xi32, #tpu.memory_space<vmem>> -> memref<128xi32, #tpu.memory_space<vmem>>
    %dma_wait3A_178 = arith.constant 0 : i32
    %dma_wait3A_179 = arith.constant 0 : i32
    %dma_wait3A_180 = tpu.memref_slice %arg2[%dma_wait3A_178, %dma_wait3A_179] : memref<8192x128xf32, #tpu.memory_space<hbm>> -> memref<8192x128xf32, #tpu.memory_space<hbm>>
    tpu.wait_indirect_dma semaphore(%arg8 : memref<!tpu.dma_semaphore, #tpu.memory_space<semaphore_mem>>) src(%dma_wait3A_180 : memref<8192x128xf32, #tpu.memory_space<hbm>>) dst(%dma_wait3A_175 : memref<128x128xf32, #tpu.memory_space<vmem>>)
    %dma_wait3A_181 = arith.constant 256 : i32
    %dma_wait3A_182 = arith.constant 0 : i32
    %dma_wait3A_183 = tpu.memref_slice %arg6[%dma_wait3A_181, %dma_wait3A_182] : memref<384x128xf32, #tpu.memory_space<vmem>> -> memref<128x128xf32, #tpu.memory_space<vmem>>
    %dma_wait3A_184 = arith.constant 1024 : i32
    %dma_wait3A_185 = tpu.memref_slice %arg5[%dma_wait3A_184] : memref<1536xi32, #tpu.memory_space<vmem>> -> memref<128xi32, #tpu.memory_space<vmem>>
    %dma_wait3A_186 = arith.constant 0 : i32
    %dma_wait3A_187 = arith.constant 0 : i32
    %dma_wait3A_188 = tpu.memref_slice %arg2[%dma_wait3A_186, %dma_wait3A_187] : memref<8192x128xf32, #tpu.memory_space<hbm>> -> memref<8192x128xf32, #tpu.memory_space<hbm>>
    tpu.wait_indirect_dma semaphore(%arg8 : memref<!tpu.dma_semaphore, #tpu.memory_space<semaphore_mem>>) src(%dma_wait3A_188 : memref<8192x128xf32, #tpu.memory_space<hbm>>) dst(%dma_wait3A_183 : memref<128x128xf32, #tpu.memory_space<vmem>>)
    %add3A_189 = arith.constant 768 : i32
    %add3A_190 = arith.addi %mul3A_2, %add3A_189 : i32
    %dma_start3A_191 = arith.constant 0 : i32
    %dma_start3A_192 = tpu.memref_slice %arg4[%add3A_190, %dma_start3A_191] : memref<49152x128xf32, #tpu.memory_space<hbm>> -> memref<384x128xf32, #tpu.memory_space<hbm>>
    %dma_start3A_193 = arith.constant 0 : i32
    %dma_start3A_194 = tpu.memref_slice %arg4[%add3A_190, %dma_start3A_193] : memref<49152x128xf32, #tpu.memory_space<hbm>> -> memref<384x128xf32, #tpu.memory_space<hbm>>
    tpu.enqueue_dma source(%arg6 : memref<384x128xf32, #tpu.memory_space<vmem>>) target(%dma_start3A_194 : memref<384x128xf32, #tpu.memory_space<hbm>>) target_semaphore(%arg10 : memref<!tpu.dma_semaphore, #tpu.memory_space<semaphore_mem>>)
    %dma_wait3A_195 = arith.constant 0 : i32
    %dma_wait3A_196 = arith.constant 0 : i32
    %dma_wait3A_197 = tpu.memref_slice %arg7[%dma_wait3A_195, %dma_wait3A_196] : memref<384x128xf32, #tpu.memory_space<vmem>> -> memref<128x128xf32, #tpu.memory_space<vmem>>
    %dma_wait3A_198 = arith.constant 1152 : i32
    %dma_wait3A_199 = tpu.memref_slice %arg5[%dma_wait3A_198] : memref<1536xi32, #tpu.memory_space<vmem>> -> memref<128xi32, #tpu.memory_space<vmem>>
    %dma_wait3A_200 = arith.constant 0 : i32
    %dma_wait3A_201 = arith.constant 0 : i32
    %dma_wait3A_202 = tpu.memref_slice %arg2[%dma_wait3A_200, %dma_wait3A_201] : memref<8192x128xf32, #tpu.memory_space<hbm>> -> memref<8192x128xf32, #tpu.memory_space<hbm>>
    tpu.wait_indirect_dma semaphore(%arg9 : memref<!tpu.dma_semaphore, #tpu.memory_space<semaphore_mem>>) src(%dma_wait3A_202 : memref<8192x128xf32, #tpu.memory_space<hbm>>) dst(%dma_wait3A_197 : memref<128x128xf32, #tpu.memory_space<vmem>>)
    %dma_wait3A_203 = arith.constant 128 : i32
    %dma_wait3A_204 = arith.constant 0 : i32
    %dma_wait3A_205 = tpu.memref_slice %arg7[%dma_wait3A_203, %dma_wait3A_204] : memref<384x128xf32, #tpu.memory_space<vmem>> -> memref<128x128xf32, #tpu.memory_space<vmem>>
    %dma_wait3A_206 = arith.constant 1280 : i32
    %dma_wait3A_207 = tpu.memref_slice %arg5[%dma_wait3A_206] : memref<1536xi32, #tpu.memory_space<vmem>> -> memref<128xi32, #tpu.memory_space<vmem>>
    %dma_wait3A_208 = arith.constant 0 : i32
    %dma_wait3A_209 = arith.constant 0 : i32
    %dma_wait3A_210 = tpu.memref_slice %arg2[%dma_wait3A_208, %dma_wait3A_209] : memref<8192x128xf32, #tpu.memory_space<hbm>> -> memref<8192x128xf32, #tpu.memory_space<hbm>>
    tpu.wait_indirect_dma semaphore(%arg9 : memref<!tpu.dma_semaphore, #tpu.memory_space<semaphore_mem>>) src(%dma_wait3A_210 : memref<8192x128xf32, #tpu.memory_space<hbm>>) dst(%dma_wait3A_205 : memref<128x128xf32, #tpu.memory_space<vmem>>)
    %dma_wait3A_211 = arith.constant 256 : i32
    %dma_wait3A_212 = arith.constant 0 : i32
    %dma_wait3A_213 = tpu.memref_slice %arg7[%dma_wait3A_211, %dma_wait3A_212] : memref<384x128xf32, #tpu.memory_space<vmem>> -> memref<128x128xf32, #tpu.memory_space<vmem>>
    %dma_wait3A_214 = arith.constant 1408 : i32
    %dma_wait3A_215 = tpu.memref_slice %arg5[%dma_wait3A_214] : memref<1536xi32, #tpu.memory_space<vmem>> -> memref<128xi32, #tpu.memory_space<vmem>>
    %dma_wait3A_216 = arith.constant 0 : i32
    %dma_wait3A_217 = arith.constant 0 : i32
    %dma_wait3A_218 = tpu.memref_slice %arg2[%dma_wait3A_216, %dma_wait3A_217] : memref<8192x128xf32, #tpu.memory_space<hbm>> -> memref<8192x128xf32, #tpu.memory_space<hbm>>
    tpu.wait_indirect_dma semaphore(%arg9 : memref<!tpu.dma_semaphore, #tpu.memory_space<semaphore_mem>>) src(%dma_wait3A_218 : memref<8192x128xf32, #tpu.memory_space<hbm>>) dst(%dma_wait3A_213 : memref<128x128xf32, #tpu.memory_space<vmem>>)
    %add3A_219 = arith.constant 1152 : i32
    %add3A_220 = arith.addi %mul3A_2, %add3A_219 : i32
    %dma_start3A_221 = arith.constant 0 : i32
    %dma_start3A_222 = tpu.memref_slice %arg4[%add3A_220, %dma_start3A_221] : memref<49152x128xf32, #tpu.memory_space<hbm>> -> memref<384x128xf32, #tpu.memory_space<hbm>>
    %dma_start3A_223 = arith.constant 0 : i32
    %dma_start3A_224 = tpu.memref_slice %arg4[%add3A_220, %dma_start3A_223] : memref<49152x128xf32, #tpu.memory_space<hbm>> -> memref<384x128xf32, #tpu.memory_space<hbm>>
    tpu.enqueue_dma source(%arg7 : memref<384x128xf32, #tpu.memory_space<vmem>>) target(%dma_start3A_224 : memref<384x128xf32, #tpu.memory_space<hbm>>) target_semaphore(%arg11 : memref<!tpu.dma_semaphore, #tpu.memory_space<semaphore_mem>>)
    %dma_wait3A_225 = arith.constant 0 : i32
    %dma_wait3A_226 = tpu.memref_slice %arg4[%add3A_190, %dma_wait3A_225] : memref<49152x128xf32, #tpu.memory_space<hbm>> -> memref<384x128xf32, #tpu.memory_space<hbm>>
    %dma_wait3A_227 = arith.constant 0 : i32
    %dma_wait3A_228 = tpu.memref_slice %arg4[%add3A_190, %dma_wait3A_227] : memref<49152x128xf32, #tpu.memory_space<hbm>> -> memref<384x128xf32, #tpu.memory_space<hbm>>
    tpu.wait_dma2 semaphore(%arg10 : memref<!tpu.dma_semaphore, #tpu.memory_space<semaphore_mem>>) src(%arg6 : memref<384x128xf32, #tpu.memory_space<vmem>>) dst(%dma_wait3A_228 : memref<384x128xf32, #tpu.memory_space<hbm>>)
    %dma_wait3A_229 = arith.constant 0 : i32
    %dma_wait3A_230 = tpu.memref_slice %arg4[%add3A_220, %dma_wait3A_229] : memref<49152x128xf32, #tpu.memory_space<hbm>> -> memref<384x128xf32, #tpu.memory_space<hbm>>
    %dma_wait3A_231 = arith.constant 0 : i32
    %dma_wait3A_232 = tpu.memref_slice %arg4[%add3A_220, %dma_wait3A_231] : memref<49152x128xf32, #tpu.memory_space<hbm>> -> memref<384x128xf32, #tpu.memory_space<hbm>>
    tpu.wait_dma2 semaphore(%arg11 : memref<!tpu.dma_semaphore, #tpu.memory_space<semaphore_mem>>) src(%arg7 : memref<384x128xf32, #tpu.memory_space<vmem>>) dst(%dma_wait3A_232 : memref<384x128xf32, #tpu.memory_space<hbm>>)
    return
  }
}

module attributes {stable_mosaic.version = 14 : i64} {
  func.func @_backbone_body(%arg0: i32, %arg1: memref<1x2048x128xf32, #tpu.memory_space<vmem>>, %arg2: memref<3x128x128xf32, #tpu.memory_space<vmem>>, %arg3: memref<1x128xf32, #tpu.memory_space<vmem>>, %arg4: memref<1x128xf32, #tpu.memory_space<vmem>>, %arg5: memref<1x2048x128xf32, #tpu.memory_space<vmem>>) attributes {dimension_semantics = [#tpu.dimension_semantics<arbitrary>], iteration_bounds = array<i64: 4>, scalar_prefetch = 0 : i64, scratch_operands = 0 : i64, tpu.core_type = #tpu.core_type<tc>, window_params = [{transform_indices = @transform_0, window_bounds = array<i64: 1, 2048, 128>}, {pipeline_mode = #tpu.pipeline_mode<synchronous>, transform_indices = @transform_1, window_bounds = array<i64: 3, 128, 128>}, {pipeline_mode = #tpu.pipeline_mode<synchronous>, transform_indices = @transform_2, window_bounds = array<i64: 1, 128>}, {pipeline_mode = #tpu.pipeline_mode<synchronous>, transform_indices = @transform_3, window_bounds = array<i64: 1, 128>}, {transform_indices = @transform_4, window_bounds = array<i64: 1, 2048, 128>}]} {
    %get3A = arith.constant 0 : index
    %get3A_0 = arith.constant 0 : index
    %get3A_1 = arith.constant 0 : index
    %get3A_2 = vector.load %arg1[%get3A, %get3A_0, %get3A_1] : memref<1x2048x128xf32, #tpu.memory_space<vmem>>, vector<1x2048x128xf32>
    %get3A_3 = vector.shape_cast %get3A_2 : vector<1x2048x128xf32> to vector<2048x128xf32>
    %broadcast_in_dim3A = arith.constant 0.000000e+00 : f32
    %broadcast_in_dim3A_4 = vector.broadcast %broadcast_in_dim3A : f32 to vector<1x128xf32>
    %get3A_5 = arith.constant 1 : index
    %get3A_6 = arith.constant 0 : index
    %get3A_7 = arith.constant 0 : index
    %get3A_8 = vector.load %arg2[%get3A_5, %get3A_6, %get3A_7] : memref<3x128x128xf32, #tpu.memory_space<vmem>>, vector<1x128x128xf32>
    %get3A_9 = vector.shape_cast %get3A_8 : vector<1x128x128xf32> to vector<128x128xf32>
    %dot_general3A = arith.constant dense<0.000000e+00> : vector<2048x128xf32>
    %dot_general3A_10 = tpu.matmul %get3A_3, %get3A_9, %dot_general3A {dimension_numbers = #tpu.dot_dimension_numbers<[1], [0], [0], [1], [0, 0, 1, 1], [], []>, transpose_lhs_hint = false} : vector<2048x128xf32>, vector<128x128xf32>, vector<2048x128xf32> -> vector<2048x128xf32>
    %add3A = vector.broadcast %broadcast_in_dim3A_4 : vector<1x128xf32> to vector<2048x128xf32>
    %add3A_11 = arith.addf %dot_general3A_10, %add3A : vector<2048x128xf32>
    %get3A_12 = arith.constant 0 : index
    %get3A_13 = arith.constant 0 : index
    %get3A_14 = arith.constant 0 : index
    %get3A_15 = vector.load %arg2[%get3A_12, %get3A_13, %get3A_14] : memref<3x128x128xf32, #tpu.memory_space<vmem>>, vector<1x128x128xf32>
    %get3A_16 = vector.shape_cast %get3A_15 : vector<1x128x128xf32> to vector<128x128xf32>
    %dot_general3A_17 = arith.constant dense<0.000000e+00> : vector<2048x128xf32>
    %dot_general3A_18 = tpu.matmul %get3A_3, %get3A_16, %dot_general3A_17 {dimension_numbers = #tpu.dot_dimension_numbers<[1], [0], [0], [1], [0, 0, 1, 1], [], []>, transpose_lhs_hint = false} : vector<2048x128xf32>, vector<128x128xf32>, vector<2048x128xf32> -> vector<2048x128xf32>
    %get3A_19 = arith.constant 2 : index
    %get3A_20 = arith.constant 0 : index
    %get3A_21 = arith.constant 0 : index
    %get3A_22 = vector.load %arg2[%get3A_19, %get3A_20, %get3A_21] : memref<3x128x128xf32, #tpu.memory_space<vmem>>, vector<1x128x128xf32>
    %get3A_23 = vector.shape_cast %get3A_22 : vector<1x128x128xf32> to vector<128x128xf32>
    %dot_general3A_24 = arith.constant dense<0.000000e+00> : vector<2048x128xf32>
    %dot_general3A_25 = tpu.matmul %get3A_3, %get3A_23, %dot_general3A_24 {dimension_numbers = #tpu.dot_dimension_numbers<[1], [0], [0], [1], [0, 0, 1, 1], [], []>, transpose_lhs_hint = false} : vector<2048x128xf32>, vector<128x128xf32>, vector<2048x128xf32> -> vector<2048x128xf32>
    %broadcast_in_dim3A_26 = arith.constant 0.000000e+00 : f32
    %broadcast_in_dim3A_27 = vector.broadcast %broadcast_in_dim3A_26 : f32 to vector<1x128xf32>
    %slice3A = vector.extract_strided_slice %dot_general3A_18 {offsets = [0, 0], sizes = [2047, 128], strides = [1, 1]} : vector<2048x128xf32> to vector<2047x128xf32>
    %concatenate3A = tpu.concatenate %broadcast_in_dim3A_27, %slice3A in 0 : vector<1x128xf32>, vector<2047x128xf32> -> vector<2048x128xf32>
    %add3A_28 = arith.addf %add3A_11, %concatenate3A : vector<2048x128xf32>
    %slice3A_29 = vector.extract_strided_slice %dot_general3A_25 {offsets = [1, 0], sizes = [2047, 128], strides = [1, 1]} : vector<2048x128xf32> to vector<2047x128xf32>
    %concatenate3A_30 = tpu.concatenate %slice3A_29, %broadcast_in_dim3A_27 in 0 : vector<2047x128xf32>, vector<1x128xf32> -> vector<2048x128xf32>
    %add3A_31 = arith.addf %add3A_28, %concatenate3A_30 : vector<2048x128xf32>
    %get3A_32 = arith.constant 0 : index
    %get3A_33 = arith.constant 0 : index
    %get3A_34 = vector.load %arg3[%get3A_32, %get3A_33] : memref<1x128xf32, #tpu.memory_space<vmem>>, vector<1x128xf32>
    %mul3A = vector.broadcast %get3A_34 : vector<1x128xf32> to vector<2048x128xf32>
    %mul3A_35 = arith.mulf %add3A_31, %mul3A : vector<2048x128xf32>
    %get3A_36 = arith.constant 0 : index
    %get3A_37 = arith.constant 0 : index
    %get3A_38 = vector.load %arg4[%get3A_36, %get3A_37] : memref<1x128xf32, #tpu.memory_space<vmem>>, vector<1x128xf32>
    %add3A_39 = vector.broadcast %get3A_38 : vector<1x128xf32> to vector<2048x128xf32>
    %add3A_40 = arith.addf %mul3A_35, %add3A_39 : vector<2048x128xf32>
    %max3A = arith.constant 0.000000e+00 : f32
    %max3A_41 = vector.broadcast %max3A : f32 to vector<2048x128xf32>
    %max3A_42 = arith.maximumf %add3A_40, %max3A_41 : vector<2048x128xf32>
    %swap3A = arith.constant 0 : index
    %swap3A_43 = arith.constant 0 : index
    %swap3A_44 = arith.constant 0 : index
    %swap3A_45 = vector.load %arg5[%swap3A, %swap3A_43, %swap3A_44] : memref<1x2048x128xf32, #tpu.memory_space<vmem>>, vector<1x2048x128xf32>
    %swap3A_46 = vector.shape_cast %swap3A_45 : vector<1x2048x128xf32> to vector<2048x128xf32>
    %swap3A_47 = vector.shape_cast %max3A_42 : vector<2048x128xf32> to vector<1x2048x128xf32>
    tpu.vector_store %arg5[%swap3A, %swap3A_43, %swap3A_44], %swap3A_47 {strides = array<i32>} : memref<1x2048x128xf32, #tpu.memory_space<vmem>>, vector<1x2048x128xf32>,
    return
  }
  func.func @transform_0(%arg0: i32) -> (i32, i32, i32) {
    %c0_i32 = arith.constant 0 : i32
    %c0_i32_0 = arith.constant 0 : i32
    %c0_i32_1 = arith.constant 0 : i32
    return %arg0, %c0_i32, %c0_i32_0 : i32, i32, i32
  }
  func.func @transform_1(%arg0: i32) -> (i32, i32, i32) {
    %c0_i32 = arith.constant 0 : i32
    %c0_i32_0 = arith.constant 0 : i32
    %c0_i32_1 = arith.constant 0 : i32
    %c0_i32_2 = arith.constant 0 : i32
    return %c0_i32, %c0_i32_0, %c0_i32_1 : i32, i32, i32
  }
  func.func @transform_2(%arg0: i32) -> (i32, i32) {
    %c0_i32 = arith.constant 0 : i32
    %c0_i32_0 = arith.constant 0 : i32
    %c0_i32_1 = arith.constant 0 : i32
    return %c0_i32, %c0_i32_0 : i32, i32
  }
  func.func @transform_3(%arg0: i32) -> (i32, i32) {
    %c0_i32 = arith.constant 0 : i32
    %c0_i32_0 = arith.constant 0 : i32
    %c0_i32_1 = arith.constant 0 : i32
    return %c0_i32, %c0_i32_0 : i32, i32
  }
  func.func @transform_4(%arg0: i32) -> (i32, i32, i32) {
    %c0_i32 = arith.constant 0 : i32
    %c0_i32_0 = arith.constant 0 : i32
    %c0_i32_1 = arith.constant 0 : i32
    return %arg0, %c0_i32, %c0_i32_0 : i32, i32, i32
  }
}

module attributes {stable_mosaic.version = 14 : i64} {
  func.func @_pre_body(%arg0: i32, %arg1: i32, %arg2: memref<1x2048x128xf32, #tpu.memory_space<vmem>>, %arg3: memref<1x512x128xf32, #tpu.memory_space<vmem>>, %arg4: memref<128x128xf32, #tpu.memory_space<vmem>>, %arg5: memref<1x128xf32, #tpu.memory_space<vmem>>, %arg6: memref<3x128x128xf32, #tpu.memory_space<vmem>>, %arg7: memref<1x128xf32, #tpu.memory_space<vmem>>, %arg8: memref<128x128xf32, #tpu.memory_space<vmem>>, %arg9: memref<1x128xf32, #tpu.memory_space<vmem>>, %arg10: memref<128x128xf32, #tpu.memory_space<vmem>>, %arg11: memref<1x128xf32, #tpu.memory_space<vmem>>, %arg12: memref<128x128xf32, #tpu.memory_space<vmem>>, %arg13: memref<1x512x6xi32, #tpu.memory_space<vmem>>, %arg14: memref<1x2048x128xf32, #tpu.memory_space<vmem>>, %arg15: memref<1x2048x128xf32, #tpu.memory_space<vmem>>, %arg16: memref<1x2048x128xf32, #tpu.memory_space<vmem>>) attributes {dimension_semantics = [#tpu.dimension_semantics<arbitrary>, #tpu.dimension_semantics<arbitrary>], iteration_bounds = array<i64: 4, 4>, scalar_prefetch = 0 : i64, scratch_operands = 0 : i64, tpu.core_type = #tpu.core_type<tc>, window_params = [{transform_indices = @transform_0, window_bounds = array<i64: 1, 2048, 128>}, {transform_indices = @transform_1, window_bounds = array<i64: 1, 512, 128>}, {pipeline_mode = #tpu.pipeline_mode<synchronous>, transform_indices = @transform_2, window_bounds = array<i64: 128, 128>}, {pipeline_mode = #tpu.pipeline_mode<synchronous>, transform_indices = @transform_3, window_bounds = array<i64: 1, 128>}, {pipeline_mode = #tpu.pipeline_mode<synchronous>, transform_indices = @transform_4, window_bounds = array<i64: 3, 128, 128>}, {pipeline_mode = #tpu.pipeline_mode<synchronous>, transform_indices = @transform_5, window_bounds = array<i64: 1, 128>}, {pipeline_mode = #tpu.pipeline_mode<synchronous>, transform_indices = @transform_6, window_bounds = array<i64: 128, 128>}, {pipeline_mode = #tpu.pipeline_mode<synchronous>, transform_indices = @transform_7, window_bounds = array<i64: 1, 128>}, {pipeline_mode = #tpu.pipeline_mode<synchronous>, transform_indices = @transform_8, window_bounds = array<i64: 128, 128>}, {pipeline_mode = #tpu.pipeline_mode<synchronous>, transform_indices = @transform_9, window_bounds = array<i64: 1, 128>}, {pipeline_mode = #tpu.pipeline_mode<synchronous>, transform_indices = @transform_10, window_bounds = array<i64: 128, 128>}, {transform_indices = @transform_11, window_bounds = array<i64: 1, 512, 6>}, {transform_indices = @transform_12, window_bounds = array<i64: 1, 2048, 128>}, {transform_indices = @transform_13, window_bounds = array<i64: 1, 2048, 128>}, {transform_indices = @transform_14, window_bounds = array<i64: 1, 2048, 128>}]} {
    %get3A = arith.constant 0 : index
    %get3A_0 = arith.constant 0 : index
    %get3A_1 = arith.constant 0 : index
    %get3A_2 = vector.load %arg2[%get3A, %get3A_0, %get3A_1] : memref<1x2048x128xf32, #tpu.memory_space<vmem>>, vector<1x2048x128xf32>
    %get3A_3 = vector.shape_cast %get3A_2 : vector<1x2048x128xf32> to vector<2048x128xf32>
    %get3A_4 = arith.constant 0 : index
    %get3A_5 = arith.constant 0 : index
    %get3A_6 = arith.constant 0 : index
    %get3A_7 = vector.load %arg3[%get3A_4, %get3A_5, %get3A_6] : memref<1x512x128xf32, #tpu.memory_space<vmem>>, vector<1x512x128xf32>
    %get3A_8 = vector.shape_cast %get3A_7 : vector<1x512x128xf32> to vector<512x128xf32>
    %dot_general3A = arith.constant dense<0.000000e+00> : vector<512x2048xf32>
    %dot_general3A_9 = tpu.matmul %get3A_8, %get3A_3, %dot_general3A {dimension_numbers = #tpu.dot_dimension_numbers<[1], [1], [0], [0], [0, 0, 1, 0], [], []>, transpose_lhs_hint = false} : vector<512x128xf32>, vector<2048x128xf32>, vector<512x2048xf32> -> vector<512x2048xf32>
    %mul3A = arith.constant 2.000000e+00 : f32
    %mul3A_10 = vector.broadcast %mul3A : f32 to vector<512x2048xf32>
    %mul3A_11 = arith.mulf %mul3A_10, %dot_general3A_9 : vector<512x2048xf32>
    %mul3A_12 = arith.mulf %get3A_3, %get3A_3 : vector<2048x128xf32>
    %broadcast_in_dim3A = arith.constant 1.000000e+00 : f32
    %broadcast_in_dim3A_13 = vector.broadcast %broadcast_in_dim3A : f32 to vector<1x128xf32>
    %dot_general3A_14 = arith.constant dense<0.000000e+00> : vector<1x2048xf32>
    %dot_general3A_15 = tpu.matmul %broadcast_in_dim3A_13, %mul3A_12, %dot_general3A_14 {dimension_numbers = #tpu.dot_dimension_numbers<[1], [1], [0], [0], [0, 0, 1, 0], [], []>, transpose_lhs_hint = false} : vector<1x128xf32>, vector<2048x128xf32>, vector<1x2048xf32> -> vector<1x2048xf32>
    %sub3A = vector.broadcast %dot_general3A_15 : vector<1x2048xf32> to vector<512x2048xf32>
    %sub3A_16 = arith.subf %mul3A_11, %sub3A : vector<512x2048xf32>
    %iota3A = tpu.iota {dimensions = array<i32: 1>} : vector<512x2048xi32>
    %mul3A_17 = arith.constant 512 : i32
    %mul3A_18 = arith.muli %arg1, %mul3A_17 : i32
    %iota3A_19 = tpu.iota {dimensions = array<i32: 0>} : vector<512x1xi32>
    %add3A = vector.broadcast %mul3A_18 : i32 to vector<512x1xi32>
    %add3A_20 = arith.addi %add3A, %iota3A_19 : vector<512x1xi32>
    %eq3A = vector.broadcast %add3A_20 : vector<512x1xi32> to vector<512x2048xi32>
    %eq3A_21 = arith.cmpi eq, %iota3A, %eq3A : vector<512x2048xi32>
    %jit3A = arith.constant -3.000000e+38 : f32
    %broadcast_in_dim3A_22 = vector.broadcast %jit3A : f32 to vector<512x2048xf32>
    %select_n3A = arith.select %eq3A_21, %broadcast_in_dim3A_22, %sub3A_16 : vector<512x2048xi1>, vector<512x2048xf32>
    %reduce_max3A = arith.constant dense<0xFF800000> : vector<512xf32>
    %reduce_max3A_23 = vector.multi_reduction <maximumf>, %select_n3A, %reduce_max3A [1] : vector<512x2048xf32> to vector<512xf32>
    %broadcast_in_dim3A_24 = vector.shape_cast %reduce_max3A_23 : vector<512xf32> to vector<512x1xf32>
    %eq3A_25 = vector.broadcast %broadcast_in_dim3A_24 : vector<512x1xf32> to vector<512x2048xf32>
    %eq3A_26 = arith.cmpf oeq, %select_n3A, %eq3A_25 : vector<512x2048xf32>
    %jit3A_27 = arith.constant 2048 : i32
    %broadcast_in_dim3A_28 = vector.broadcast %jit3A_27 : i32 to vector<512x2048xi32>
    %select_n3A_29 = arith.select %eq3A_26, %iota3A, %broadcast_in_dim3A_28 : vector<512x2048xi1>, vector<512x2048xi32>
    %reduce_min3A = arith.constant dense<2147483647> : vector<512xi32>
    %reduce_min3A_30 = vector.multi_reduction <minsi>, %select_n3A_29, %reduce_min3A [1] : vector<512x2048xi32> to vector<512xi32>
    %broadcast_in_dim3A_31 = vector.shape_cast %reduce_min3A_30 : vector<512xi32> to vector<512x1xi32>
    %jit3A_32 = arith.constant -3.000000e+38 : f32
    %broadcast_in_dim3A_33 = vector.broadcast %jit3A_32 : f32 to vector<512x2048xf32>
    %select_n3A_34 = arith.select %eq3A_26, %broadcast_in_dim3A_33, %select_n3A : vector<512x2048xi1>, vector<512x2048xf32>
    %reduce_max3A_35 = arith.constant dense<0xFF800000> : vector<512xf32>
    %reduce_max3A_36 = vector.multi_reduction <maximumf>, %select_n3A_34, %reduce_max3A_35 [1] : vector<512x2048xf32> to vector<512xf32>
    %broadcast_in_dim3A_37 = vector.shape_cast %reduce_max3A_36 : vector<512xf32> to vector<512x1xf32>
    %eq3A_38 = vector.broadcast %broadcast_in_dim3A_37 : vector<512x1xf32> to vector<512x2048xf32>
    %eq3A_39 = arith.cmpf oeq, %select_n3A_34, %eq3A_38 : vector<512x2048xf32>
    %jit3A_40 = arith.constant 2048 : i32
    %broadcast_in_dim3A_41 = vector.broadcast %jit3A_40 : i32 to vector<512x2048xi32>
    %select_n3A_42 = arith.select %eq3A_39, %iota3A, %broadcast_in_dim3A_41 : vector<512x2048xi1>, vector<512x2048xi32>
    %reduce_min3A_43 = arith.constant dense<2147483647> : vector<512xi32>
    %reduce_min3A_44 = vector.multi_reduction <minsi>, %select_n3A_42, %reduce_min3A_43 [1] : vector<512x2048xi32> to vector<512xi32>
    %broadcast_in_dim3A_45 = vector.shape_cast %reduce_min3A_44 : vector<512xi32> to vector<512x1xi32>
    %jit3A_46 = arith.constant -3.000000e+38 : f32
    %broadcast_in_dim3A_47 = vector.broadcast %jit3A_46 : f32 to vector<512x2048xf32>
    %select_n3A_48 = arith.select %eq3A_39, %broadcast_in_dim3A_47, %select_n3A_34 : vector<512x2048xi1>, vector<512x2048xf32>
    %reduce_max3A_49 = arith.constant dense<0xFF800000> : vector<512xf32>
    %reduce_max3A_50 = vector.multi_reduction <maximumf>, %select_n3A_48, %reduce_max3A_49 [1] : vector<512x2048xf32> to vector<512xf32>
    %broadcast_in_dim3A_51 = vector.shape_cast %reduce_max3A_50 : vector<512xf32> to vector<512x1xf32>
    %eq3A_52 = vector.broadcast %broadcast_in_dim3A_51 : vector<512x1xf32> to vector<512x2048xf32>
    %eq3A_53 = arith.cmpf oeq, %select_n3A_48, %eq3A_52 : vector<512x2048xf32>
    %jit3A_54 = arith.constant 2048 : i32
    %broadcast_in_dim3A_55 = vector.broadcast %jit3A_54 : i32 to vector<512x2048xi32>
    %select_n3A_56 = arith.select %eq3A_53, %iota3A, %broadcast_in_dim3A_55 : vector<512x2048xi1>, vector<512x2048xi32>
    %reduce_min3A_57 = arith.constant dense<2147483647> : vector<512xi32>
    %reduce_min3A_58 = vector.multi_reduction <minsi>, %select_n3A_56, %reduce_min3A_57 [1] : vector<512x2048xi32> to vector<512xi32>
    %broadcast_in_dim3A_59 = vector.shape_cast %reduce_min3A_58 : vector<512xi32> to vector<512x1xi32>
    %jit3A_60 = arith.constant -3.000000e+38 : f32
    %broadcast_in_dim3A_61 = vector.broadcast %jit3A_60 : f32 to vector<512x2048xf32>
    %select_n3A_62 = arith.select %eq3A_53, %broadcast_in_dim3A_61, %select_n3A_48 : vector<512x2048xi1>, vector<512x2048xf32>
    %reduce_max3A_63 = arith.constant dense<0xFF800000> : vector<512xf32>
    %reduce_max3A_64 = vector.multi_reduction <maximumf>, %select_n3A_62, %reduce_max3A_63 [1] : vector<512x2048xf32> to vector<512xf32>
    %broadcast_in_dim3A_65 = vector.shape_cast %reduce_max3A_64 : vector<512xf32> to vector<512x1xf32>
    %eq3A_66 = vector.broadcast %broadcast_in_dim3A_65 : vector<512x1xf32> to vector<512x2048xf32>
    %eq3A_67 = arith.cmpf oeq, %select_n3A_62, %eq3A_66 : vector<512x2048xf32>
    %jit3A_68 = arith.constant 2048 : i32
    %broadcast_in_dim3A_69 = vector.broadcast %jit3A_68 : i32 to vector<512x2048xi32>
    %select_n3A_70 = arith.select %eq3A_67, %iota3A, %broadcast_in_dim3A_69 : vector<512x2048xi1>, vector<512x2048xi32>
    %reduce_min3A_71 = arith.constant dense<2147483647> : vector<512xi32>
    %reduce_min3A_72 = vector.multi_reduction <minsi>, %select_n3A_70, %reduce_min3A_71 [1] : vector<512x2048xi32> to vector<512xi32>
    %broadcast_in_dim3A_73 = vector.shape_cast %reduce_min3A_72 : vector<512xi32> to vector<512x1xi32>
    %jit3A_74 = arith.constant -3.000000e+38 : f32
    %broadcast_in_dim3A_75 = vector.broadcast %jit3A_74 : f32 to vector<512x2048xf32>
    %select_n3A_76 = arith.select %eq3A_67, %broadcast_in_dim3A_75, %select_n3A_62 : vector<512x2048xi1>, vector<512x2048xf32>
    %reduce_max3A_77 = arith.constant dense<0xFF800000> : vector<512xf32>
    %reduce_max3A_78 = vector.multi_reduction <maximumf>, %select_n3A_76, %reduce_max3A_77 [1] : vector<512x2048xf32> to vector<512xf32>
    %broadcast_in_dim3A_79 = vector.shape_cast %reduce_max3A_78 : vector<512xf32> to vector<512x1xf32>
    %eq3A_80 = vector.broadcast %broadcast_in_dim3A_79 : vector<512x1xf32> to vector<512x2048xf32>
    %eq3A_81 = arith.cmpf oeq, %select_n3A_76, %eq3A_80 : vector<512x2048xf32>
    %jit3A_82 = arith.constant 2048 : i32
    %broadcast_in_dim3A_83 = vector.broadcast %jit3A_82 : i32 to vector<512x2048xi32>
    %select_n3A_84 = arith.select %eq3A_81, %iota3A, %broadcast_in_dim3A_83 : vector<512x2048xi1>, vector<512x2048xi32>
    %reduce_min3A_85 = arith.constant dense<2147483647> : vector<512xi32>
    %reduce_min3A_86 = vector.multi_reduction <minsi>, %select_n3A_84, %reduce_min3A_85 [1] : vector<512x2048xi32> to vector<512xi32>
    %broadcast_in_dim3A_87 = vector.shape_cast %reduce_min3A_86 : vector<512xi32> to vector<512x1xi32>
    %concatenate3A = tpu.concatenate %add3A_20, %broadcast_in_dim3A_31, %broadcast_in_dim3A_45, %broadcast_in_dim3A_59, %broadcast_in_dim3A_73, %broadcast_in_dim3A_87 in 1 : vector<512x1xi32>, vector<512x1xi32>, vector<512x1xi32>, vector<512x1xi32>, vector<512x1xi32>, vector<512x1xi32> -> vector<512x6xi32>
    %mul3A_88 = arith.constant 2048 : i32
    %mul3A_89 = arith.muli %arg0, %mul3A_88 : i32
    %add3A_90 = vector.broadcast %mul3A_89 : i32 to vector<512x6xi32>
    %add3A_91 = arith.addi %concatenate3A, %add3A_90 : vector<512x6xi32>
    %swap3A = arith.constant 0 : index
    %swap3A_92 = arith.constant 0 : index
    %swap3A_93 = arith.constant 0 : index
    %swap3A_94 = vector.load %arg13[%swap3A, %swap3A_92, %swap3A_93] : memref<1x512x6xi32, #tpu.memory_space<vmem>>, vector<1x512x6xi32>
    %swap3A_95 = vector.shape_cast %swap3A_94 : vector<1x512x6xi32> to vector<512x6xi32>
    %swap3A_96 = vector.shape_cast %add3A_91 : vector<512x6xi32> to vector<1x512x6xi32>
    tpu.vector_store %arg13[%swap3A, %swap3A_92, %swap3A_93], %swap3A_96 {strides = array<i32>} : memref<1x512x6xi32, #tpu.memory_space<vmem>>, vector<1x512x6xi32>,
    %eq3A_97 = arith.constant 0 : i32
    %eq3A_98 = arith.cmpi eq, %arg1, %eq3A_97 : i32
    %convert_element_type3A = arith.extui %eq3A_98 : i1 to i32
    %cond3A = arith.constant 0 : i32
    %cond3A_99 = arith.cmpi ne, %convert_element_type3A, %cond3A : i32
    scf.if %cond3A_99 {
      %get3A_100 = arith.constant 0 : index
      %get3A_101 = arith.constant 0 : index
      %get3A_102 = vector.load %arg4[%get3A_100, %get3A_101] : memref<128x128xf32, #tpu.memory_space<vmem>>, vector<128x128xf32>
      %dot_general3A_103 = arith.constant dense<0.000000e+00> : vector<2048x128xf32>
      %dot_general3A_104 = tpu.matmul %get3A_3, %get3A_102, %dot_general3A_103 {dimension_numbers = #tpu.dot_dimension_numbers<[1], [0], [0], [1], [0, 0, 1, 1], [], []>, transpose_lhs_hint = false} : vector<2048x128xf32>, vector<128x128xf32>, vector<2048x128xf32> -> vector<2048x128xf32>
      %get3A_105 = arith.constant 0 : index
      %get3A_106 = arith.constant 0 : index
      %get3A_107 = vector.load %arg5[%get3A_105, %get3A_106] : memref<1x128xf32, #tpu.memory_space<vmem>>, vector<1x128xf32>
      %add3A_108 = vector.broadcast %get3A_107 : vector<1x128xf32> to vector<2048x128xf32>
      %add3A_109 = arith.addf %dot_general3A_104, %add3A_108 : vector<2048x128xf32>
      %max3A = arith.constant 0.000000e+00 : f32
      %max3A_110 = vector.broadcast %max3A : f32 to vector<2048x128xf32>
      %max3A_111 = arith.maximumf %add3A_109, %max3A_110 : vector<2048x128xf32>
      %get3A_112 = arith.constant 0 : index
      %get3A_113 = arith.constant 0 : index
      %get3A_114 = vector.load %arg7[%get3A_112, %get3A_113] : memref<1x128xf32, #tpu.memory_space<vmem>>, vector<1x128xf32>
      %get3A_115 = arith.constant 1 : index
      %get3A_116 = arith.constant 0 : index
      %get3A_117 = arith.constant 0 : index
      %get3A_118 = vector.load %arg6[%get3A_115, %get3A_116, %get3A_117] : memref<3x128x128xf32, #tpu.memory_space<vmem>>, vector<1x128x128xf32>
      %get3A_119 = vector.shape_cast %get3A_118 : vector<1x128x128xf32> to vector<128x128xf32>
      %dot_general3A_120 = arith.constant dense<0.000000e+00> : vector<2048x128xf32>
      %dot_general3A_121 = tpu.matmul %max3A_111, %get3A_119, %dot_general3A_120 {dimension_numbers = #tpu.dot_dimension_numbers<[1], [0], [0], [1], [0, 0, 1, 1], [], []>, transpose_lhs_hint = false} : vector<2048x128xf32>, vector<128x128xf32>, vector<2048x128xf32> -> vector<2048x128xf32>
      %add3A_122 = vector.broadcast %get3A_114 : vector<1x128xf32> to vector<2048x128xf32>
      %add3A_123 = arith.addf %dot_general3A_121, %add3A_122 : vector<2048x128xf32>
      %get3A_124 = arith.constant 0 : index
      %get3A_125 = arith.constant 0 : index
      %get3A_126 = arith.constant 0 : index
      %get3A_127 = vector.load %arg6[%get3A_124, %get3A_125, %get3A_126] : memref<3x128x128xf32, #tpu.memory_space<vmem>>, vector<1x128x128xf32>
      %get3A_128 = vector.shape_cast %get3A_127 : vector<1x128x128xf32> to vector<128x128xf32>
      %dot_general3A_129 = arith.constant dense<0.000000e+00> : vector<2048x128xf32>
      %dot_general3A_130 = tpu.matmul %max3A_111, %get3A_128, %dot_general3A_129 {dimension_numbers = #tpu.dot_dimension_numbers<[1], [0], [0], [1], [0, 0, 1, 1], [], []>, transpose_lhs_hint = false} : vector<2048x128xf32>, vector<128x128xf32>, vector<2048x128xf32> -> vector<2048x128xf32>
      %get3A_131 = arith.constant 2 : index
      %get3A_132 = arith.constant 0 : index
      %get3A_133 = arith.constant 0 : index
      %get3A_134 = vector.load %arg6[%get3A_131, %get3A_132, %get3A_133] : memref<3x128x128xf32, #tpu.memory_space<vmem>>, vector<1x128x128xf32>
      %get3A_135 = vector.shape_cast %get3A_134 : vector<1x128x128xf32> to vector<128x128xf32>
      %dot_general3A_136 = arith.constant dense<0.000000e+00> : vector<2048x128xf32>
      %dot_general3A_137 = tpu.matmul %max3A_111, %get3A_135, %dot_general3A_136 {dimension_numbers = #tpu.dot_dimension_numbers<[1], [0], [0], [1], [0, 0, 1, 1], [], []>, transpose_lhs_hint = false} : vector<2048x128xf32>, vector<128x128xf32>, vector<2048x128xf32> -> vector<2048x128xf32>
      %broadcast_in_dim3A_138 = arith.constant 0.000000e+00 : f32
      %broadcast_in_dim3A_139 = vector.broadcast %broadcast_in_dim3A_138 : f32 to vector<1x128xf32>
      %slice3A = vector.extract_strided_slice %dot_general3A_130 {offsets = [0, 0], sizes = [2047, 128], strides = [1, 1]} : vector<2048x128xf32> to vector<2047x128xf32>
      %concatenate3A_140 = tpu.concatenate %broadcast_in_dim3A_139, %slice3A in 0 : vector<1x128xf32>, vector<2047x128xf32> -> vector<2048x128xf32>
      %add3A_141 = arith.addf %add3A_123, %concatenate3A_140 : vector<2048x128xf32>
      %slice3A_142 = vector.extract_strided_slice %dot_general3A_137 {offsets = [1, 0], sizes = [2047, 128], strides = [1, 1]} : vector<2048x128xf32> to vector<2047x128xf32>
      %concatenate3A_143 = tpu.concatenate %slice3A_142, %broadcast_in_dim3A_139 in 0 : vector<2047x128xf32>, vector<1x128xf32> -> vector<2048x128xf32>
      %add3A_144 = arith.addf %add3A_141, %concatenate3A_143 : vector<2048x128xf32>
      %max3A_145 = arith.constant 0.000000e+00 : f32
      %max3A_146 = vector.broadcast %max3A_145 : f32 to vector<2048x128xf32>
      %max3A_147 = arith.maximumf %add3A_144, %max3A_146 : vector<2048x128xf32>
      %get3A_148 = arith.constant 0 : index
      %get3A_149 = arith.constant 0 : index
      %get3A_150 = vector.load %arg8[%get3A_148, %get3A_149] : memref<128x128xf32, #tpu.memory_space<vmem>>, vector<128x128xf32>
      %dot_general3A_151 = arith.constant dense<0.000000e+00> : vector<2048x128xf32>
      %dot_general3A_152 = tpu.matmul %max3A_147, %get3A_150, %dot_general3A_151 {dimension_numbers = #tpu.dot_dimension_numbers<[1], [0], [0], [1], [0, 0, 1, 1], [], []>, transpose_lhs_hint = false} : vector<2048x128xf32>, vector<128x128xf32>, vector<2048x128xf32> -> vector<2048x128xf32>
      %get3A_153 = arith.constant 0 : index
      %get3A_154 = arith.constant 0 : index
      %get3A_155 = vector.load %arg9[%get3A_153, %get3A_154] : memref<1x128xf32, #tpu.memory_space<vmem>>, vector<1x128xf32>
      %add3A_156 = vector.broadcast %get3A_155 : vector<1x128xf32> to vector<2048x128xf32>
      %add3A_157 = arith.addf %dot_general3A_152, %add3A_156 : vector<2048x128xf32>
      %add3A_158 = arith.addf %add3A_157, %get3A_3 : vector<2048x128xf32>
      %swap3A_159 = arith.constant 0 : index
      %swap3A_160 = arith.constant 0 : index
      %swap3A_161 = arith.constant 0 : index
      %swap3A_162 = vector.load %arg14[%swap3A_159, %swap3A_160, %swap3A_161] : memref<1x2048x128xf32, #tpu.memory_space<vmem>>, vector<1x2048x128xf32>
      %swap3A_163 = vector.shape_cast %swap3A_162 : vector<1x2048x128xf32> to vector<2048x128xf32>
      %swap3A_164 = vector.shape_cast %add3A_158 : vector<2048x128xf32> to vector<1x2048x128xf32>
      tpu.vector_store %arg14[%swap3A_159, %swap3A_160, %swap3A_161], %swap3A_164 {strides = array<i32>} : memref<1x2048x128xf32, #tpu.memory_space<vmem>>, vector<1x2048x128xf32>,
      %get3A_165 = arith.constant 0 : index
      %get3A_166 = arith.constant 0 : index
      %get3A_167 = vector.load %arg10[%get3A_165, %get3A_166] : memref<128x128xf32, #tpu.memory_space<vmem>>, vector<128x128xf32>
      %dot_general3A_168 = arith.constant dense<0.000000e+00> : vector<2048x128xf32>
      %dot_general3A_169 = tpu.matmul %get3A_3, %get3A_167, %dot_general3A_168 {dimension_numbers = #tpu.dot_dimension_numbers<[1], [0], [0], [1], [0, 0, 1, 1], [], []>, transpose_lhs_hint = false} : vector<2048x128xf32>, vector<128x128xf32>, vector<2048x128xf32> -> vector<2048x128xf32>
      %get3A_170 = arith.constant 0 : index
      %get3A_171 = arith.constant 0 : index
      %get3A_172 = vector.load %arg11[%get3A_170, %get3A_171] : memref<1x128xf32, #tpu.memory_space<vmem>>, vector<1x128xf32>
      %add3A_173 = vector.broadcast %get3A_172 : vector<1x128xf32> to vector<2048x128xf32>
      %add3A_174 = arith.addf %dot_general3A_169, %add3A_173 : vector<2048x128xf32>
      %swap3A_175 = arith.constant 0 : index
      %swap3A_176 = arith.constant 0 : index
      %swap3A_177 = arith.constant 0 : index
      %swap3A_178 = vector.load %arg15[%swap3A_175, %swap3A_176, %swap3A_177] : memref<1x2048x128xf32, #tpu.memory_space<vmem>>, vector<1x2048x128xf32>
      %swap3A_179 = vector.shape_cast %swap3A_178 : vector<1x2048x128xf32> to vector<2048x128xf32>
      %swap3A_180 = vector.shape_cast %add3A_174 : vector<2048x128xf32> to vector<1x2048x128xf32>
      tpu.vector_store %arg15[%swap3A_175, %swap3A_176, %swap3A_177], %swap3A_180 {strides = array<i32>} : memref<1x2048x128xf32, #tpu.memory_space<vmem>>, vector<1x2048x128xf32>,
      %get3A_181 = arith.constant 0 : index
      %get3A_182 = arith.constant 0 : index
      %get3A_183 = vector.load %arg12[%get3A_181, %get3A_182] : memref<128x128xf32, #tpu.memory_space<vmem>>, vector<128x128xf32>
      %dot_general3A_184 = arith.constant dense<0.000000e+00> : vector<2048x128xf32>
      %dot_general3A_185 = tpu.matmul %get3A_3, %get3A_183, %dot_general3A_184 {dimension_numbers = #tpu.dot_dimension_numbers<[1], [0], [0], [1], [0, 0, 1, 1], [], []>, transpose_lhs_hint = false} : vector<2048x128xf32>, vector<128x128xf32>, vector<2048x128xf32> -> vector<2048x128xf32>
      %swap3A_186 = arith.constant 0 : index
      %swap3A_187 = arith.constant 0 : index
      %swap3A_188 = arith.constant 0 : index
      %swap3A_189 = vector.load %arg16[%swap3A_186, %swap3A_187, %swap3A_188] : memref<1x2048x128xf32, #tpu.memory_space<vmem>>, vector<1x2048x128xf32>
      %swap3A_190 = vector.shape_cast %swap3A_189 : vector<1x2048x128xf32> to vector<2048x128xf32>
      %swap3A_191 = vector.shape_cast %dot_general3A_185 : vector<2048x128xf32> to vector<1x2048x128xf32>
      tpu.vector_store %arg16[%swap3A_186, %swap3A_187, %swap3A_188], %swap3A_191 {strides = array<i32>} : memref<1x2048x128xf32, #tpu.memory_space<vmem>>, vector<1x2048x128xf32>,
    } else {
    }
    return
  }
  func.func @transform_0(%arg0: i32, %arg1: i32) -> (i32, i32, i32) {
    %c0_i32 = arith.constant 0 : i32
    %c0_i32_0 = arith.constant 0 : i32
    %c0_i32_1 = arith.constant 0 : i32
    return %arg0, %c0_i32, %c0_i32_0 : i32, i32, i32
  }
  func.func @transform_1(%arg0: i32, %arg1: i32) -> (i32, i32, i32) {
    %c0_i32 = arith.constant 0 : i32
    %c0_i32_0 = arith.constant 0 : i32
    return %arg0, %arg1, %c0_i32 : i32, i32, i32
  }
  func.func @transform_2(%arg0: i32, %arg1: i32) -> (i32, i32) {
    %c0_i32 = arith.constant 0 : i32
    %c0_i32_0 = arith.constant 0 : i32
    %c0_i32_1 = arith.constant 0 : i32
    return %c0_i32, %c0_i32_0 : i32, i32
  }
  func.func @transform_3(%arg0: i32, %arg1: i32) -> (i32, i32) {
    %c0_i32 = arith.constant 0 : i32
    %c0_i32_0 = arith.constant 0 : i32
    %c0_i32_1 = arith.constant 0 : i32
    return %c0_i32, %c0_i32_0 : i32, i32
  }
  func.func @transform_4(%arg0: i32, %arg1: i32) -> (i32, i32, i32) {
    %c0_i32 = arith.constant 0 : i32
    %c0_i32_0 = arith.constant 0 : i32
    %c0_i32_1 = arith.constant 0 : i32
    %c0_i32_2 = arith.constant 0 : i32
    return %c0_i32, %c0_i32_0, %c0_i32_1 : i32, i32, i32
  }
  func.func @transform_5(%arg0: i32, %arg1: i32) -> (i32, i32) {
    %c0_i32 = arith.constant 0 : i32
    %c0_i32_0 = arith.constant 0 : i32
    %c0_i32_1 = arith.constant 0 : i32
    return %c0_i32, %c0_i32_0 : i32, i32
  }
  func.func @transform_6(%arg0: i32, %arg1: i32) -> (i32, i32) {
    %c0_i32 = arith.constant 0 : i32
    %c0_i32_0 = arith.constant 0 : i32
    %c0_i32_1 = arith.constant 0 : i32
    return %c0_i32, %c0_i32_0 : i32, i32
  }
  func.func @transform_7(%arg0: i32, %arg1: i32) -> (i32, i32) {
    %c0_i32 = arith.constant 0 : i32
    %c0_i32_0 = arith.constant 0 : i32
    %c0_i32_1 = arith.constant 0 : i32
    return %c0_i32, %c0_i32_0 : i32, i32
  }
  func.func @transform_8(%arg0: i32, %arg1: i32) -> (i32, i32) {
    %c0_i32 = arith.constant 0 : i32
    %c0_i32_0 = arith.constant 0 : i32
    %c0_i32_1 = arith.constant 0 : i32
    return %c0_i32, %c0_i32_0 : i32, i32
  }
  func.func @transform_9(%arg0: i32, %arg1: i32) -> (i32, i32) {
    %c0_i32 = arith.constant 0 : i32
    %c0_i32_0 = arith.constant 0 : i32
    %c0_i32_1 = arith.constant 0 : i32
    return %c0_i32, %c0_i32_0 : i32, i32
  }
  func.func @transform_10(%arg0: i32, %arg1: i32) -> (i32, i32) {
    %c0_i32 = arith.constant 0 : i32
    %c0_i32_0 = arith.constant 0 : i32
    %c0_i32_1 = arith.constant 0 : i32
    return %c0_i32, %c0_i32_0 : i32, i32
  }
  func.func @transform_11(%arg0: i32, %arg1: i32) -> (i32, i32, i32) {
    %c0_i32 = arith.constant 0 : i32
    %c0_i32_0 = arith.constant 0 : i32
    return %arg0, %arg1, %c0_i32 : i32, i32, i32
  }
  func.func @transform_12(%arg0: i32, %arg1: i32) -> (i32, i32, i32) {
    %c0_i32 = arith.constant 0 : i32
    %c0_i32_0 = arith.constant 0 : i32
    %c0_i32_1 = arith.constant 0 : i32
    return %arg0, %c0_i32, %c0_i32_0 : i32, i32, i32
  }
  func.func @transform_13(%arg0: i32, %arg1: i32) -> (i32, i32, i32) {
    %c0_i32 = arith.constant 0 : i32
    %c0_i32_0 = arith.constant 0 : i32
    %c0_i32_1 = arith.constant 0 : i32
    return %arg0, %c0_i32, %c0_i32_0 : i32, i32, i32
  }
  func.func @transform_14(%arg0: i32, %arg1: i32) -> (i32, i32, i32) {
    %c0_i32 = arith.constant 0 : i32
    %c0_i32_0 = arith.constant 0 : i32
    %c0_i32_1 = arith.constant 0 : i32
    return %arg0, %c0_i32, %c0_i32_0 : i32, i32, i32
  }
}

module attributes {stable_mosaic.version = 14 : i64} {
  func.func @_stage_c_body(%arg0: i32, %arg1: i32, %arg2: memref<1x6x256x128xf32, #tpu.memory_space<vmem>>, %arg3: memref<1x256x128xf32, #tpu.memory_space<vmem>>, %arg4: memref<1x256x128xf32, #tpu.memory_space<vmem>>, %arg5: memref<128x128xf32, #tpu.memory_space<vmem>>, %arg6: memref<1x128xf32, #tpu.memory_space<vmem>>, %arg7: memref<128x128xf32, #tpu.memory_space<vmem>>, %arg8: memref<1x128xf32, #tpu.memory_space<vmem>>, %arg9: memref<1x256x128xf32, #tpu.memory_space<vmem>>) attributes {dimension_semantics = [#tpu.dimension_semantics<arbitrary>, #tpu.dimension_semantics<arbitrary>], iteration_bounds = array<i64: 4, 8>, scalar_prefetch = 0 : i64, scratch_operands = 0 : i64, tpu.core_type = #tpu.core_type<tc>, window_params = [{transform_indices = @transform_0, window_bounds = array<i64: 1, 6, 256, 128>}, {transform_indices = @transform_1, window_bounds = array<i64: 1, 256, 128>}, {transform_indices = @transform_2, window_bounds = array<i64: 1, 256, 128>}, {pipeline_mode = #tpu.pipeline_mode<synchronous>, transform_indices = @transform_3, window_bounds = array<i64: 128, 128>}, {pipeline_mode = #tpu.pipeline_mode<synchronous>, transform_indices = @transform_4, window_bounds = array<i64: 1, 128>}, {pipeline_mode = #tpu.pipeline_mode<synchronous>, transform_indices = @transform_5, window_bounds = array<i64: 128, 128>}, {pipeline_mode = #tpu.pipeline_mode<synchronous>, transform_indices = @transform_6, window_bounds = array<i64: 1, 128>}, {transform_indices = @transform_7, window_bounds = array<i64: 1, 256, 128>}]} {
    %get3A = arith.constant 0 : index
    %get3A_0 = arith.constant 0 : index
    %get3A_1 = arith.constant 0 : index
    %get3A_2 = vector.load %arg3[%get3A, %get3A_0, %get3A_1] : memref<1x256x128xf32, #tpu.memory_space<vmem>>, vector<1x256x128xf32>
    %get3A_3 = vector.shape_cast %get3A_2 : vector<1x256x128xf32> to vector<256x128xf32>
    %get3A_4 = arith.constant 0 : index
    %get3A_5 = arith.constant 0 : index
    %get3A_6 = arith.constant 0 : index
    %get3A_7 = arith.constant 0 : index
    %get3A_8 = vector.load %arg2[%get3A_4, %get3A_5, %get3A_6, %get3A_7] : memref<1x6x256x128xf32, #tpu.memory_space<vmem>>, vector<1x1x256x128xf32>
    %get3A_9 = vector.shape_cast %get3A_8 : vector<1x1x256x128xf32> to vector<256x128xf32>
    %add3A = arith.addf %get3A_9, %get3A_3 : vector<256x128xf32>
    %max3A = arith.constant 0.000000e+00 : f32
    %max3A_10 = vector.broadcast %max3A : f32 to vector<256x128xf32>
    %max3A_11 = arith.maximumf %add3A, %max3A_10 : vector<256x128xf32>
    %get3A_12 = arith.constant 0 : index
    %get3A_13 = arith.constant 0 : index
    %get3A_14 = vector.load %arg5[%get3A_12, %get3A_13] : memref<128x128xf32, #tpu.memory_space<vmem>>, vector<128x128xf32>
    %dot_general3A = arith.constant dense<0.000000e+00> : vector<256x128xf32>
    %dot_general3A_15 = tpu.matmul %max3A_11, %get3A_14, %dot_general3A {dimension_numbers = #tpu.dot_dimension_numbers<[1], [0], [0], [1], [0, 0, 1, 1], [], []>, transpose_lhs_hint = false} : vector<256x128xf32>, vector<128x128xf32>, vector<256x128xf32> -> vector<256x128xf32>
    %get3A_16 = arith.constant 0 : index
    %get3A_17 = arith.constant 0 : index
    %get3A_18 = vector.load %arg6[%get3A_16, %get3A_17] : memref<1x128xf32, #tpu.memory_space<vmem>>, vector<1x128xf32>
    %add3A_19 = vector.broadcast %get3A_18 : vector<1x128xf32> to vector<256x128xf32>
    %add3A_20 = arith.addf %dot_general3A_15, %add3A_19 : vector<256x128xf32>
    %max3A_21 = arith.constant 0.000000e+00 : f32
    %max3A_22 = vector.broadcast %max3A_21 : f32 to vector<256x128xf32>
    %max3A_23 = arith.maximumf %add3A_20, %max3A_22 : vector<256x128xf32>
    %get3A_24 = arith.constant 0 : index
    %get3A_25 = arith.constant 0 : index
    %get3A_26 = vector.load %arg7[%get3A_24, %get3A_25] : memref<128x128xf32, #tpu.memory_space<vmem>>, vector<128x128xf32>
    %dot_general3A_27 = arith.constant dense<0.000000e+00> : vector<256x128xf32>
    %dot_general3A_28 = tpu.matmul %max3A_23, %get3A_26, %dot_general3A_27 {dimension_numbers = #tpu.dot_dimension_numbers<[1], [0], [0], [1], [0, 0, 1, 1], [], []>, transpose_lhs_hint = false} : vector<256x128xf32>, vector<128x128xf32>, vector<256x128xf32> -> vector<256x128xf32>
    %get3A_29 = arith.constant 0 : index
    %get3A_30 = arith.constant 0 : index
    %get3A_31 = vector.load %arg8[%get3A_29, %get3A_30] : memref<1x128xf32, #tpu.memory_space<vmem>>, vector<1x128xf32>
    %add3A_32 = vector.broadcast %get3A_31 : vector<1x128xf32> to vector<256x128xf32>
    %add3A_33 = arith.addf %dot_general3A_28, %add3A_32 : vector<256x128xf32>
    %get3A_34 = arith.constant 0 : index
    %get3A_35 = arith.constant 1 : index
    %get3A_36 = arith.constant 0 : index
    %get3A_37 = arith.constant 0 : index
    %get3A_38 = vector.load %arg2[%get3A_34, %get3A_35, %get3A_36, %get3A_37] : memref<1x6x256x128xf32, #tpu.memory_space<vmem>>, vector<1x1x256x128xf32>
    %get3A_39 = vector.shape_cast %get3A_38 : vector<1x1x256x128xf32> to vector<256x128xf32>
    %add3A_40 = arith.addf %get3A_39, %get3A_3 : vector<256x128xf32>
    %max3A_41 = arith.constant 0.000000e+00 : f32
    %max3A_42 = vector.broadcast %max3A_41 : f32 to vector<256x128xf32>
    %max3A_43 = arith.maximumf %add3A_40, %max3A_42 : vector<256x128xf32>
    %get3A_44 = arith.constant 0 : index
    %get3A_45 = arith.constant 0 : index
    %get3A_46 = vector.load %arg5[%get3A_44, %get3A_45] : memref<128x128xf32, #tpu.memory_space<vmem>>, vector<128x128xf32>
    %dot_general3A_47 = arith.constant dense<0.000000e+00> : vector<256x128xf32>
    %dot_general3A_48 = tpu.matmul %max3A_43, %get3A_46, %dot_general3A_47 {dimension_numbers = #tpu.dot_dimension_numbers<[1], [0], [0], [1], [0, 0, 1, 1], [], []>, transpose_lhs_hint = false} : vector<256x128xf32>, vector<128x128xf32>, vector<256x128xf32> -> vector<256x128xf32>
    %get3A_49 = arith.constant 0 : index
    %get3A_50 = arith.constant 0 : index
    %get3A_51 = vector.load %arg6[%get3A_49, %get3A_50] : memref<1x128xf32, #tpu.memory_space<vmem>>, vector<1x128xf32>
    %add3A_52 = vector.broadcast %get3A_51 : vector<1x128xf32> to vector<256x128xf32>
    %add3A_53 = arith.addf %dot_general3A_48, %add3A_52 : vector<256x128xf32>
    %max3A_54 = arith.constant 0.000000e+00 : f32
    %max3A_55 = vector.broadcast %max3A_54 : f32 to vector<256x128xf32>
    %max3A_56 = arith.maximumf %add3A_53, %max3A_55 : vector<256x128xf32>
    %get3A_57 = arith.constant 0 : index
    %get3A_58 = arith.constant 0 : index
    %get3A_59 = vector.load %arg7[%get3A_57, %get3A_58] : memref<128x128xf32, #tpu.memory_space<vmem>>, vector<128x128xf32>
    %dot_general3A_60 = arith.constant dense<0.000000e+00> : vector<256x128xf32>
    %dot_general3A_61 = tpu.matmul %max3A_56, %get3A_59, %dot_general3A_60 {dimension_numbers = #tpu.dot_dimension_numbers<[1], [0], [0], [1], [0, 0, 1, 1], [], []>, transpose_lhs_hint = false} : vector<256x128xf32>, vector<128x128xf32>, vector<256x128xf32> -> vector<256x128xf32>
    %get3A_62 = arith.constant 0 : index
    %get3A_63 = arith.constant 0 : index
    %get3A_64 = vector.load %arg8[%get3A_62, %get3A_63] : memref<1x128xf32, #tpu.memory_space<vmem>>, vector<1x128xf32>
    %add3A_65 = vector.broadcast %get3A_64 : vector<1x128xf32> to vector<256x128xf32>
    %add3A_66 = arith.addf %dot_general3A_61, %add3A_65 : vector<256x128xf32>
    %max3A_67 = arith.maximumf %add3A_33, %add3A_66 : vector<256x128xf32>
    %get3A_68 = arith.constant 0 : index
    %get3A_69 = arith.constant 2 : index
    %get3A_70 = arith.constant 0 : index
    %get3A_71 = arith.constant 0 : index
    %get3A_72 = vector.load %arg2[%get3A_68, %get3A_69, %get3A_70, %get3A_71] : memref<1x6x256x128xf32, #tpu.memory_space<vmem>>, vector<1x1x256x128xf32>
    %get3A_73 = vector.shape_cast %get3A_72 : vector<1x1x256x128xf32> to vector<256x128xf32>
    %add3A_74 = arith.addf %get3A_73, %get3A_3 : vector<256x128xf32>
    %max3A_75 = arith.constant 0.000000e+00 : f32
    %max3A_76 = vector.broadcast %max3A_75 : f32 to vector<256x128xf32>
    %max3A_77 = arith.maximumf %add3A_74, %max3A_76 : vector<256x128xf32>
    %get3A_78 = arith.constant 0 : index
    %get3A_79 = arith.constant 0 : index
    %get3A_80 = vector.load %arg5[%get3A_78, %get3A_79] : memref<128x128xf32, #tpu.memory_space<vmem>>, vector<128x128xf32>
    %dot_general3A_81 = arith.constant dense<0.000000e+00> : vector<256x128xf32>
    %dot_general3A_82 = tpu.matmul %max3A_77, %get3A_80, %dot_general3A_81 {dimension_numbers = #tpu.dot_dimension_numbers<[1], [0], [0], [1], [0, 0, 1, 1], [], []>, transpose_lhs_hint = false} : vector<256x128xf32>, vector<128x128xf32>, vector<256x128xf32> -> vector<256x128xf32>
    %get3A_83 = arith.constant 0 : index
    %get3A_84 = arith.constant 0 : index
    %get3A_85 = vector.load %arg6[%get3A_83, %get3A_84] : memref<1x128xf32, #tpu.memory_space<vmem>>, vector<1x128xf32>
    %add3A_86 = vector.broadcast %get3A_85 : vector<1x128xf32> to vector<256x128xf32>
    %add3A_87 = arith.addf %dot_general3A_82, %add3A_86 : vector<256x128xf32>
    %max3A_88 = arith.constant 0.000000e+00 : f32
    %max3A_89 = vector.broadcast %max3A_88 : f32 to vector<256x128xf32>
    %max3A_90 = arith.maximumf %add3A_87, %max3A_89 : vector<256x128xf32>
    %get3A_91 = arith.constant 0 : index
    %get3A_92 = arith.constant 0 : index
    %get3A_93 = vector.load %arg7[%get3A_91, %get3A_92] : memref<128x128xf32, #tpu.memory_space<vmem>>, vector<128x128xf32>
    %dot_general3A_94 = arith.constant dense<0.000000e+00> : vector<256x128xf32>
    %dot_general3A_95 = tpu.matmul %max3A_90, %get3A_93, %dot_general3A_94 {dimension_numbers = #tpu.dot_dimension_numbers<[1], [0], [0], [1], [0, 0, 1, 1], [], []>, transpose_lhs_hint = false} : vector<256x128xf32>, vector<128x128xf32>, vector<256x128xf32> -> vector<256x128xf32>
    %get3A_96 = arith.constant 0 : index
    %get3A_97 = arith.constant 0 : index
    %get3A_98 = vector.load %arg8[%get3A_96, %get3A_97] : memref<1x128xf32, #tpu.memory_space<vmem>>, vector<1x128xf32>
    %add3A_99 = vector.broadcast %get3A_98 : vector<1x128xf32> to vector<256x128xf32>
    %add3A_100 = arith.addf %dot_general3A_95, %add3A_99 : vector<256x128xf32>
    %max3A_101 = arith.maximumf %max3A_67, %add3A_100 : vector<256x128xf32>
    %get3A_102 = arith.constant 0 : index
    %get3A_103 = arith.constant 3 : index
    %get3A_104 = arith.constant 0 : index
    %get3A_105 = arith.constant 0 : index
    %get3A_106 = vector.load %arg2[%get3A_102, %get3A_103, %get3A_104, %get3A_105] : memref<1x6x256x128xf32, #tpu.memory_space<vmem>>, vector<1x1x256x128xf32>
    %get3A_107 = vector.shape_cast %get3A_106 : vector<1x1x256x128xf32> to vector<256x128xf32>
    %add3A_108 = arith.addf %get3A_107, %get3A_3 : vector<256x128xf32>
    %max3A_109 = arith.constant 0.000000e+00 : f32
    %max3A_110 = vector.broadcast %max3A_109 : f32 to vector<256x128xf32>
    %max3A_111 = arith.maximumf %add3A_108, %max3A_110 : vector<256x128xf32>
    %get3A_112 = arith.constant 0 : index
    %get3A_113 = arith.constant 0 : index
    %get3A_114 = vector.load %arg5[%get3A_112, %get3A_113] : memref<128x128xf32, #tpu.memory_space<vmem>>, vector<128x128xf32>
    %dot_general3A_115 = arith.constant dense<0.000000e+00> : vector<256x128xf32>
    %dot_general3A_116 = tpu.matmul %max3A_111, %get3A_114, %dot_general3A_115 {dimension_numbers = #tpu.dot_dimension_numbers<[1], [0], [0], [1], [0, 0, 1, 1], [], []>, transpose_lhs_hint = false} : vector<256x128xf32>, vector<128x128xf32>, vector<256x128xf32> -> vector<256x128xf32>
    %get3A_117 = arith.constant 0 : index
    %get3A_118 = arith.constant 0 : index
    %get3A_119 = vector.load %arg6[%get3A_117, %get3A_118] : memref<1x128xf32, #tpu.memory_space<vmem>>, vector<1x128xf32>
    %add3A_120 = vector.broadcast %get3A_119 : vector<1x128xf32> to vector<256x128xf32>
    %add3A_121 = arith.addf %dot_general3A_116, %add3A_120 : vector<256x128xf32>
    %max3A_122 = arith.constant 0.000000e+00 : f32
    %max3A_123 = vector.broadcast %max3A_122 : f32 to vector<256x128xf32>
    %max3A_124 = arith.maximumf %add3A_121, %max3A_123 : vector<256x128xf32>
    %get3A_125 = arith.constant 0 : index
    %get3A_126 = arith.constant 0 : index
    %get3A_127 = vector.load %arg7[%get3A_125, %get3A_126] : memref<128x128xf32, #tpu.memory_space<vmem>>, vector<128x128xf32>
    %dot_general3A_128 = arith.constant dense<0.000000e+00> : vector<256x128xf32>
    %dot_general3A_129 = tpu.matmul %max3A_124, %get3A_127, %dot_general3A_128 {dimension_numbers = #tpu.dot_dimension_numbers<[1], [0], [0], [1], [0, 0, 1, 1], [], []>, transpose_lhs_hint = false} : vector<256x128xf32>, vector<128x128xf32>, vector<256x128xf32> -> vector<256x128xf32>
    %get3A_130 = arith.constant 0 : index
    %get3A_131 = arith.constant 0 : index
    %get3A_132 = vector.load %arg8[%get3A_130, %get3A_131] : memref<1x128xf32, #tpu.memory_space<vmem>>, vector<1x128xf32>
    %add3A_133 = vector.broadcast %get3A_132 : vector<1x128xf32> to vector<256x128xf32>
    %add3A_134 = arith.addf %dot_general3A_129, %add3A_133 : vector<256x128xf32>
    %max3A_135 = arith.maximumf %max3A_101, %add3A_134 : vector<256x128xf32>
    %get3A_136 = arith.constant 0 : index
    %get3A_137 = arith.constant 4 : index
    %get3A_138 = arith.constant 0 : index
    %get3A_139 = arith.constant 0 : index
    %get3A_140 = vector.load %arg2[%get3A_136, %get3A_137, %get3A_138, %get3A_139] : memref<1x6x256x128xf32, #tpu.memory_space<vmem>>, vector<1x1x256x128xf32>
    %get3A_141 = vector.shape_cast %get3A_140 : vector<1x1x256x128xf32> to vector<256x128xf32>
    %add3A_142 = arith.addf %get3A_141, %get3A_3 : vector<256x128xf32>
    %max3A_143 = arith.constant 0.000000e+00 : f32
    %max3A_144 = vector.broadcast %max3A_143 : f32 to vector<256x128xf32>
    %max3A_145 = arith.maximumf %add3A_142, %max3A_144 : vector<256x128xf32>
    %get3A_146 = arith.constant 0 : index
    %get3A_147 = arith.constant 0 : index
    %get3A_148 = vector.load %arg5[%get3A_146, %get3A_147] : memref<128x128xf32, #tpu.memory_space<vmem>>, vector<128x128xf32>
    %dot_general3A_149 = arith.constant dense<0.000000e+00> : vector<256x128xf32>
    %dot_general3A_150 = tpu.matmul %max3A_145, %get3A_148, %dot_general3A_149 {dimension_numbers = #tpu.dot_dimension_numbers<[1], [0], [0], [1], [0, 0, 1, 1], [], []>, transpose_lhs_hint = false} : vector<256x128xf32>, vector<128x128xf32>, vector<256x128xf32> -> vector<256x128xf32>
    %get3A_151 = arith.constant 0 : index
    %get3A_152 = arith.constant 0 : index
    %get3A_153 = vector.load %arg6[%get3A_151, %get3A_152] : memref<1x128xf32, #tpu.memory_space<vmem>>, vector<1x128xf32>
    %add3A_154 = vector.broadcast %get3A_153 : vector<1x128xf32> to vector<256x128xf32>
    %add3A_155 = arith.addf %dot_general3A_150, %add3A_154 : vector<256x128xf32>
    %max3A_156 = arith.constant 0.000000e+00 : f32
    %max3A_157 = vector.broadcast %max3A_156 : f32 to vector<256x128xf32>
    %max3A_158 = arith.maximumf %add3A_155, %max3A_157 : vector<256x128xf32>
    %get3A_159 = arith.constant 0 : index
    %get3A_160 = arith.constant 0 : index
    %get3A_161 = vector.load %arg7[%get3A_159, %get3A_160] : memref<128x128xf32, #tpu.memory_space<vmem>>, vector<128x128xf32>
    %dot_general3A_162 = arith.constant dense<0.000000e+00> : vector<256x128xf32>
    %dot_general3A_163 = tpu.matmul %max3A_158, %get3A_161, %dot_general3A_162 {dimension_numbers = #tpu.dot_dimension_numbers<[1], [0], [0], [1], [0, 0, 1, 1], [], []>, transpose_lhs_hint = false} : vector<256x128xf32>, vector<128x128xf32>, vector<256x128xf32> -> vector<256x128xf32>
    %get3A_164 = arith.constant 0 : index
    %get3A_165 = arith.constant 0 : index
    %get3A_166 = vector.load %arg8[%get3A_164, %get3A_165] : memref<1x128xf32, #tpu.memory_space<vmem>>, vector<1x128xf32>
    %add3A_167 = vector.broadcast %get3A_166 : vector<1x128xf32> to vector<256x128xf32>
    %add3A_168 = arith.addf %dot_general3A_163, %add3A_167 : vector<256x128xf32>
    %max3A_169 = arith.maximumf %max3A_135, %add3A_168 : vector<256x128xf32>
    %get3A_170 = arith.constant 0 : index
    %get3A_171 = arith.constant 5 : index
    %get3A_172 = arith.constant 0 : index
    %get3A_173 = arith.constant 0 : index
    %get3A_174 = vector.load %arg2[%get3A_170, %get3A_171, %get3A_172, %get3A_173] : memref<1x6x256x128xf32, #tpu.memory_space<vmem>>, vector<1x1x256x128xf32>
    %get3A_175 = vector.shape_cast %get3A_174 : vector<1x1x256x128xf32> to vector<256x128xf32>
    %add3A_176 = arith.addf %get3A_175, %get3A_3 : vector<256x128xf32>
    %max3A_177 = arith.constant 0.000000e+00 : f32
    %max3A_178 = vector.broadcast %max3A_177 : f32 to vector<256x128xf32>
    %max3A_179 = arith.maximumf %add3A_176, %max3A_178 : vector<256x128xf32>
    %get3A_180 = arith.constant 0 : index
    %get3A_181 = arith.constant 0 : index
    %get3A_182 = vector.load %arg5[%get3A_180, %get3A_181] : memref<128x128xf32, #tpu.memory_space<vmem>>, vector<128x128xf32>
    %dot_general3A_183 = arith.constant dense<0.000000e+00> : vector<256x128xf32>
    %dot_general3A_184 = tpu.matmul %max3A_179, %get3A_182, %dot_general3A_183 {dimension_numbers = #tpu.dot_dimension_numbers<[1], [0], [0], [1], [0, 0, 1, 1], [], []>, transpose_lhs_hint = false} : vector<256x128xf32>, vector<128x128xf32>, vector<256x128xf32> -> vector<256x128xf32>
    %get3A_185 = arith.constant 0 : index
    %get3A_186 = arith.constant 0 : index
    %get3A_187 = vector.load %arg6[%get3A_185, %get3A_186] : memref<1x128xf32, #tpu.memory_space<vmem>>, vector<1x128xf32>
    %add3A_188 = vector.broadcast %get3A_187 : vector<1x128xf32> to vector<256x128xf32>
    %add3A_189 = arith.addf %dot_general3A_184, %add3A_188 : vector<256x128xf32>
    %max3A_190 = arith.constant 0.000000e+00 : f32
    %max3A_191 = vector.broadcast %max3A_190 : f32 to vector<256x128xf32>
    %max3A_192 = arith.maximumf %add3A_189, %max3A_191 : vector<256x128xf32>
    %get3A_193 = arith.constant 0 : index
    %get3A_194 = arith.constant 0 : index
    %get3A_195 = vector.load %arg7[%get3A_193, %get3A_194] : memref<128x128xf32, #tpu.memory_space<vmem>>, vector<128x128xf32>
    %dot_general3A_196 = arith.constant dense<0.000000e+00> : vector<256x128xf32>
    %dot_general3A_197 = tpu.matmul %max3A_192, %get3A_195, %dot_general3A_196 {dimension_numbers = #tpu.dot_dimension_numbers<[1], [0], [0], [1], [0, 0, 1, 1], [], []>, transpose_lhs_hint = false} : vector<256x128xf32>, vector<128x128xf32>, vector<256x128xf32> -> vector<256x128xf32>
    %get3A_198 = arith.constant 0 : index
    %get3A_199 = arith.constant 0 : index
    %get3A_200 = vector.load %arg8[%get3A_198, %get3A_199] : memref<1x128xf32, #tpu.memory_space<vmem>>, vector<1x128xf32>
    %add3A_201 = vector.broadcast %get3A_200 : vector<1x128xf32> to vector<256x128xf32>
    %add3A_202 = arith.addf %dot_general3A_197, %add3A_201 : vector<256x128xf32>
    %max3A_203 = arith.maximumf %max3A_169, %add3A_202 : vector<256x128xf32>
    %get3A_204 = arith.constant 0 : index
    %get3A_205 = arith.constant 0 : index
    %get3A_206 = arith.constant 0 : index
    %get3A_207 = vector.load %arg4[%get3A_204, %get3A_205, %get3A_206] : memref<1x256x128xf32, #tpu.memory_space<vmem>>, vector<1x256x128xf32>
    %get3A_208 = vector.shape_cast %get3A_207 : vector<1x256x128xf32> to vector<256x128xf32>
    %add3A_209 = arith.addf %get3A_208, %max3A_203 : vector<256x128xf32>
    %max3A_210 = arith.constant 0.000000e+00 : f32
    %max3A_211 = vector.broadcast %max3A_210 : f32 to vector<256x128xf32>
    %max3A_212 = arith.maximumf %add3A_209, %max3A_211 : vector<256x128xf32>
    %swap3A = arith.constant 0 : index
    %swap3A_213 = arith.constant 0 : index
    %swap3A_214 = arith.constant 0 : index
    %swap3A_215 = vector.load %arg9[%swap3A, %swap3A_213, %swap3A_214] : memref<1x256x128xf32, #tpu.memory_space<vmem>>, vector<1x256x128xf32>
    %swap3A_216 = vector.shape_cast %swap3A_215 : vector<1x256x128xf32> to vector<256x128xf32>
    %swap3A_217 = vector.shape_cast %max3A_212 : vector<256x128xf32> to vector<1x256x128xf32>
    tpu.vector_store %arg9[%swap3A, %swap3A_213, %swap3A_214], %swap3A_217 {strides = array<i32>} : memref<1x256x128xf32, #tpu.memory_space<vmem>>, vector<1x256x128xf32>,
    return
  }
  func.func @transform_0(%arg0: i32, %arg1: i32) -> (i32, i32, i32, i32) {
    %c0_i32 = arith.constant 0 : i32
    %c0_i32_0 = arith.constant 0 : i32
    %c0_i32_1 = arith.constant 0 : i32
    return %arg0, %c0_i32, %arg1, %c0_i32_0 : i32, i32, i32, i32
  }
  func.func @transform_1(%arg0: i32, %arg1: i32) -> (i32, i32, i32) {
    %c0_i32 = arith.constant 0 : i32
    %c0_i32_0 = arith.constant 0 : i32
    return %arg0, %arg1, %c0_i32 : i32, i32, i32
  }
  func.func @transform_2(%arg0: i32, %arg1: i32) -> (i32, i32, i32) {
    %c0_i32 = arith.constant 0 : i32
    %c0_i32_0 = arith.constant 0 : i32
    return %arg0, %arg1, %c0_i32 : i32, i32, i32
  }
  func.func @transform_3(%arg0: i32, %arg1: i32) -> (i32, i32) {
    %c0_i32 = arith.constant 0 : i32
    %c0_i32_0 = arith.constant 0 : i32
    %c0_i32_1 = arith.constant 0 : i32
    return %c0_i32, %c0_i32_0 : i32, i32
  }
  func.func @transform_4(%arg0: i32, %arg1: i32) -> (i32, i32) {
    %c0_i32 = arith.constant 0 : i32
    %c0_i32_0 = arith.constant 0 : i32
    %c0_i32_1 = arith.constant 0 : i32
    return %c0_i32, %c0_i32_0 : i32, i32
  }
  func.func @transform_5(%arg0: i32, %arg1: i32) -> (i32, i32) {
    %c0_i32 = arith.constant 0 : i32
    %c0_i32_0 = arith.constant 0 : i32
    %c0_i32_1 = arith.constant 0 : i32
    return %c0_i32, %c0_i32_0 : i32, i32
  }
  func.func @transform_6(%arg0: i32, %arg1: i32) -> (i32, i32) {
    %c0_i32 = arith.constant 0 : i32
    %c0_i32_0 = arith.constant 0 : i32
    %c0_i32_1 = arith.constant 0 : i32
    return %c0_i32, %c0_i32_0 : i32, i32
  }
  func.func @transform_7(%arg0: i32, %arg1: i32) -> (i32, i32, i32) {
    %c0_i32 = arith.constant 0 : i32
    %c0_i32_0 = arith.constant 0 : i32
    return %arg0, %arg1, %c0_i32 : i32, i32, i32
  }
}

module attributes {stable_mosaic.version = 14 : i64} {
  func.func @_stage_c_final_body(%arg0: i32, %arg1: i32, %arg2: memref<1x6x256x128xf32, #tpu.memory_space<vmem>>, %arg3: memref<1x256x128xf32, #tpu.memory_space<vmem>>, %arg4: memref<1x256x128xf32, #tpu.memory_space<vmem>>, %arg5: memref<1x256x128xf32, #tpu.memory_space<vmem>>, %arg6: memref<128x128xf32, #tpu.memory_space<vmem>>, %arg7: memref<1x128xf32, #tpu.memory_space<vmem>>, %arg8: memref<128x128xf32, #tpu.memory_space<vmem>>, %arg9: memref<1x128xf32, #tpu.memory_space<vmem>>, %arg10: memref<1x256x128xf32, #tpu.memory_space<vmem>>) attributes {dimension_semantics = [#tpu.dimension_semantics<arbitrary>, #tpu.dimension_semantics<arbitrary>], iteration_bounds = array<i64: 4, 8>, scalar_prefetch = 0 : i64, scratch_operands = 0 : i64, tpu.core_type = #tpu.core_type<tc>, window_params = [{transform_indices = @transform_0, window_bounds = array<i64: 1, 6, 256, 128>}, {transform_indices = @transform_1, window_bounds = array<i64: 1, 256, 128>}, {transform_indices = @transform_2, window_bounds = array<i64: 1, 256, 128>}, {transform_indices = @transform_3, window_bounds = array<i64: 1, 256, 128>}, {pipeline_mode = #tpu.pipeline_mode<synchronous>, transform_indices = @transform_4, window_bounds = array<i64: 128, 128>}, {pipeline_mode = #tpu.pipeline_mode<synchronous>, transform_indices = @transform_5, window_bounds = array<i64: 1, 128>}, {pipeline_mode = #tpu.pipeline_mode<synchronous>, transform_indices = @transform_6, window_bounds = array<i64: 128, 128>}, {pipeline_mode = #tpu.pipeline_mode<synchronous>, transform_indices = @transform_7, window_bounds = array<i64: 1, 128>}, {transform_indices = @transform_8, window_bounds = array<i64: 1, 256, 128>}]} {
    %get3A = arith.constant 0 : index
    %get3A_0 = arith.constant 0 : index
    %get3A_1 = arith.constant 0 : index
    %get3A_2 = vector.load %arg3[%get3A, %get3A_0, %get3A_1] : memref<1x256x128xf32, #tpu.memory_space<vmem>>, vector<1x256x128xf32>
    %get3A_3 = vector.shape_cast %get3A_2 : vector<1x256x128xf32> to vector<256x128xf32>
    %get3A_4 = arith.constant 0 : index
    %get3A_5 = arith.constant 0 : index
    %get3A_6 = arith.constant 0 : index
    %get3A_7 = arith.constant 0 : index
    %get3A_8 = vector.load %arg2[%get3A_4, %get3A_5, %get3A_6, %get3A_7] : memref<1x6x256x128xf32, #tpu.memory_space<vmem>>, vector<1x1x256x128xf32>
    %get3A_9 = vector.shape_cast %get3A_8 : vector<1x1x256x128xf32> to vector<256x128xf32>
    %add3A = arith.addf %get3A_9, %get3A_3 : vector<256x128xf32>
    %max3A = arith.constant 0.000000e+00 : f32
    %max3A_10 = vector.broadcast %max3A : f32 to vector<256x128xf32>
    %max3A_11 = arith.maximumf %add3A, %max3A_10 : vector<256x128xf32>
    %get3A_12 = arith.constant 0 : index
    %get3A_13 = arith.constant 0 : index
    %get3A_14 = vector.load %arg6[%get3A_12, %get3A_13] : memref<128x128xf32, #tpu.memory_space<vmem>>, vector<128x128xf32>
    %dot_general3A = arith.constant dense<0.000000e+00> : vector<256x128xf32>
    %dot_general3A_15 = tpu.matmul %max3A_11, %get3A_14, %dot_general3A {dimension_numbers = #tpu.dot_dimension_numbers<[1], [0], [0], [1], [0, 0, 1, 1], [], []>, transpose_lhs_hint = false} : vector<256x128xf32>, vector<128x128xf32>, vector<256x128xf32> -> vector<256x128xf32>
    %get3A_16 = arith.constant 0 : index
    %get3A_17 = arith.constant 0 : index
    %get3A_18 = vector.load %arg7[%get3A_16, %get3A_17] : memref<1x128xf32, #tpu.memory_space<vmem>>, vector<1x128xf32>
    %add3A_19 = vector.broadcast %get3A_18 : vector<1x128xf32> to vector<256x128xf32>
    %add3A_20 = arith.addf %dot_general3A_15, %add3A_19 : vector<256x128xf32>
    %max3A_21 = arith.constant 0.000000e+00 : f32
    %max3A_22 = vector.broadcast %max3A_21 : f32 to vector<256x128xf32>
    %max3A_23 = arith.maximumf %add3A_20, %max3A_22 : vector<256x128xf32>
    %get3A_24 = arith.constant 0 : index
    %get3A_25 = arith.constant 0 : index
    %get3A_26 = vector.load %arg8[%get3A_24, %get3A_25] : memref<128x128xf32, #tpu.memory_space<vmem>>, vector<128x128xf32>
    %dot_general3A_27 = arith.constant dense<0.000000e+00> : vector<256x128xf32>
    %dot_general3A_28 = tpu.matmul %max3A_23, %get3A_26, %dot_general3A_27 {dimension_numbers = #tpu.dot_dimension_numbers<[1], [0], [0], [1], [0, 0, 1, 1], [], []>, transpose_lhs_hint = false} : vector<256x128xf32>, vector<128x128xf32>, vector<256x128xf32> -> vector<256x128xf32>
    %get3A_29 = arith.constant 0 : index
    %get3A_30 = arith.constant 0 : index
    %get3A_31 = vector.load %arg9[%get3A_29, %get3A_30] : memref<1x128xf32, #tpu.memory_space<vmem>>, vector<1x128xf32>
    %add3A_32 = vector.broadcast %get3A_31 : vector<1x128xf32> to vector<256x128xf32>
    %add3A_33 = arith.addf %dot_general3A_28, %add3A_32 : vector<256x128xf32>
    %get3A_34 = arith.constant 0 : index
    %get3A_35 = arith.constant 1 : index
    %get3A_36 = arith.constant 0 : index
    %get3A_37 = arith.constant 0 : index
    %get3A_38 = vector.load %arg2[%get3A_34, %get3A_35, %get3A_36, %get3A_37] : memref<1x6x256x128xf32, #tpu.memory_space<vmem>>, vector<1x1x256x128xf32>
    %get3A_39 = vector.shape_cast %get3A_38 : vector<1x1x256x128xf32> to vector<256x128xf32>
    %add3A_40 = arith.addf %get3A_39, %get3A_3 : vector<256x128xf32>
    %max3A_41 = arith.constant 0.000000e+00 : f32
    %max3A_42 = vector.broadcast %max3A_41 : f32 to vector<256x128xf32>
    %max3A_43 = arith.maximumf %add3A_40, %max3A_42 : vector<256x128xf32>
    %get3A_44 = arith.constant 0 : index
    %get3A_45 = arith.constant 0 : index
    %get3A_46 = vector.load %arg6[%get3A_44, %get3A_45] : memref<128x128xf32, #tpu.memory_space<vmem>>, vector<128x128xf32>
    %dot_general3A_47 = arith.constant dense<0.000000e+00> : vector<256x128xf32>
    %dot_general3A_48 = tpu.matmul %max3A_43, %get3A_46, %dot_general3A_47 {dimension_numbers = #tpu.dot_dimension_numbers<[1], [0], [0], [1], [0, 0, 1, 1], [], []>, transpose_lhs_hint = false} : vector<256x128xf32>, vector<128x128xf32>, vector<256x128xf32> -> vector<256x128xf32>
    %get3A_49 = arith.constant 0 : index
    %get3A_50 = arith.constant 0 : index
    %get3A_51 = vector.load %arg7[%get3A_49, %get3A_50] : memref<1x128xf32, #tpu.memory_space<vmem>>, vector<1x128xf32>
    %add3A_52 = vector.broadcast %get3A_51 : vector<1x128xf32> to vector<256x128xf32>
    %add3A_53 = arith.addf %dot_general3A_48, %add3A_52 : vector<256x128xf32>
    %max3A_54 = arith.constant 0.000000e+00 : f32
    %max3A_55 = vector.broadcast %max3A_54 : f32 to vector<256x128xf32>
    %max3A_56 = arith.maximumf %add3A_53, %max3A_55 : vector<256x128xf32>
    %get3A_57 = arith.constant 0 : index
    %get3A_58 = arith.constant 0 : index
    %get3A_59 = vector.load %arg8[%get3A_57, %get3A_58] : memref<128x128xf32, #tpu.memory_space<vmem>>, vector<128x128xf32>
    %dot_general3A_60 = arith.constant dense<0.000000e+00> : vector<256x128xf32>
    %dot_general3A_61 = tpu.matmul %max3A_56, %get3A_59, %dot_general3A_60 {dimension_numbers = #tpu.dot_dimension_numbers<[1], [0], [0], [1], [0, 0, 1, 1], [], []>, transpose_lhs_hint = false} : vector<256x128xf32>, vector<128x128xf32>, vector<256x128xf32> -> vector<256x128xf32>
    %get3A_62 = arith.constant 0 : index
    %get3A_63 = arith.constant 0 : index
    %get3A_64 = vector.load %arg9[%get3A_62, %get3A_63] : memref<1x128xf32, #tpu.memory_space<vmem>>, vector<1x128xf32>
    %add3A_65 = vector.broadcast %get3A_64 : vector<1x128xf32> to vector<256x128xf32>
    %add3A_66 = arith.addf %dot_general3A_61, %add3A_65 : vector<256x128xf32>
    %max3A_67 = arith.maximumf %add3A_33, %add3A_66 : vector<256x128xf32>
    %get3A_68 = arith.constant 0 : index
    %get3A_69 = arith.constant 2 : index
    %get3A_70 = arith.constant 0 : index
    %get3A_71 = arith.constant 0 : index
    %get3A_72 = vector.load %arg2[%get3A_68, %get3A_69, %get3A_70, %get3A_71] : memref<1x6x256x128xf32, #tpu.memory_space<vmem>>, vector<1x1x256x128xf32>
    %get3A_73 = vector.shape_cast %get3A_72 : vector<1x1x256x128xf32> to vector<256x128xf32>
    %add3A_74 = arith.addf %get3A_73, %get3A_3 : vector<256x128xf32>
    %max3A_75 = arith.constant 0.000000e+00 : f32
    %max3A_76 = vector.broadcast %max3A_75 : f32 to vector<256x128xf32>
    %max3A_77 = arith.maximumf %add3A_74, %max3A_76 : vector<256x128xf32>
    %get3A_78 = arith.constant 0 : index
    %get3A_79 = arith.constant 0 : index
    %get3A_80 = vector.load %arg6[%get3A_78, %get3A_79] : memref<128x128xf32, #tpu.memory_space<vmem>>, vector<128x128xf32>
    %dot_general3A_81 = arith.constant dense<0.000000e+00> : vector<256x128xf32>
    %dot_general3A_82 = tpu.matmul %max3A_77, %get3A_80, %dot_general3A_81 {dimension_numbers = #tpu.dot_dimension_numbers<[1], [0], [0], [1], [0, 0, 1, 1], [], []>, transpose_lhs_hint = false} : vector<256x128xf32>, vector<128x128xf32>, vector<256x128xf32> -> vector<256x128xf32>
    %get3A_83 = arith.constant 0 : index
    %get3A_84 = arith.constant 0 : index
    %get3A_85 = vector.load %arg7[%get3A_83, %get3A_84] : memref<1x128xf32, #tpu.memory_space<vmem>>, vector<1x128xf32>
    %add3A_86 = vector.broadcast %get3A_85 : vector<1x128xf32> to vector<256x128xf32>
    %add3A_87 = arith.addf %dot_general3A_82, %add3A_86 : vector<256x128xf32>
    %max3A_88 = arith.constant 0.000000e+00 : f32
    %max3A_89 = vector.broadcast %max3A_88 : f32 to vector<256x128xf32>
    %max3A_90 = arith.maximumf %add3A_87, %max3A_89 : vector<256x128xf32>
    %get3A_91 = arith.constant 0 : index
    %get3A_92 = arith.constant 0 : index
    %get3A_93 = vector.load %arg8[%get3A_91, %get3A_92] : memref<128x128xf32, #tpu.memory_space<vmem>>, vector<128x128xf32>
    %dot_general3A_94 = arith.constant dense<0.000000e+00> : vector<256x128xf32>
    %dot_general3A_95 = tpu.matmul %max3A_90, %get3A_93, %dot_general3A_94 {dimension_numbers = #tpu.dot_dimension_numbers<[1], [0], [0], [1], [0, 0, 1, 1], [], []>, transpose_lhs_hint = false} : vector<256x128xf32>, vector<128x128xf32>, vector<256x128xf32> -> vector<256x128xf32>
    %get3A_96 = arith.constant 0 : index
    %get3A_97 = arith.constant 0 : index
    %get3A_98 = vector.load %arg9[%get3A_96, %get3A_97] : memref<1x128xf32, #tpu.memory_space<vmem>>, vector<1x128xf32>
    %add3A_99 = vector.broadcast %get3A_98 : vector<1x128xf32> to vector<256x128xf32>
    %add3A_100 = arith.addf %dot_general3A_95, %add3A_99 : vector<256x128xf32>
    %max3A_101 = arith.maximumf %max3A_67, %add3A_100 : vector<256x128xf32>
    %get3A_102 = arith.constant 0 : index
    %get3A_103 = arith.constant 3 : index
    %get3A_104 = arith.constant 0 : index
    %get3A_105 = arith.constant 0 : index
    %get3A_106 = vector.load %arg2[%get3A_102, %get3A_103, %get3A_104, %get3A_105] : memref<1x6x256x128xf32, #tpu.memory_space<vmem>>, vector<1x1x256x128xf32>
    %get3A_107 = vector.shape_cast %get3A_106 : vector<1x1x256x128xf32> to vector<256x128xf32>
    %add3A_108 = arith.addf %get3A_107, %get3A_3 : vector<256x128xf32>
    %max3A_109 = arith.constant 0.000000e+00 : f32
    %max3A_110 = vector.broadcast %max3A_109 : f32 to vector<256x128xf32>
    %max3A_111 = arith.maximumf %add3A_108, %max3A_110 : vector<256x128xf32>
    %get3A_112 = arith.constant 0 : index
    %get3A_113 = arith.constant 0 : index
    %get3A_114 = vector.load %arg6[%get3A_112, %get3A_113] : memref<128x128xf32, #tpu.memory_space<vmem>>, vector<128x128xf32>
    %dot_general3A_115 = arith.constant dense<0.000000e+00> : vector<256x128xf32>
    %dot_general3A_116 = tpu.matmul %max3A_111, %get3A_114, %dot_general3A_115 {dimension_numbers = #tpu.dot_dimension_numbers<[1], [0], [0], [1], [0, 0, 1, 1], [], []>, transpose_lhs_hint = false} : vector<256x128xf32>, vector<128x128xf32>, vector<256x128xf32> -> vector<256x128xf32>
    %get3A_117 = arith.constant 0 : index
    %get3A_118 = arith.constant 0 : index
    %get3A_119 = vector.load %arg7[%get3A_117, %get3A_118] : memref<1x128xf32, #tpu.memory_space<vmem>>, vector<1x128xf32>
    %add3A_120 = vector.broadcast %get3A_119 : vector<1x128xf32> to vector<256x128xf32>
    %add3A_121 = arith.addf %dot_general3A_116, %add3A_120 : vector<256x128xf32>
    %max3A_122 = arith.constant 0.000000e+00 : f32
    %max3A_123 = vector.broadcast %max3A_122 : f32 to vector<256x128xf32>
    %max3A_124 = arith.maximumf %add3A_121, %max3A_123 : vector<256x128xf32>
    %get3A_125 = arith.constant 0 : index
    %get3A_126 = arith.constant 0 : index
    %get3A_127 = vector.load %arg8[%get3A_125, %get3A_126] : memref<128x128xf32, #tpu.memory_space<vmem>>, vector<128x128xf32>
    %dot_general3A_128 = arith.constant dense<0.000000e+00> : vector<256x128xf32>
    %dot_general3A_129 = tpu.matmul %max3A_124, %get3A_127, %dot_general3A_128 {dimension_numbers = #tpu.dot_dimension_numbers<[1], [0], [0], [1], [0, 0, 1, 1], [], []>, transpose_lhs_hint = false} : vector<256x128xf32>, vector<128x128xf32>, vector<256x128xf32> -> vector<256x128xf32>
    %get3A_130 = arith.constant 0 : index
    %get3A_131 = arith.constant 0 : index
    %get3A_132 = vector.load %arg9[%get3A_130, %get3A_131] : memref<1x128xf32, #tpu.memory_space<vmem>>, vector<1x128xf32>
    %add3A_133 = vector.broadcast %get3A_132 : vector<1x128xf32> to vector<256x128xf32>
    %add3A_134 = arith.addf %dot_general3A_129, %add3A_133 : vector<256x128xf32>
    %max3A_135 = arith.maximumf %max3A_101, %add3A_134 : vector<256x128xf32>
    %get3A_136 = arith.constant 0 : index
    %get3A_137 = arith.constant 4 : index
    %get3A_138 = arith.constant 0 : index
    %get3A_139 = arith.constant 0 : index
    %get3A_140 = vector.load %arg2[%get3A_136, %get3A_137, %get3A_138, %get3A_139] : memref<1x6x256x128xf32, #tpu.memory_space<vmem>>, vector<1x1x256x128xf32>
    %get3A_141 = vector.shape_cast %get3A_140 : vector<1x1x256x128xf32> to vector<256x128xf32>
    %add3A_142 = arith.addf %get3A_141, %get3A_3 : vector<256x128xf32>
    %max3A_143 = arith.constant 0.000000e+00 : f32
    %max3A_144 = vector.broadcast %max3A_143 : f32 to vector<256x128xf32>
    %max3A_145 = arith.maximumf %add3A_142, %max3A_144 : vector<256x128xf32>
    %get3A_146 = arith.constant 0 : index
    %get3A_147 = arith.constant 0 : index
    %get3A_148 = vector.load %arg6[%get3A_146, %get3A_147] : memref<128x128xf32, #tpu.memory_space<vmem>>, vector<128x128xf32>
    %dot_general3A_149 = arith.constant dense<0.000000e+00> : vector<256x128xf32>
    %dot_general3A_150 = tpu.matmul %max3A_145, %get3A_148, %dot_general3A_149 {dimension_numbers = #tpu.dot_dimension_numbers<[1], [0], [0], [1], [0, 0, 1, 1], [], []>, transpose_lhs_hint = false} : vector<256x128xf32>, vector<128x128xf32>, vector<256x128xf32> -> vector<256x128xf32>
    %get3A_151 = arith.constant 0 : index
    %get3A_152 = arith.constant 0 : index
    %get3A_153 = vector.load %arg7[%get3A_151, %get3A_152] : memref<1x128xf32, #tpu.memory_space<vmem>>, vector<1x128xf32>
    %add3A_154 = vector.broadcast %get3A_153 : vector<1x128xf32> to vector<256x128xf32>
    %add3A_155 = arith.addf %dot_general3A_150, %add3A_154 : vector<256x128xf32>
    %max3A_156 = arith.constant 0.000000e+00 : f32
    %max3A_157 = vector.broadcast %max3A_156 : f32 to vector<256x128xf32>
    %max3A_158 = arith.maximumf %add3A_155, %max3A_157 : vector<256x128xf32>
    %get3A_159 = arith.constant 0 : index
    %get3A_160 = arith.constant 0 : index
    %get3A_161 = vector.load %arg8[%get3A_159, %get3A_160] : memref<128x128xf32, #tpu.memory_space<vmem>>, vector<128x128xf32>
    %dot_general3A_162 = arith.constant dense<0.000000e+00> : vector<256x128xf32>
    %dot_general3A_163 = tpu.matmul %max3A_158, %get3A_161, %dot_general3A_162 {dimension_numbers = #tpu.dot_dimension_numbers<[1], [0], [0], [1], [0, 0, 1, 1], [], []>, transpose_lhs_hint = false} : vector<256x128xf32>, vector<128x128xf32>, vector<256x128xf32> -> vector<256x128xf32>
    %get3A_164 = arith.constant 0 : index
    %get3A_165 = arith.constant 0 : index
    %get3A_166 = vector.load %arg9[%get3A_164, %get3A_165] : memref<1x128xf32, #tpu.memory_space<vmem>>, vector<1x128xf32>
    %add3A_167 = vector.broadcast %get3A_166 : vector<1x128xf32> to vector<256x128xf32>
    %add3A_168 = arith.addf %dot_general3A_163, %add3A_167 : vector<256x128xf32>
    %max3A_169 = arith.maximumf %max3A_135, %add3A_168 : vector<256x128xf32>
    %get3A_170 = arith.constant 0 : index
    %get3A_171 = arith.constant 5 : index
    %get3A_172 = arith.constant 0 : index
    %get3A_173 = arith.constant 0 : index
    %get3A_174 = vector.load %arg2[%get3A_170, %get3A_171, %get3A_172, %get3A_173] : memref<1x6x256x128xf32, #tpu.memory_space<vmem>>, vector<1x1x256x128xf32>
    %get3A_175 = vector.shape_cast %get3A_174 : vector<1x1x256x128xf32> to vector<256x128xf32>
    %add3A_176 = arith.addf %get3A_175, %get3A_3 : vector<256x128xf32>
    %max3A_177 = arith.constant 0.000000e+00 : f32
    %max3A_178 = vector.broadcast %max3A_177 : f32 to vector<256x128xf32>
    %max3A_179 = arith.maximumf %add3A_176, %max3A_178 : vector<256x128xf32>
    %get3A_180 = arith.constant 0 : index
    %get3A_181 = arith.constant 0 : index
    %get3A_182 = vector.load %arg6[%get3A_180, %get3A_181] : memref<128x128xf32, #tpu.memory_space<vmem>>, vector<128x128xf32>
    %dot_general3A_183 = arith.constant dense<0.000000e+00> : vector<256x128xf32>
    %dot_general3A_184 = tpu.matmul %max3A_179, %get3A_182, %dot_general3A_183 {dimension_numbers = #tpu.dot_dimension_numbers<[1], [0], [0], [1], [0, 0, 1, 1], [], []>, transpose_lhs_hint = false} : vector<256x128xf32>, vector<128x128xf32>, vector<256x128xf32> -> vector<256x128xf32>
    %get3A_185 = arith.constant 0 : index
    %get3A_186 = arith.constant 0 : index
    %get3A_187 = vector.load %arg7[%get3A_185, %get3A_186] : memref<1x128xf32, #tpu.memory_space<vmem>>, vector<1x128xf32>
    %add3A_188 = vector.broadcast %get3A_187 : vector<1x128xf32> to vector<256x128xf32>
    %add3A_189 = arith.addf %dot_general3A_184, %add3A_188 : vector<256x128xf32>
    %max3A_190 = arith.constant 0.000000e+00 : f32
    %max3A_191 = vector.broadcast %max3A_190 : f32 to vector<256x128xf32>
    %max3A_192 = arith.maximumf %add3A_189, %max3A_191 : vector<256x128xf32>
    %get3A_193 = arith.constant 0 : index
    %get3A_194 = arith.constant 0 : index
    %get3A_195 = vector.load %arg8[%get3A_193, %get3A_194] : memref<128x128xf32, #tpu.memory_space<vmem>>, vector<128x128xf32>
    %dot_general3A_196 = arith.constant dense<0.000000e+00> : vector<256x128xf32>
    %dot_general3A_197 = tpu.matmul %max3A_192, %get3A_195, %dot_general3A_196 {dimension_numbers = #tpu.dot_dimension_numbers<[1], [0], [0], [1], [0, 0, 1, 1], [], []>, transpose_lhs_hint = false} : vector<256x128xf32>, vector<128x128xf32>, vector<256x128xf32> -> vector<256x128xf32>
    %get3A_198 = arith.constant 0 : index
    %get3A_199 = arith.constant 0 : index
    %get3A_200 = vector.load %arg9[%get3A_198, %get3A_199] : memref<1x128xf32, #tpu.memory_space<vmem>>, vector<1x128xf32>
    %add3A_201 = vector.broadcast %get3A_200 : vector<1x128xf32> to vector<256x128xf32>
    %add3A_202 = arith.addf %dot_general3A_197, %add3A_201 : vector<256x128xf32>
    %max3A_203 = arith.maximumf %max3A_169, %add3A_202 : vector<256x128xf32>
    %get3A_204 = arith.constant 0 : index
    %get3A_205 = arith.constant 0 : index
    %get3A_206 = arith.constant 0 : index
    %get3A_207 = vector.load %arg4[%get3A_204, %get3A_205, %get3A_206] : memref<1x256x128xf32, #tpu.memory_space<vmem>>, vector<1x256x128xf32>
    %get3A_208 = vector.shape_cast %get3A_207 : vector<1x256x128xf32> to vector<256x128xf32>
    %add3A_209 = arith.addf %get3A_208, %max3A_203 : vector<256x128xf32>
    %max3A_210 = arith.constant 0.000000e+00 : f32
    %max3A_211 = vector.broadcast %max3A_210 : f32 to vector<256x128xf32>
    %max3A_212 = arith.maximumf %add3A_209, %max3A_211 : vector<256x128xf32>
    %get3A_213 = arith.constant 0 : index
    %get3A_214 = arith.constant 0 : index
    %get3A_215 = arith.constant 0 : index
    %get3A_216 = vector.load %arg5[%get3A_213, %get3A_214, %get3A_215] : memref<1x256x128xf32, #tpu.memory_space<vmem>>, vector<1x256x128xf32>
    %get3A_217 = vector.shape_cast %get3A_216 : vector<1x256x128xf32> to vector<256x128xf32>
    %add3A_218 = arith.addf %max3A_212, %get3A_217 : vector<256x128xf32>
    %swap3A = arith.constant 0 : index
    %swap3A_219 = arith.constant 0 : index
    %swap3A_220 = arith.constant 0 : index
    %swap3A_221 = vector.load %arg10[%swap3A, %swap3A_219, %swap3A_220] : memref<1x256x128xf32, #tpu.memory_space<vmem>>, vector<1x256x128xf32>
    %swap3A_222 = vector.shape_cast %swap3A_221 : vector<1x256x128xf32> to vector<256x128xf32>
    %swap3A_223 = vector.shape_cast %add3A_218 : vector<256x128xf32> to vector<1x256x128xf32>
    tpu.vector_store %arg10[%swap3A, %swap3A_219, %swap3A_220], %swap3A_223 {strides = array<i32>} : memref<1x256x128xf32, #tpu.memory_space<vmem>>, vector<1x256x128xf32>,
    return
  }
  func.func @transform_0(%arg0: i32, %arg1: i32) -> (i32, i32, i32, i32) {
    %c0_i32 = arith.constant 0 : i32
    %c0_i32_0 = arith.constant 0 : i32
    %c0_i32_1 = arith.constant 0 : i32
    return %arg0, %c0_i32, %arg1, %c0_i32_0 : i32, i32, i32, i32
  }
  func.func @transform_1(%arg0: i32, %arg1: i32) -> (i32, i32, i32) {
    %c0_i32 = arith.constant 0 : i32
    %c0_i32_0 = arith.constant 0 : i32
    return %arg0, %arg1, %c0_i32 : i32, i32, i32
  }
  func.func @transform_2(%arg0: i32, %arg1: i32) -> (i32, i32, i32) {
    %c0_i32 = arith.constant 0 : i32
    %c0_i32_0 = arith.constant 0 : i32
    return %arg0, %arg1, %c0_i32 : i32, i32, i32
  }
  func.func @transform_3(%arg0: i32, %arg1: i32) -> (i32, i32, i32) {
    %c0_i32 = arith.constant 0 : i32
    %c0_i32_0 = arith.constant 0 : i32
    return %arg0, %arg1, %c0_i32 : i32, i32, i32
  }
  func.func @transform_4(%arg0: i32, %arg1: i32) -> (i32, i32) {
    %c0_i32 = arith.constant 0 : i32
    %c0_i32_0 = arith.constant 0 : i32
    %c0_i32_1 = arith.constant 0 : i32
    return %c0_i32, %c0_i32_0 : i32, i32
  }
  func.func @transform_5(%arg0: i32, %arg1: i32) -> (i32, i32) {
    %c0_i32 = arith.constant 0 : i32
    %c0_i32_0 = arith.constant 0 : i32
    %c0_i32_1 = arith.constant 0 : i32
    return %c0_i32, %c0_i32_0 : i32, i32
  }
  func.func @transform_6(%arg0: i32, %arg1: i32) -> (i32, i32) {
    %c0_i32 = arith.constant 0 : i32
    %c0_i32_0 = arith.constant 0 : i32
    %c0_i32_1 = arith.constant 0 : i32
    return %c0_i32, %c0_i32_0 : i32, i32
  }
  func.func @transform_7(%arg0: i32, %arg1: i32) -> (i32, i32) {
    %c0_i32 = arith.constant 0 : i32
    %c0_i32_0 = arith.constant 0 : i32
    %c0_i32_1 = arith.constant 0 : i32
    return %c0_i32, %c0_i32_0 : i32, i32
  }
  func.func @transform_8(%arg0: i32, %arg1: i32) -> (i32, i32, i32) {
    %c0_i32 = arith.constant 0 : i32
    %c0_i32_0 = arith.constant 0 : i32
    return %arg0, %arg1, %c0_i32 : i32, i32, i32
  }
}

</mosaic_0001>

<sc_bundles>
// kernel: kernel.12.cloned.1.call-start
scs
__scs_entry_jumppad:
0x0: {  	(pc) =	sbr.rel $0x88, $3  }
0x1: {  	(tag) =	ssettag $0x0;
	lr =	simm.s32 $0x1  }
0x2: {  	[smem:$0x3F84] =	sst lr;
	_ =	strace $0xD0000000  }
0x3: {  	_ = 	snop  }
0x4: {  	_ = 	snop  }
0x5: {  	_ = 	snop  }
0x6: {  	_ = 	snop  }
0x7: {  	_ = 	snop  }
__scs_overlays_trampoline_lowered:
0x8: {  	[smem:$0x3F93] =	sst s0  }
0x9: {  	[smem:$0x3F94] =	sst s1  }
0xa: {  	[smem:$0x3F95] =	sst s2  }
0xb: {  	[smem:$0x3F96] =	sst s3  }
0xc: {  	[smem:$0x3F97] =	sst s4  }
0xd: {  	[smem:$0x3F98] =	sst s5  }
0xe: {  	[smem:$0x3F99] =	sst s6  }
0xf: {  	[smem:$0x3F9A] =	sst s7  }
0x10: {  	[smem:$0x3F9B] =	sst s8  }
0x11: {  	[smem:$0x3F9C] =	sst s9;
	s0 =	simm.s32 @!p0 $0x0  }
0x12: {  	s1 =	sld [smem:$0x3F82];
	s0 =	simm.s32 @p0 $0x1  }
0x13: {  	[smem:$0x3F9D] =	sst s0;
	s0 =	simm.s32 @!p1 $0x0  }
0x14: {  	s2 =	sld [smem:$0x3F81];
	s0 =	simm.s32 @p1 $0x1  }
0x15: {  	[smem:$0x3F9E] =	sst s0;
	s0 =	simm.s32 @!p2 $0x0  }
0x16: {  	s3 =	sld [smem:$0x3FDB];
	s0 =	simm.s32 @p2 $0x1  }
0x17: {  	s4 =	simm.s32 $0x1BF5;
	[smem:$0x3FA0] =	sst s0  }
0x18: {  	s0 =	sld [smem:$0x3F83];
	_ =	swait.ge [sflag:s4], $0x0  }
0x19: {  	s7 =	sld [smem:$0x3F84]  }
0x1a: {  	s8 =	sadd.s32 $0xFFFFE003, lr  }
0x1b: {  	s9 =	sadd.s32 $0xFFFFFEF7, lr;
	s5 =	simm.s32 $0xFFFFFFFF;
	p2 =	slt.u32 s8, $0xFFFFF086  }
0x1c: {  	p1 =	slt.u32 s9, $0xF7A;
	s5 =	simm.s32 @!p2 $0x0  }
0x1d: {  	s5 =	simm.s32 @p1 $0x1;
	p0 =	seq.s32 s7, s2  }
0x1e: {  	s7 =	smul.u32 @!p0 $0xF7A, s2;
	p2 =	seq.s32 @!p0 s5, $0x0  }
0x1f: {  	s9 =	smul.u32 $0xF7A, s1;
	s8 =	simm.s32 @!p0 $0x1BF5;
	p2 =	por !p2, p0  }
0x20: {  	[sflag:s8] =	ssyncset.s32 @!p0 $0xFFFFF086;
	s6 =	sadd.s32 @!p0 s3, s7;
	s7 =	simm.s32 @!p0 $0x108  }
0x21: {  	s3 =	sadd.s32 s3, s9;
	s6 =	sadd.s32 @!p0 $0x88, s6;
	s7 =	simm.s32 @p2 $0x1082  }
0x22: {  	[simem:s7], [sflag:s8] =	dma.local @!p0 [hbm:s6], $0xF7A  }
0x23: {  	s9 =	sor.u32 $0xD0000000, s2;
	s6 =	simm.s32 $0x108;
	_ =	swait.ge @!p0 [sflag:s8], $0x0  }
0x24: {  	s3 =	sadd.s32 $0x88, s3;
	s6 =	simm.s32 @!p1 $0x1082;
	[sflag:s4] =	ssyncset.s32 $0xFFFFF086  }
0x25: {  	[simem:s6], [sflag:s4] =	dma.local [hbm:s3], $0xF7A  }
0x26: {  	[smem:$0x3F84] =	sst s1;
	(tag) =	ssettag s2;
	_ =	strace s9  }
0x27: {  	s1 =	sld [smem:$0x3F94]  }
0x28: {  	s2 =	sld [smem:$0x3F95]  }
0x29: {  	s4 =	sld [smem:$0x3F97]  }
0x2a: {  	p0 =	seq.s32 s5, $0x0;
	s5 =	sld [smem:$0x3F98]  }
0x2b: {  	s6 =	sld [smem:$0x3F99]  }
0x2c: {  	s7 =	sld [smem:$0x3F9A]  }
0x2d: {  	s3 =	simm.s32 $0x108;
	s8 =	sld [smem:$0x3F9B]  }
0x2e: {  	s3 =	simm.s32 @!p0 $0x1082;
	s9 =	sld [smem:$0x3F9C]  }
0x2f: {  	lr =	sadd.s32 s0, s3;
	s0 =	sld [smem:$0x3F93]  }
0x30: {  	s3 =	sld [smem:$0x3F96]  }
0x31: {  	[smem:$0x3F9F] =	sst s10  }
0x32: {  	s10 =	sld [smem:$0x3F9D];
	_ =	sdelay $0x3  }
0x33: {  	p0 =	seq.s32 s10, $0x1;
	s10 =	sld [smem:$0x3F9F];
	_ =	sdelay $0x3  }
0x34: {  	[smem:$0x3F9F] =	sst s10  }
0x35: {  	s10 =	sld [smem:$0x3F9E];
	_ =	sdelay $0x3  }
0x36: {  	p1 =	seq.s32 s10, $0x1;
	s10 =	sld [smem:$0x3F9F];
	_ =	sdelay $0x3  }
0x37: {  	[smem:$0x3F9F] =	sst s10  }
0x38: {  	s10 =	sld [smem:$0x3FA0]  }
0x39: {  	_ = 	snop;
	(pc) =	sbr.ind lr, $3  }
0x3a: {  	_ = 	snop  }
0x3b: {  	_ = 	snop  }
0x3c: {  	p2 =	seq.s32 s10, $0x1;
	s10 =	sld [smem:$0x3F9F]  }
0x3d: {  	_ =	shalt  }
0x3e: {  	_ =	shalt  }
0x3f: {  	_ =	shalt  }
0x40: {  	_ =	shalt  }
0x41: {  	_ =	shalt  }
0x42: {  	_ =	shalt  }
0x43: {  	_ =	shalt  }
0x44: {  	_ =	shalt  }
0x45: {  	_ =	shalt  }
0x46: {  	_ =	shalt  }
0x47: {  	_ =	shalt  }
0x48: {  	_ =	shalt  }
0x49: {  	_ =	shalt  }
0x4a: {  	_ =	shalt  }
0x4b: {  	_ =	shalt  }
0x4c: {  	_ =	shalt  }
0x4d: {  	_ =	shalt  }
0x4e: {  	_ =	shalt  }
0x4f: {  	_ =	shalt  }
0x50: {  	_ =	shalt  }
0x51: {  	_ =	shalt  }
0x52: {  	_ =	shalt  }
0x53: {  	_ =	shalt  }
0x54: {  	_ =	shalt  }
0x55: {  	_ =	shalt  }
0x56: {  	_ =	shalt  }
0x57: {  	_ =	shalt  }
0x58: {  	_ =	shalt  }
0x59: {  	_ =	shalt  }
0x5a: {  	_ =	shalt  }
0x5b: {  	_ =	shalt  }
0x5c: {  	_ =	shalt  }
0x5d: {  	_ =	shalt  }
0x5e: {  	_ =	shalt  }
0x5f: {  	_ =	shalt  }
0x60: {  	_ =	shalt  }
0x61: {  	_ =	shalt  }
0x62: {  	_ =	shalt  }
0x63: {  	_ =	shalt  }
0x64: {  	_ =	shalt  }
0x65: {  	_ =	shalt  }
0x66: {  	_ =	shalt  }
0x67: {  	_ =	shalt  }
0x68: {  	_ =	shalt  }
0x69: {  	_ =	shalt  }
0x6a: {  	_ =	shalt  }
0x6b: {  	_ =	shalt  }
0x6c: {  	_ =	shalt  }
0x6d: {  	_ =	shalt  }
0x6e: {  	_ =	shalt  }
0x6f: {  	_ =	shalt  }
0x70: {  	_ =	shalt  }
0x71: {  	_ =	shalt  }
0x72: {  	_ =	shalt  }
0x73: {  	_ =	shalt  }
0x74: {  	_ =	shalt  }
0x75: {  	_ =	shalt  }
0x76: {  	_ =	shalt  }
0x77: {  	_ =	shalt  }
0x78: {  	_ =	shalt  }
0x79: {  	_ =	shalt  }
0x7a: {  	_ =	shalt  }
0x7b: {  	_ =	shalt  }
0x7c: {  	_ =	shalt  }
0x7d: {  	_ =	shalt  }
0x7e: {  	_ =	shalt  }
0x7f: {  	_ =	shalt  }
0x80: {  	_ =	shalt  }
0x81: {  	_ =	shalt  }
0x82: {  	_ =	shalt  }
0x83: {  	_ =	shalt  }
0x84: {  	_ =	shalt  }
0x85: {  	_ =	shalt  }
0x86: {  	_ =	shalt  }
0x87: {  	_ =	shalt  }
.Lfunc_end0:
.L_simem_size_0:
called_computation.1_lowered:
.L_overlay_start_0:
0x88: {  	s2 =	sld [smem:$0x3FD9]  }
0x89: {  	s3 =	sld [smem:$0x3FFE];
	_ =	sdelay $0x1  }
0x8a: {  	s1 =	srdreg.scid  }
0x8b: {  	s0 =	sand.u32 $0x1, s1  }
0x8c: {  	s16 =	sshll.u32 s0, $0xA;
	s2 =	sadd.s32 s3, s2  }
0x8d: {  	s2 =	sadd.s32 s2, s16  }
0x8e: {  	[smem:$0x3FAB] =	sst s2  }
0x8f: {  	_ = 	snop  }
0x90: {  	(tm) =	ssettm $0x1  }
0x91: {  	s17 =	sld [smem:$0x3FFB];
	_ =	sdelay $0x3  }
0x92: {  	_ =	strace s17  }
0x93: {  	s2 =	sld [smem:$0x3FFC];
	_ =	sdelay $0x3  }
0x94: {  	_ =	strace s2  }
0x95: {  	s2 =	sld [smem:$0x3FFD];
	_ =	sdelay $0x3  }
0x96: {  	_ =	strace s2  }
0x97: {  	_ =	strace $0x8FFFFFFF  }
0x98: {  	s18 =	sld [smem:$0x3FDB];
	_ =	sdelay $0x1  }
0x99: {  	s19 =	simm.s32 $_scs_section_size  }
0x9a: {  	s4 =	simm.s32 $_size__tile_overlayer_lowered;
	s5 =	simm.s32 $_tile_overlayer_lowered  }
0x9b: {  	s22 =	simm.s32 $0x1BFF;
	s21 =	sshll.u32 s5, $0x1;
	s2 =	sadd.s32 s19, s18  }
0x9c: {  	s6 =	simm.s32 $0x0;
	s20 =	sshll.u32 s4, $0x1;
	s4 =	sadd.s32 s21, s2  }
0x9d: {  	[timem:s6], [sflag:s22] =	dma.local [hbm:s4], s20  }
0x9e: {  	_ =	swait.ge [sflag:s22], s20  }
0x9f: {  	s3 =	ssub.s32 $0x0, s20;
	[sflag:s22] =	ssyncset.done $0x0  }
0xa0: {  	[sflag:s22] =	ssyncadd.s32 s3;
	_ =	sdelay $0x1  }
0xa1: {  	s23 =	simm.s32 $0x1B8B  }
0xa2: {  	_ =	swait.ge [sflag:s23], $0x1  }
0xa3: {  	[sflag:s23] =	ssyncset.done $0x0  }
0xa4: {  	s25 =	simm.s32 $0x1B8E;
	s24 =	sld [smem:$0x3FFE];
	[sflag:s23] =	ssyncadd.s32 $0xFFFFFFFF  }
0xa5: {  	s26 =	simm.s32 $execute0_lowered;
	[smem:$0x3FD2] =	sst s25  }
0xa6: {  	s4 =	sshll.u32 s26, $0x1;
	_ =	strace $0x80000049;
	[dreg:$0x1] =	wrdreg $0xFFFFFFFF  }
0xa7: {  	s28 =	simm.s32 $_size_execute0_lowered;
	s2 =	sadd.s32 s2, s4;
	[dreg:$0x0] =	wrdreg $0x0  }
0xa8: {  	s4 =	sshll.u32 s28, $0x1;
	[dreg:$0x2] =	wrdreg s2  }
0xa9: {  	[dreg:$0x3] =	wrdreg s4  }
0xaa: {  	[dreg:$0x4] =	wrdreg $0xC0  }
0xab: {  	_ =	task [dreg:s6], $0x5FFFF  }
0xac: {  	[dreg:$0x1] =	wrdreg $0xFFFFFFFF  }
0xad: {  	[dreg:$0x0] =	wrdreg $0x60  }
0xae: {  	[dreg:$0x2] =	wrdreg s24  }
0xaf: {  	[dreg:$0x3] =	wrdreg $0x9  }
0xb0: {  	_ =	task.clear_ibuf [dreg:s6], $0x4FFFF;
	_ =	strace $0x90000049  }
0xb1: {  	s29 =	simm.s32 $0x9;
	_ =	strace $0x8000004B  }
0xb2: {  	_ =	swait.ge [sflag:s29], $0x1  }
0xb3: {  	[sflag:s29] =	ssyncadd.s32 $0xFFFFFFFF  }
0xb4: {  	_ =	strace $0x9000004B  }
0xb5: {  	_ =	sfence  }
0xb6: {  	s30 =	sld [smem:$0x0];
	_ =	sdelay $0x2  }
0xb7: {  	s31 =	sshll.u32 s1, $0xD;
	s1 =	sshrl.u32 s1, $0x2  }
0xb8: {  	s3 =	sand.u32 $0x4000, s31;
	s1 =	sadd.s32 s1, s30  }
0xb9: {  	s0 =	sor.u32 s3, s0;
	s1 =	sshll.u32 s1, $0x11  }
0xba: {  	s0 =	sor.u32 s1, s0  }
0xbb: {  	s0 =	sadd.s32 $0x8F2B, s0  }
0xbc: {  	[sflag:s0] =	ssyncadd.remote.s32 $0x1  }
0xbd: {  	_ =	sfence.sel $0xFFFF  }
0xbe: {  	[dreg:$0x0] =	wrdreg $0xFFFFFFFF;
	(pc) =	sbr.abs _section_cstart, $3  }
0xbf: {  	[dreg:$0x1] =	wrdreg $0xFFFFFFFF  }
0xc0: {  	_ =	task.clear_ibuf [dreg:s6], $0x2FFFF;
	_ =	strace $0x9FFFFFFF  }
0xc1: {  	(tm) =	ssettm $0x7FFFFFFF  }
tec
execute0_lowered:
.L_overlay_start_1:
0x0: {  	(tag) =	ssettag $0x1  }
0x1: {  	s1 =	srdreg.scid  }
0x2: {  	s0 =	stileid.u32;
	s3 =	rddreg [dreg:$0x0]  }
0x3: {  	s2 =	simm.s32 $0x0;
	s25 =	simm.s32 $0x5;
	s10 =	simm.s32 $0x80  }
0x4: {  	s17 =	simm.s32 $0x4600;
	s26 =	simm.s32 $0x100;
	s18 =	simm.s32 $0x8600  }
0x5: {  	s28 =	simm.s32 $0x180;
	s29 =	simm.s32 $0x200;
	s14 =	simm.s32 $0x10600  }
0x6: {  	s30 =	simm.s32 $0x280;
	s15 =	simm.s32 $0x14600;
	s13 =	simm.s32 $0x1  }
0x7: {  	s22 =	simm.s32 $0x300;
	s23 =	simm.s32 $0x380;
	s24 =	simm.s32 $0x400  }
0x8: {  	p0 =	por $0x0, $0x0;
	s11 =	simm.s32 $0x2;
	s9 =	simm.s32 $0x4  }
0x9: {  	s19 =	simm.s32 $0x480;
	s1 =	sand.u32 $0x1, s1;
	s4 =	sshll.u32 s0, $0x1  }
0xa: {  	s20 =	simm.s32 $0x500;
	s5 =	sor.u32 s1, s4;
	s1 =	ssub.s32 $0x2, s1  }
0xb: {  	s21 =	simm.s32 $0x580;
	[smem:$0x7FF] =	sst s2;
	s8 =	sshrl.u32 s1, $0x1  }
0xc: {  	_ =	strace $0x8000004A;
	s6 =	smul.u32 $0xC0, s5;
	s1 =	ssub.s32 s1, s8  }
0xd: {  	s4 =	sadd.s32 $0x48800, s3;
	s7 =	smul.u32 $0x30000, s5;
	s1 =	smax.u32 s1, $0x1  }
0xe: {  	s5 =	smul.u32 $0x6000, s5;
	s8 =	simm.s32 $0x600;
	p1 =	sne.s32 s1, $0x1  }
.Ltmp0:
0xf: {  	s6 =	sadd.s32 s6, s3;
	s3 =	sadd.s32 $0xA8800, s3;
	(pc) =	sbr.rel @!p1 .LBB2_3-.Ltmp0, $4  }
0x10: {  	s7 =	sshrl.u32 s7, $0x3;
	s6 =	sadd.s32 $0x2800, s6;
	s16 =	sadd.s32 s3, s5  }
0x11: {  	s3 =	sadd.s32 s3, s7;
	s7 =	simm.s32 $0x3;
	s31 =	sadd.s32 $0xFFFFFFFF, s1  }
0x12: {  	[dreg:$0x2] =	wrdreg s6;
	s12 =	sadd.s32 $0x1800, s16;
	s5 =	sadd.s32 $0x3000, s3  }
0x13: {  	s3 =	sadd.s32 $0x4800, s3;
	s6 =	simm.s32 $0xC600;
	s1 =	rddreg [dreg:$0x2]  }
0x14: {  	[tilespmem:s2], [sflag:$0x5] =	stream.linear.gather [hbm4b:s1+s2], $0x600, $0x38;
	[tilespmem:$0x18600] =	vst v63  }
0x15: {  	_ =	swait.ge [sflag:s25], $0x600  }
0x16: {  	[sflag:s25] =	ssyncset.done $0x0  }
0x17: {  	[sflag:s25] =	ssyncadd.s32 $0xFFFFFA00  }
0x18: {  	[tilespmem:s8], [sflag:$0x1] =	stream.indirect.gather [hbm4b:s4+s10], $0x80, s2, s10, $0xb8;
	[tilespmem:$0x18600] =	vst v63  }
0x19: {  	_ = 	snop  }
0x1a: {  	[tilespmem:s17], [sflag:$0x1] =	stream.indirect.gather [hbm4b:s4+s10], $0x80, s10, s10, $0xb8;
	[tilespmem:$0x18600] =	vst v63  }
0x1b: {  	_ = 	snop  }
0x1c: {  	[tilespmem:s18], [sflag:$0x1] =	stream.indirect.gather [hbm4b:s4+s10], $0x80, s26, s10, $0xb8;
	[tilespmem:$0x18600] =	vst v63  }
0x1d: {  	_ = 	snop  }
0x1e: {  	[tilespmem:s6], [sflag:$0x2] =	stream.indirect.gather [hbm4b:s4+s10], $0x80, s28, s10, $0xb8;
	[tilespmem:$0x18600] =	vst v63  }
0x1f: {  	_ = 	snop  }
0x20: {  	[tilespmem:s14], [sflag:$0x2] =	stream.indirect.gather [hbm4b:s4+s10], $0x80, s29, s10, $0xb8;
	[tilespmem:$0x18600] =	vst v63  }
0x21: {  	_ = 	snop  }
0x22: {  	[tilespmem:s15], [sflag:$0x2] =	stream.indirect.gather [hbm4b:s4+s10], $0x80, s30, s10, $0xb8;
	[tilespmem:$0x18600] =	vst v63  }
0x23: {  	_ =	swait.ge [sflag:s13], $0x4000  }
0x24: {  	[sflag:s13] =	ssyncset.done $0x0  }
0x25: {  	[sflag:s13] =	ssyncadd.s32 $0xFFFFC000  }
0x26: {  	_ =	swait.ge [sflag:s13], $0x4000  }
0x27: {  	[sflag:s13] =	ssyncset.done $0x0  }
0x28: {  	[sflag:s13] =	ssyncadd.s32 $0xFFFFC000  }
0x29: {  	_ =	swait.ge [sflag:s13], $0x4000  }
0x2a: {  	[sflag:s13] =	ssyncset.done $0x0  }
0x2b: {  	[sflag:s13] =	ssyncadd.s32 $0xFFFFC000  }
0x2c: {  	[hbm4b:s16+s2] =	stream.linear.scatter [tilespmem:s8], [sflag:$0x3], $0xC000, $0x38;
	[tilespmem:$0x18600] =	vst v63  }
0x2d: {  	_ =	swait.ge [sflag:s7], $0xC000  }
0x2e: {  	[sflag:s7] =	ssyncset.done $0x0  }
0x2f: {  	[sflag:s7] =	ssyncadd.s32 $0xFFFF4000  }
0x30: {  	[tilespmem:s8], [sflag:$0x1] =	stream.indirect.gather [hbm4b:s4+s10], $0x80, s22, s10, $0xb8;
	[tilespmem:$0x18600] =	vst v63  }
0x31: {  	_ = 	snop  }
0x32: {  	[tilespmem:s17], [sflag:$0x1] =	stream.indirect.gather [hbm4b:s4+s10], $0x80, s23, s10, $0xb8;
	[tilespmem:$0x18600] =	vst v63  }
0x33: {  	_ = 	snop  }
0x34: {  	[tilespmem:s18], [sflag:$0x1] =	stream.indirect.gather [hbm4b:s4+s10], $0x80, s24, s10, $0xb8;
	[tilespmem:$0x18600] =	vst v63  }
0x35: {  	_ =	swait.ge [sflag:s11], $0x4000  }
0x36: {  	[sflag:s11] =	ssyncset.done $0x0  }
0x37: {  	[sflag:s11] =	ssyncadd.s32 $0xFFFFC000  }
0x38: {  	_ =	swait.ge [sflag:s11], $0x4000  }
0x39: {  	[sflag:s11] =	ssyncset.done $0x0  }
0x3a: {  	[sflag:s11] =	ssyncadd.s32 $0xFFFFC000  }
0x3b: {  	_ =	swait.ge [sflag:s11], $0x4000  }
0x3c: {  	[sflag:s11] =	ssyncset.done $0x0  }
0x3d: {  	[sflag:s11] =	ssyncadd.s32 $0xFFFFC000  }
0x3e: {  	[hbm4b:s12+s2] =	stream.linear.scatter [tilespmem:s6], [sflag:$0x4], $0xC000, $0x38;
	[tilespmem:$0x18600] =	vst v63  }
0x3f: {  	_ =	swait.ge [sflag:s9], $0xC000  }
0x40: {  	[sflag:s9] =	ssyncset.done $0x0  }
0x41: {  	[sflag:s9] =	ssyncadd.s32 $0xFFFF4000  }
0x42: {  	[tilespmem:s6], [sflag:$0x2] =	stream.indirect.gather [hbm4b:s4+s10], $0x80, s19, s10, $0xb8;
	[tilespmem:$0x18600] =	vst v63  }
0x43: {  	_ = 	snop  }
0x44: {  	[tilespmem:s14], [sflag:$0x2] =	stream.indirect.gather [hbm4b:s4+s10], $0x80, s20, s10, $0xb8;
	[tilespmem:$0x18600] =	vst v63  }
0x45: {  	_ = 	snop  }
0x46: {  	[tilespmem:s15], [sflag:$0x2] =	stream.indirect.gather [hbm4b:s4+s10], $0x80, s21, s10, $0xb8;
	[tilespmem:$0x18600] =	vst v63  }
0x47: {  	_ =	swait.ge [sflag:s13], $0x4000  }
0x48: {  	[sflag:s13] =	ssyncset.done $0x0  }
0x49: {  	[sflag:s13] =	ssyncadd.s32 $0xFFFFC000  }
0x4a: {  	_ =	swait.ge [sflag:s13], $0x4000  }
0x4b: {  	[sflag:s13] =	ssyncset.done $0x0  }
0x4c: {  	[sflag:s13] =	ssyncadd.s32 $0xFFFFC000  }
0x4d: {  	_ =	swait.ge [sflag:s13], $0x4000  }
0x4e: {  	[sflag:s13] =	ssyncset.done $0x0  }
0x4f: {  	[sflag:s13] =	ssyncadd.s32 $0xFFFFC000  }
0x50: {  	[hbm4b:s5+s2] =	stream.linear.scatter [tilespmem:s8], [sflag:$0x3], $0xC000, $0x38;
	[tilespmem:$0x18600] =	vst v63  }
0x51: {  	_ =	swait.ge [sflag:s11], $0x4000  }
0x52: {  	[sflag:s11] =	ssyncset.done $0x0  }
0x53: {  	[sflag:s11] =	ssyncadd.s32 $0xFFFFC000  }
0x54: {  	_ =	swait.ge [sflag:s11], $0x4000  }
0x55: {  	[sflag:s11] =	ssyncset.done $0x0  }
0x56: {  	[sflag:s11] =	ssyncadd.s32 $0xFFFFC000  }
0x57: {  	_ =	swait.ge [sflag:s11], $0x4000  }
0x58: {  	[sflag:s11] =	ssyncset.done $0x0  }
0x59: {  	p1 =	sne.s32 s31, $0x1;
	[sflag:s11] =	ssyncadd.s32 $0xFFFFC000  }
0x5a: {  	[hbm4b:s3+s2] =	stream.linear.scatter [tilespmem:s6], [sflag:$0x4], $0xC000, $0x38;
	[tilespmem:$0x18600] =	vst v63  }
.Ltmp1:
0x5b: {  	_ =	swait.ge [sflag:s7], $0xC000;
	(pc) =	sbr.rel @!p1 .LBB2_3-.Ltmp1, $4  }
0x5c: {  	[sflag:s7] =	ssyncset.done $0x0  }
0x5d: {  	[sflag:s7] =	ssyncadd.s32 $0xFFFF4000  }
0x5e: {  	s31 =	sadd.s32 $0xFFFFFFFF, s31;
	_ =	swait.ge [sflag:s9], $0xC000  }
0x5f: {  	p0 =	por $0x1, $0x1;
	s1 =	rddreg [dreg:$0x2];
	[sflag:s9] =	ssyncset.done $0x0  }
.LBB2_2:
0x60: {  	[sflag:s9] =	ssyncadd.s32 $0xFFFF4000  }
0x61: {  	[tilespmem:s2], [sflag:$0x5] =	stream.linear.gather [hbm4b:s1+s2], $0x600, $0x38;
	[tilespmem:$0x18600] =	vst v63  }
0x62: {  	_ =	swait.ge [sflag:s25], $0x600  }
0x63: {  	[sflag:s25] =	ssyncset.done $0x0  }
0x64: {  	[sflag:s25] =	ssyncadd.s32 $0xFFFFFA00  }
0x65: {  	[tilespmem:s8], [sflag:$0x1] =	stream.indirect.gather [hbm4b:s4+s10], $0x80, s2, s10, $0xb8;
	[tilespmem:$0x18600] =	vst v63  }
0x66: {  	_ = 	snop  }
0x67: {  	[tilespmem:s17], [sflag:$0x1] =	stream.indirect.gather [hbm4b:s4+s10], $0x80, s10, s10, $0xb8;
	[tilespmem:$0x18600] =	vst v63  }
0x68: {  	_ = 	snop  }
0x69: {  	[tilespmem:s18], [sflag:$0x1] =	stream.indirect.gather [hbm4b:s4+s10], $0x80, s26, s10, $0xb8;
	[tilespmem:$0x18600] =	vst v63  }
0x6a: {  	_ = 	snop  }
0x6b: {  	[tilespmem:s6], [sflag:$0x2] =	stream.indirect.gather [hbm4b:s4+s10], $0x80, s28, s10, $0xb8;
	[tilespmem:$0x18600] =	vst v63  }
0x6c: {  	_ = 	snop  }
0x6d: {  	[tilespmem:s14], [sflag:$0x2] =	stream.indirect.gather [hbm4b:s4+s10], $0x80, s29, s10, $0xb8;
	[tilespmem:$0x18600] =	vst v63  }
0x6e: {  	_ = 	snop  }
0x6f: {  	[tilespmem:s15], [sflag:$0x2] =	stream.indirect.gather [hbm4b:s4+s10], $0x80, s30, s10, $0xb8;
	[tilespmem:$0x18600] =	vst v63  }
0x70: {  	_ =	swait.ge [sflag:s13], $0x4000  }
0x71: {  	[sflag:s13] =	ssyncset.done $0x0  }
0x72: {  	[sflag:s13] =	ssyncadd.s32 $0xFFFFC000  }
0x73: {  	_ =	swait.ge [sflag:s13], $0x4000  }
0x74: {  	[sflag:s13] =	ssyncset.done $0x0  }
0x75: {  	[sflag:s13] =	ssyncadd.s32 $0xFFFFC000  }
0x76: {  	_ =	swait.ge [sflag:s13], $0x4000  }
0x77: {  	[sflag:s13] =	ssyncset.done $0x0  }
0x78: {  	[sflag:s13] =	ssyncadd.s32 $0xFFFFC000  }
0x79: {  	[hbm4b:s16+s2] =	stream.linear.scatter [tilespmem:s8], [sflag:$0x3], $0xC000, $0x38;
	[tilespmem:$0x18600] =	vst v63  }
0x7a: {  	_ =	swait.ge [sflag:s7], $0xC000  }
0x7b: {  	[sflag:s7] =	ssyncset.done $0x0  }
0x7c: {  	[sflag:s7] =	ssyncadd.s32 $0xFFFF4000  }
0x7d: {  	[tilespmem:s8], [sflag:$0x1] =	stream.indirect.gather [hbm4b:s4+s10], $0x80, s22, s10, $0xb8;
	[tilespmem:$0x18600] =	vst v63  }
0x7e: {  	_ = 	snop  }
0x7f: {  	[tilespmem:s17], [sflag:$0x1] =	stream.indirect.gather [hbm4b:s4+s10], $0x80, s23, s10, $0xb8;
	[tilespmem:$0x18600] =	vst v63  }
0x80: {  	_ = 	snop  }
0x81: {  	[tilespmem:s18], [sflag:$0x1] =	stream.indirect.gather [hbm4b:s4+s10], $0x80, s24, s10, $0xb8;
	[tilespmem:$0x18600] =	vst v63  }
0x82: {  	_ =	swait.ge [sflag:s11], $0x4000  }
0x83: {  	[sflag:s11] =	ssyncset.done $0x0  }
0x84: {  	[sflag:s11] =	ssyncadd.s32 $0xFFFFC000  }
0x85: {  	_ =	swait.ge [sflag:s11], $0x4000  }
0x86: {  	[sflag:s11] =	ssyncset.done $0x0  }
0x87: {  	[sflag:s11] =	ssyncadd.s32 $0xFFFFC000  }
0x88: {  	_ =	swait.ge [sflag:s11], $0x4000  }
0x89: {  	[sflag:s11] =	ssyncset.done $0x0  }
0x8a: {  	[sflag:s11] =	ssyncadd.s32 $0xFFFFC000  }
0x8b: {  	[hbm4b:s12+s2] =	stream.linear.scatter [tilespmem:s6], [sflag:$0x4], $0xC000, $0x38;
	[tilespmem:$0x18600] =	vst v63  }
0x8c: {  	_ =	swait.ge [sflag:s9], $0xC000  }
0x8d: {  	[sflag:s9] =	ssyncset.done $0x0  }
0x8e: {  	[sflag:s9] =	ssyncadd.s32 $0xFFFF4000  }
0x8f: {  	[tilespmem:s6], [sflag:$0x2] =	stream.indirect.gather [hbm4b:s4+s10], $0x80, s19, s10, $0xb8;
	[tilespmem:$0x18600] =	vst v63  }
0x90: {  	_ = 	snop  }
0x91: {  	[tilespmem:s14], [sflag:$0x2] =	stream.indirect.gather [hbm4b:s4+s10], $0x80, s20, s10, $0xb8;
	[tilespmem:$0x18600] =	vst v63  }
0x92: {  	_ = 	snop  }
0x93: {  	[tilespmem:s15], [sflag:$0x2] =	stream.indirect.gather [hbm4b:s4+s10], $0x80, s21, s10, $0xb8;
	[tilespmem:$0x18600] =	vst v63  }
0x94: {  	_ =	swait.ge [sflag:s13], $0x4000  }
0x95: {  	[sflag:s13] =	ssyncset.done $0x0  }
0x96: {  	[sflag:s13] =	ssyncadd.s32 $0xFFFFC000  }
0x97: {  	_ =	swait.ge [sflag:s13], $0x4000  }
0x98: {  	[sflag:s13] =	ssyncset.done $0x0  }
0x99: {  	[sflag:s13] =	ssyncadd.s32 $0xFFFFC000  }
0x9a: {  	_ =	swait.ge [sflag:s13], $0x4000  }
0x9b: {  	[sflag:s13] =	ssyncset.done $0x0  }
0x9c: {  	[sflag:s13] =	ssyncadd.s32 $0xFFFFC000  }
0x9d: {  	[hbm4b:s5+s2] =	stream.linear.scatter [tilespmem:s8], [sflag:$0x3], $0xC000, $0x38;
	[tilespmem:$0x18600] =	vst v63  }
0x9e: {  	_ =	swait.ge [sflag:s11], $0x4000  }
0x9f: {  	[sflag:s11] =	ssyncset.done $0x0  }
0xa0: {  	[sflag:s11] =	ssyncadd.s32 $0xFFFFC000  }
0xa1: {  	_ =	swait.ge [sflag:s11], $0x4000  }
0xa2: {  	[sflag:s11] =	ssyncset.done $0x0  }
0xa3: {  	[sflag:s11] =	ssyncadd.s32 $0xFFFFC000  }
0xa4: {  	_ =	swait.ge [sflag:s11], $0x4000  }
0xa5: {  	[sflag:s11] =	ssyncset.done $0x0  }
0xa6: {  	p1 =	sne.s32 s31, $0x1;
	[sflag:s11] =	ssyncadd.s32 $0xFFFFC000  }
0xa7: {  	[hbm4b:s3+s2] =	stream.linear.scatter [tilespmem:s6], [sflag:$0x4], $0xC000, $0x38;
	[tilespmem:$0x18600] =	vst v63  }
.Ltmp2:
0xa8: {  	_ =	swait.ge [sflag:s7], $0xC000;
	(pc) =	sbr.rel @p1 .LBB2_2-.Ltmp2, $4  }
0xa9: {  	[sflag:s7] =	ssyncset.done $0x0  }
0xaa: {  	[sflag:s7] =	ssyncadd.s32 $0xFFFF4000  }
0xab: {  	_ =	swait.ge [sflag:s9], $0xC000  }
0xac: {  	s31 =	sadd.s32 $0xFFFFFFFF, s31;
	s1 =	rddreg [dreg:$0x2];
	[sflag:s9] =	ssyncset.done $0x0  }
.LBB2_3:
0xad: {  	[sflag:s9] =	ssyncadd.s32 @p0 $0xFFFF4000  }
0xae: {  	[tilespmem:s2], [sflag:$0x5] =	stream.linear.gather [hbm4b:s1+s2], $0x600, $0x38;
	[tilespmem:$0x18600] =	vst v63  }
0xaf: {  	_ =	swait.ge [sflag:s25], $0x600  }
0xb0: {  	[sflag:s25] =	ssyncset.done $0x0  }
0xb1: {  	[sflag:s25] =	ssyncadd.s32 $0xFFFFFA00  }
0xb2: {  	[tilespmem:s8], [sflag:$0x1] =	stream.indirect.gather [hbm4b:s4+s10], $0x80, s2, s10, $0xb8;
	[tilespmem:$0x18600] =	vst v63  }
0xb3: {  	_ = 	snop  }
0xb4: {  	[tilespmem:s17], [sflag:$0x1] =	stream.indirect.gather [hbm4b:s4+s10], $0x80, s10, s10, $0xb8;
	[tilespmem:$0x18600] =	vst v63  }
0xb5: {  	_ = 	snop  }
0xb6: {  	[tilespmem:s18], [sflag:$0x1] =	stream.indirect.gather [hbm4b:s4+s10], $0x80, s26, s10, $0xb8;
	[tilespmem:$0x18600] =	vst v63  }
0xb7: {  	_ = 	snop  }
0xb8: {  	[tilespmem:s6], [sflag:$0x2] =	stream.indirect.gather [hbm4b:s4+s10], $0x80, s28, s10, $0xb8;
	[tilespmem:$0x18600] =	vst v63  }
0xb9: {  	_ = 	snop  }
0xba: {  	[tilespmem:s14], [sflag:$0x2] =	stream.indirect.gather [hbm4b:s4+s10], $0x80, s29, s10, $0xb8;
	[tilespmem:$0x18600] =	vst v63  }
0xbb: {  	_ = 	snop  }
0xbc: {  	[tilespmem:s15], [sflag:$0x2] =	stream.indirect.gather [hbm4b:s4+s10], $0x80, s30, s10, $0xb8;
	[tilespmem:$0x18600] =	vst v63  }
0xbd: {  	_ =	swait.ge [sflag:s13], $0x4000  }
0xbe: {  	[sflag:s13] =	ssyncset.done $0x0  }
0xbf: {  	[sflag:s13] =	ssyncadd.s32 $0xFFFFC000  }
0xc0: {  	_ =	swait.ge [sflag:s13], $0x4000  }
0xc1: {  	[sflag:s13] =	ssyncset.done $0x0  }
0xc2: {  	[sflag:s13] =	ssyncadd.s32 $0xFFFFC000  }
0xc3: {  	_ =	swait.ge [sflag:s13], $0x4000  }
0xc4: {  	[sflag:s13] =	ssyncset.done $0x0  }
0xc5: {  	[sflag:s13] =	ssyncadd.s32 $0xFFFFC000  }
0xc6: {  	[hbm4b:s16+s2] =	stream.linear.scatter [tilespmem:s8], [sflag:$0x3], $0xC000, $0x38;
	[tilespmem:$0x18600] =	vst v63  }
0xc7: {  	_ =	swait.ge [sflag:s7], $0xC000  }
0xc8: {  	[sflag:s7] =	ssyncset.done $0x0  }
0xc9: {  	[sflag:s7] =	ssyncadd.s32 $0xFFFF4000  }
0xca: {  	[tilespmem:s8], [sflag:$0x1] =	stream.indirect.gather [hbm4b:s4+s10], $0x80, s22, s10, $0xb8;
	[tilespmem:$0x18600] =	vst v63  }
0xcb: {  	_ = 	snop  }
0xcc: {  	[tilespmem:s17], [sflag:$0x1] =	stream.indirect.gather [hbm4b:s4+s10], $0x80, s23, s10, $0xb8;
	[tilespmem:$0x18600] =	vst v63  }
0xcd: {  	_ = 	snop  }
0xce: {  	[tilespmem:s18], [sflag:$0x1] =	stream.indirect.gather [hbm4b:s4+s10], $0x80, s24, s10, $0xb8;
	[tilespmem:$0x18600] =	vst v63  }
0xcf: {  	_ =	swait.ge [sflag:s11], $0x4000  }
0xd0: {  	[sflag:s11] =	ssyncset.done $0x0  }
0xd1: {  	[sflag:s11] =	ssyncadd.s32 $0xFFFFC000  }
0xd2: {  	_ =	swait.ge [sflag:s11], $0x4000  }
0xd3: {  	[sflag:s11] =	ssyncset.done $0x0  }
0xd4: {  	[sflag:s11] =	ssyncadd.s32 $0xFFFFC000  }
0xd5: {  	_ =	swait.ge [sflag:s11], $0x4000  }
0xd6: {  	[sflag:s11] =	ssyncset.done $0x0  }
0xd7: {  	[sflag:s11] =	ssyncadd.s32 $0xFFFFC000  }
0xd8: {  	[hbm4b:s12+s2] =	stream.linear.scatter [tilespmem:s6], [sflag:$0x4], $0xC000, $0x38;
	[tilespmem:$0x18600] =	vst v63  }
0xd9: {  	_ =	swait.ge [sflag:s9], $0xC000  }
0xda: {  	[sflag:s9] =	ssyncset.done $0x0  }
0xdb: {  	[sflag:s9] =	ssyncadd.s32 $0xFFFF4000  }
0xdc: {  	[tilespmem:s6], [sflag:$0x2] =	stream.indirect.gather [hbm4b:s4+s10], $0x80, s19, s10, $0xb8;
	[tilespmem:$0x18600] =	vst v63  }
0xdd: {  	_ = 	snop  }
0xde: {  	[tilespmem:s14], [sflag:$0x2] =	stream.indirect.gather [hbm4b:s4+s10], $0x80, s20, s10, $0xb8;
	[tilespmem:$0x18600] =	vst v63  }
0xdf: {  	_ = 	snop  }
0xe0: {  	[tilespmem:s15], [sflag:$0x2] =	stream.indirect.gather [hbm4b:s4+s10], $0x80, s21, s10, $0xb8;
	[tilespmem:$0x18600] =	vst v63  }
0xe1: {  	_ =	swait.ge [sflag:s13], $0x4000  }
0xe2: {  	[sflag:s13] =	ssyncset.done $0x0  }
0xe3: {  	[sflag:s13] =	ssyncadd.s32 $0xFFFFC000  }
0xe4: {  	_ =	swait.ge [sflag:s13], $0x4000  }
0xe5: {  	[sflag:s13] =	ssyncset.done $0x0  }
0xe6: {  	[sflag:s13] =	ssyncadd.s32 $0xFFFFC000  }
0xe7: {  	_ =	swait.ge [sflag:s13], $0x4000  }
0xe8: {  	[sflag:s13] =	ssyncset.done $0x0  }
0xe9: {  	[sflag:s13] =	ssyncadd.s32 $0xFFFFC000  }
0xea: {  	[hbm4b:s5+s2] =	stream.linear.scatter [tilespmem:s8], [sflag:$0x3], $0xC000, $0x38;
	[tilespmem:$0x18600] =	vst v63  }
0xeb: {  	_ =	swait.ge [sflag:s11], $0x4000  }
0xec: {  	[sflag:s11] =	ssyncset.done $0x0  }
0xed: {  	[sflag:s11] =	ssyncadd.s32 $0xFFFFC000  }
0xee: {  	_ =	swait.ge [sflag:s11], $0x4000  }
0xef: {  	[sflag:s11] =	ssyncset.done $0x0  }
0xf0: {  	[sflag:s11] =	ssyncadd.s32 $0xFFFFC000  }
0xf1: {  	_ =	swait.ge [sflag:s11], $0x4000  }
0xf2: {  	[sflag:s11] =	ssyncset.done $0x0  }
0xf3: {  	[sflag:s11] =	ssyncadd.s32 $0xFFFFC000  }
0xf4: {  	[hbm4b:s3+s2] =	stream.linear.scatter [tilespmem:s6], [sflag:$0x4], $0xC000, $0x38;
	[tilespmem:$0x18600] =	vst v63  }
0xf5: {  	_ =	swait.ge [sflag:s7], $0xC000  }
0xf6: {  	[sflag:s7] =	ssyncset.done $0x0  }
0xf7: {  	[sflag:s7] =	ssyncadd.s32 $0xFFFF4000  }
0xf8: {  	_ =	swait.ge [sflag:s9], $0xC000  }
0xf9: {  	[sflag:s9] =	ssyncset.done $0x0  }
0xfa: {  	[sflag:s9] =	ssyncadd.s32 $0xFFFF4000  }
0xfb: {  	_ =	sfence.sel $0x180000  }
0xfc: {  	[bflag:$0x0] =	sbarrier.arrive $0xFFFF  }
0xfd: {  	_ =	strace $0x9000004A  }
0xfe: {  	[bflag:$0x2] =	sbarrier.arrive $0xFFFF  }
0xff: {  	p0 =	sne.s32 s0, $0x0;
	s0 =	rddreg [dreg:$0x1]  }
0x100: {  	s0 =	sadd.s32 @!p0 $0x100000, s0  }
0x101: {  	[sflag:s0] =	ssyncadd.tile.s32 @!p0 $0x1;
	_ =	shalt  }
.Lfunc_end2:
_tile_overlayer_lowered:
.L_overlay_start_2:
0x102: {  	(tag) =	ssettag $0x2  }
0x103: {  	s0 =	rddreg [dreg:$0x0];
	s2 =	stileid.u32  }
0x104: {  	s1 =	rddreg [dreg:$0x1];
	p0 =	sne.s32 s2, $0x0  }
0x105: {  	s3 =	rddreg [dreg:$0x2];
	[bflag:$0x3] =	sbarrier.arrive $0xFFFF;
	s2 =	simm.s32 @!p0 $0x1C05  }
0x106: {  	[timem:s3], [sflag:s2] =	dma.local @!p0 [hbm:s0], s1  }
0x107: {  	s0 =	simm.s32 @!p0 $0x5  }
0x108: {  	_ =	swait.ge @!p0 [sflag:s0], s1  }
0x109: {  	s1 =	ssub.s32 @!p0 $0x0, s1;
	[sflag:s0] =	ssyncset.done @!p0 $0x0  }
0x10a: {  	[sflag:s0] =	ssyncadd.s32 @!p0 s1  }
0x10b: {  	[bflag:$0x3] =	sbarrier.arrive $0xFFFF  }
0x10c: {  	_ =	shalt  }

// kernel: kernel.9.cloned.1.call-start
scs
__scs_entry_jumppad:
0x0: {  	(pc) =	sbr.rel $0x88, $3  }
0x1: {  	(tag) =	ssettag $0x0;
	lr =	simm.s32 $0x1  }
0x2: {  	[smem:$0x3F84] =	sst lr;
	_ =	strace $0xD0000000  }
0x3: {  	_ = 	snop  }
0x4: {  	_ = 	snop  }
0x5: {  	_ = 	snop  }
0x6: {  	_ = 	snop  }
0x7: {  	_ = 	snop  }
__scs_overlays_trampoline_lowered:
0x8: {  	[smem:$0x3F93] =	sst s0  }
0x9: {  	[smem:$0x3F94] =	sst s1  }
0xa: {  	[smem:$0x3F95] =	sst s2  }
0xb: {  	[smem:$0x3F96] =	sst s3  }
0xc: {  	[smem:$0x3F97] =	sst s4  }
0xd: {  	[smem:$0x3F98] =	sst s5  }
0xe: {  	[smem:$0x3F99] =	sst s6  }
0xf: {  	[smem:$0x3F9A] =	sst s7  }
0x10: {  	[smem:$0x3F9B] =	sst s8  }
0x11: {  	[smem:$0x3F9C] =	sst s9;
	s0 =	simm.s32 @!p0 $0x0  }
0x12: {  	s1 =	sld [smem:$0x3F82];
	s0 =	simm.s32 @p0 $0x1  }
0x13: {  	[smem:$0x3F9D] =	sst s0;
	s0 =	simm.s32 @!p1 $0x0  }
0x14: {  	s2 =	sld [smem:$0x3F81];
	s0 =	simm.s32 @p1 $0x1  }
0x15: {  	[smem:$0x3F9E] =	sst s0;
	s0 =	simm.s32 @!p2 $0x0  }
0x16: {  	s3 =	sld [smem:$0x3FDB];
	s0 =	simm.s32 @p2 $0x1  }
0x17: {  	s4 =	simm.s32 $0x1BF5;
	[smem:$0x3FA0] =	sst s0  }
0x18: {  	s0 =	sld [smem:$0x3F83];
	_ =	swait.ge [sflag:s4], $0x0  }
0x19: {  	s7 =	sld [smem:$0x3F84]  }
0x1a: {  	s8 =	sadd.s32 $0xFFFFE003, lr  }
0x1b: {  	s9 =	sadd.s32 $0xFFFFFEF7, lr;
	s5 =	simm.s32 $0xFFFFFFFF;
	p2 =	slt.u32 s8, $0xFFFFF086  }
0x1c: {  	p1 =	slt.u32 s9, $0xF7A;
	s5 =	simm.s32 @!p2 $0x0  }
0x1d: {  	s5 =	simm.s32 @p1 $0x1;
	p0 =	seq.s32 s7, s2  }
0x1e: {  	s7 =	smul.u32 @!p0 $0xF7A, s2;
	p2 =	seq.s32 @!p0 s5, $0x0  }
0x1f: {  	s9 =	smul.u32 $0xF7A, s1;
	s8 =	simm.s32 @!p0 $0x1BF5;
	p2 =	por !p2, p0  }
0x20: {  	[sflag:s8] =	ssyncset.s32 @!p0 $0xFFFFF086;
	s6 =	sadd.s32 @!p0 s3, s7;
	s7 =	simm.s32 @!p0 $0x108  }
0x21: {  	s3 =	sadd.s32 s3, s9;
	s6 =	sadd.s32 @!p0 $0x88, s6;
	s7 =	simm.s32 @p2 $0x1082  }
0x22: {  	[simem:s7], [sflag:s8] =	dma.local @!p0 [hbm:s6], $0xF7A  }
0x23: {  	s9 =	sor.u32 $0xD0000000, s2;
	s6 =	simm.s32 $0x108;
	_ =	swait.ge @!p0 [sflag:s8], $0x0  }
0x24: {  	s3 =	sadd.s32 $0x88, s3;
	s6 =	simm.s32 @!p1 $0x1082;
	[sflag:s4] =	ssyncset.s32 $0xFFFFF086  }
0x25: {  	[simem:s6], [sflag:s4] =	dma.local [hbm:s3], $0xF7A  }
0x26: {  	[smem:$0x3F84] =	sst s1;
	(tag) =	ssettag s2;
	_ =	strace s9  }
0x27: {  	s1 =	sld [smem:$0x3F94]  }
0x28: {  	s2 =	sld [smem:$0x3F95]  }
0x29: {  	s4 =	sld [smem:$0x3F97]  }
0x2a: {  	p0 =	seq.s32 s5, $0x0;
	s5 =	sld [smem:$0x3F98]  }
0x2b: {  	s6 =	sld [smem:$0x3F99]  }
0x2c: {  	s7 =	sld [smem:$0x3F9A]  }
0x2d: {  	s3 =	simm.s32 $0x108;
	s8 =	sld [smem:$0x3F9B]  }
0x2e: {  	s3 =	simm.s32 @!p0 $0x1082;
	s9 =	sld [smem:$0x3F9C]  }
0x2f: {  	lr =	sadd.s32 s0, s3;
	s0 =	sld [smem:$0x3F93]  }
0x30: {  	s3 =	sld [smem:$0x3F96]  }
0x31: {  	[smem:$0x3F9F] =	sst s10  }
0x32: {  	s10 =	sld [smem:$0x3F9D];
	_ =	sdelay $0x3  }
0x33: {  	p0 =	seq.s32 s10, $0x1;
	s10 =	sld [smem:$0x3F9F];
	_ =	sdelay $0x3  }
0x34: {  	[smem:$0x3F9F] =	sst s10  }
0x35: {  	s10 =	sld [smem:$0x3F9E];
	_ =	sdelay $0x3  }
0x36: {  	p1 =	seq.s32 s10, $0x1;
	s10 =	sld [smem:$0x3F9F];
	_ =	sdelay $0x3  }
0x37: {  	[smem:$0x3F9F] =	sst s10  }
0x38: {  	s10 =	sld [smem:$0x3FA0]  }
0x39: {  	_ = 	snop;
	(pc) =	sbr.ind lr, $3  }
0x3a: {  	_ = 	snop  }
0x3b: {  	_ = 	snop  }
0x3c: {  	p2 =	seq.s32 s10, $0x1;
	s10 =	sld [smem:$0x3F9F]  }
0x3d: {  	_ =	shalt  }
0x3e: {  	_ =	shalt  }
0x3f: {  	_ =	shalt  }
0x40: {  	_ =	shalt  }
0x41: {  	_ =	shalt  }
0x42: {  	_ =	shalt  }
0x43: {  	_ =	shalt  }
0x44: {  	_ =	shalt  }
0x45: {  	_ =	shalt  }
0x46: {  	_ =	shalt  }
0x47: {  	_ =	shalt  }
0x48: {  	_ =	shalt  }
0x49: {  	_ =	shalt  }
0x4a: {  	_ =	shalt  }
0x4b: {  	_ =	shalt  }
0x4c: {  	_ =	shalt  }
0x4d: {  	_ =	shalt  }
0x4e: {  	_ =	shalt  }
0x4f: {  	_ =	shalt  }
0x50: {  	_ =	shalt  }
0x51: {  	_ =	shalt  }
0x52: {  	_ =	shalt  }
0x53: {  	_ =	shalt  }
0x54: {  	_ =	shalt  }
0x55: {  	_ =	shalt  }
0x56: {  	_ =	shalt  }
0x57: {  	_ =	shalt  }
0x58: {  	_ =	shalt  }
0x59: {  	_ =	shalt  }
0x5a: {  	_ =	shalt  }
0x5b: {  	_ =	shalt  }
0x5c: {  	_ =	shalt  }
0x5d: {  	_ =	shalt  }
0x5e: {  	_ =	shalt  }
0x5f: {  	_ =	shalt  }
0x60: {  	_ =	shalt  }
0x61: {  	_ =	shalt  }
0x62: {  	_ =	shalt  }
0x63: {  	_ =	shalt  }
0x64: {  	_ =	shalt  }
0x65: {  	_ =	shalt  }
0x66: {  	_ =	shalt  }
0x67: {  	_ =	shalt  }
0x68: {  	_ =	shalt  }
0x69: {  	_ =	shalt  }
0x6a: {  	_ =	shalt  }
0x6b: {  	_ =	shalt  }
0x6c: {  	_ =	shalt  }
0x6d: {  	_ =	shalt  }
0x6e: {  	_ =	shalt  }
0x6f: {  	_ =	shalt  }
0x70: {  	_ =	shalt  }
0x71: {  	_ =	shalt  }
0x72: {  	_ =	shalt  }
0x73: {  	_ =	shalt  }
0x74: {  	_ =	shalt  }
0x75: {  	_ =	shalt  }
0x76: {  	_ =	shalt  }
0x77: {  	_ =	shalt  }
0x78: {  	_ =	shalt  }
0x79: {  	_ =	shalt  }
0x7a: {  	_ =	shalt  }
0x7b: {  	_ =	shalt  }
0x7c: {  	_ =	shalt  }
0x7d: {  	_ =	shalt  }
0x7e: {  	_ =	shalt  }
0x7f: {  	_ =	shalt  }
0x80: {  	_ =	shalt  }
0x81: {  	_ =	shalt  }
0x82: {  	_ =	shalt  }
0x83: {  	_ =	shalt  }
0x84: {  	_ =	shalt  }
0x85: {  	_ =	shalt  }
0x86: {  	_ =	shalt  }
0x87: {  	_ =	shalt  }
.Lfunc_end0:
.L_simem_size_0:
called_computation_lowered:
.L_overlay_start_0:
0x88: {  	s2 =	sld [smem:$0x3FD9]  }
0x89: {  	s3 =	sld [smem:$0x3FFE];
	_ =	sdelay $0x1  }
0x8a: {  	s1 =	srdreg.scid  }
0x8b: {  	s0 =	sand.u32 $0x1, s1  }
0x8c: {  	s16 =	sshll.u32 s0, $0xA;
	s2 =	sadd.s32 s3, s2  }
0x8d: {  	s2 =	sadd.s32 s2, s16  }
0x8e: {  	[smem:$0x3FAB] =	sst s2  }
0x8f: {  	_ = 	snop  }
0x90: {  	(tm) =	ssettm $0x1  }
0x91: {  	s17 =	sld [smem:$0x3FFB];
	_ =	sdelay $0x3  }
0x92: {  	_ =	strace s17  }
0x93: {  	s2 =	sld [smem:$0x3FFC];
	_ =	sdelay $0x3  }
0x94: {  	_ =	strace s2  }
0x95: {  	s2 =	sld [smem:$0x3FFD];
	_ =	sdelay $0x3  }
0x96: {  	_ =	strace s2  }
0x97: {  	_ =	strace $0x8FFFFFFF  }
0x98: {  	s18 =	sld [smem:$0x3FDB];
	_ =	sdelay $0x1  }
0x99: {  	s19 =	simm.s32 $_scs_section_size  }
0x9a: {  	s4 =	simm.s32 $_size__tile_overlayer_lowered;
	s5 =	simm.s32 $_tile_overlayer_lowered  }
0x9b: {  	s22 =	simm.s32 $0x1BFF;
	s21 =	sshll.u32 s5, $0x1;
	s2 =	sadd.s32 s19, s18  }
0x9c: {  	s6 =	simm.s32 $0x0;
	s20 =	sshll.u32 s4, $0x1;
	s4 =	sadd.s32 s21, s2  }
0x9d: {  	[timem:s6], [sflag:s22] =	dma.local [hbm:s4], s20  }
0x9e: {  	_ =	swait.ge [sflag:s22], s20  }
0x9f: {  	s3 =	ssub.s32 $0x0, s20;
	[sflag:s22] =	ssyncset.done $0x0  }
0xa0: {  	[sflag:s22] =	ssyncadd.s32 s3;
	_ =	sdelay $0x1  }
0xa1: {  	s23 =	simm.s32 $0x1B8B  }
0xa2: {  	_ =	swait.ge [sflag:s23], $0x1  }
0xa3: {  	[sflag:s23] =	ssyncset.done $0x0  }
0xa4: {  	s25 =	simm.s32 $0x1B8E;
	s24 =	sld [smem:$0x3FFE];
	[sflag:s23] =	ssyncadd.s32 $0xFFFFFFFF  }
0xa5: {  	s26 =	simm.s32 $execute0_lowered;
	[smem:$0x3FD2] =	sst s25  }
0xa6: {  	s4 =	sshll.u32 s26, $0x1;
	_ =	strace $0x80000046;
	[dreg:$0x1] =	wrdreg $0xFFFFFFFF  }
0xa7: {  	s28 =	simm.s32 $_size_execute0_lowered;
	s2 =	sadd.s32 s2, s4;
	[dreg:$0x0] =	wrdreg $0x0  }
0xa8: {  	s4 =	sshll.u32 s28, $0x1;
	[dreg:$0x2] =	wrdreg s2  }
0xa9: {  	[dreg:$0x3] =	wrdreg s4  }
0xaa: {  	[dreg:$0x4] =	wrdreg $0xC0  }
0xab: {  	_ =	task [dreg:s6], $0x5FFFF  }
0xac: {  	[dreg:$0x1] =	wrdreg $0xFFFFFFFF  }
0xad: {  	[dreg:$0x0] =	wrdreg $0x60  }
0xae: {  	[dreg:$0x2] =	wrdreg s24  }
0xaf: {  	[dreg:$0x3] =	wrdreg $0x9  }
0xb0: {  	_ =	task.clear_ibuf [dreg:s6], $0x4FFFF;
	_ =	strace $0x90000046  }
0xb1: {  	s29 =	simm.s32 $0x9;
	_ =	strace $0x80000048  }
0xb2: {  	_ =	swait.ge [sflag:s29], $0x1  }
0xb3: {  	[sflag:s29] =	ssyncadd.s32 $0xFFFFFFFF  }
0xb4: {  	_ =	strace $0x90000048  }
0xb5: {  	_ =	sfence  }
0xb6: {  	s30 =	sld [smem:$0x0];
	_ =	sdelay $0x2  }
0xb7: {  	s31 =	sshll.u32 s1, $0xD;
	s1 =	sshrl.u32 s1, $0x2  }
0xb8: {  	s3 =	sand.u32 $0x4000, s31;
	s1 =	sadd.s32 s1, s30  }
0xb9: {  	s0 =	sor.u32 s3, s0;
	s1 =	sshll.u32 s1, $0x11  }
0xba: {  	s0 =	sor.u32 s1, s0  }
0xbb: {  	s0 =	sadd.s32 $0x8F2B, s0  }
0xbc: {  	[sflag:s0] =	ssyncadd.remote.s32 $0x1  }
0xbd: {  	_ =	sfence.sel $0xFFFF  }
0xbe: {  	[dreg:$0x0] =	wrdreg $0xFFFFFFFF;
	(pc) =	sbr.abs _section_cstart, $3  }
0xbf: {  	[dreg:$0x1] =	wrdreg $0xFFFFFFFF  }
0xc0: {  	_ =	task.clear_ibuf [dreg:s6], $0x2FFFF;
	_ =	strace $0x9FFFFFFF  }
0xc1: {  	(tm) =	ssettm $0x7FFFFFFF  }
tec
execute0_lowered:
.L_overlay_start_1:
0x0: {  	(tag) =	ssettag $0x1  }
0x1: {  	s1 =	srdreg.scid  }
0x2: {  	s0 =	stileid.u32;
	s3 =	rddreg [dreg:$0x0]  }
0x3: {  	s2 =	simm.s32 $0x0;
	s25 =	simm.s32 $0x5;
	s10 =	simm.s32 $0x80  }
0x4: {  	s17 =	simm.s32 $0x4600;
	s26 =	simm.s32 $0x100;
	s18 =	simm.s32 $0x8600  }
0x5: {  	s28 =	simm.s32 $0x180;
	s29 =	simm.s32 $0x200;
	s14 =	simm.s32 $0x10600  }
0x6: {  	s30 =	simm.s32 $0x280;
	s15 =	simm.s32 $0x14600;
	s13 =	simm.s32 $0x1  }
0x7: {  	s22 =	simm.s32 $0x300;
	s23 =	simm.s32 $0x380;
	s24 =	simm.s32 $0x400  }
0x8: {  	p0 =	por $0x0, $0x0;
	s11 =	simm.s32 $0x2;
	s9 =	simm.s32 $0x4  }
0x9: {  	s19 =	simm.s32 $0x480;
	s1 =	sand.u32 $0x1, s1;
	s4 =	sshll.u32 s0, $0x1  }
0xa: {  	s20 =	simm.s32 $0x500;
	s5 =	sor.u32 s1, s4;
	s1 =	ssub.s32 $0x2, s1  }
0xb: {  	s21 =	simm.s32 $0x580;
	[smem:$0x7FF] =	sst s2;
	s8 =	sshrl.u32 s1, $0x1  }
0xc: {  	_ =	strace $0x80000047;
	s6 =	smul.u32 $0xC0, s5;
	s1 =	ssub.s32 s1, s8  }
0xd: {  	s4 =	sadd.s32 $0x47C00, s3;
	s7 =	smul.u32 $0x30000, s5;
	s1 =	smax.u32 s1, $0x1  }
0xe: {  	s5 =	smul.u32 $0x6000, s5;
	s8 =	simm.s32 $0x600;
	p1 =	sne.s32 s1, $0x1  }
.Ltmp0:
0xf: {  	s6 =	sadd.s32 s6, s3;
	s3 =	sadd.s32 $0xA7C00, s3;
	(pc) =	sbr.rel @!p1 .LBB2_3-.Ltmp0, $4  }
0x10: {  	s7 =	sshrl.u32 s7, $0x3;
	s6 =	sadd.s32 $0x2800, s6;
	s16 =	sadd.s32 s3, s5  }
0x11: {  	s3 =	sadd.s32 s3, s7;
	s7 =	simm.s32 $0x3;
	s31 =	sadd.s32 $0xFFFFFFFF, s1  }
0x12: {  	[dreg:$0x2] =	wrdreg s6;
	s12 =	sadd.s32 $0x1800, s16;
	s5 =	sadd.s32 $0x3000, s3  }
0x13: {  	s3 =	sadd.s32 $0x4800, s3;
	s6 =	simm.s32 $0xC600;
	s1 =	rddreg [dreg:$0x2]  }
0x14: {  	[tilespmem:s2], [sflag:$0x5] =	stream.linear.gather [hbm4b:s1+s2], $0x600, $0x38;
	[tilespmem:$0x18600] =	vst v63  }
0x15: {  	_ =	swait.ge [sflag:s25], $0x600  }
0x16: {  	[sflag:s25] =	ssyncset.done $0x0  }
0x17: {  	[sflag:s25] =	ssyncadd.s32 $0xFFFFFA00  }
0x18: {  	[tilespmem:s8], [sflag:$0x1] =	stream.indirect.gather [hbm4b:s4+s10], $0x80, s2, s10, $0xb8;
	[tilespmem:$0x18600] =	vst v63  }
0x19: {  	_ = 	snop  }
0x1a: {  	[tilespmem:s17], [sflag:$0x1] =	stream.indirect.gather [hbm4b:s4+s10], $0x80, s10, s10, $0xb8;
	[tilespmem:$0x18600] =	vst v63  }
0x1b: {  	_ = 	snop  }
0x1c: {  	[tilespmem:s18], [sflag:$0x1] =	stream.indirect.gather [hbm4b:s4+s10], $0x80, s26, s10, $0xb8;
	[tilespmem:$0x18600] =	vst v63  }
0x1d: {  	_ = 	snop  }
0x1e: {  	[tilespmem:s6], [sflag:$0x2] =	stream.indirect.gather [hbm4b:s4+s10], $0x80, s28, s10, $0xb8;
	[tilespmem:$0x18600] =	vst v63  }
0x1f: {  	_ = 	snop  }
0x20: {  	[tilespmem:s14], [sflag:$0x2] =	stream.indirect.gather [hbm4b:s4+s10], $0x80, s29, s10, $0xb8;
	[tilespmem:$0x18600] =	vst v63  }
0x21: {  	_ = 	snop  }
0x22: {  	[tilespmem:s15], [sflag:$0x2] =	stream.indirect.gather [hbm4b:s4+s10], $0x80, s30, s10, $0xb8;
	[tilespmem:$0x18600] =	vst v63  }
0x23: {  	_ =	swait.ge [sflag:s13], $0x4000  }
0x24: {  	[sflag:s13] =	ssyncset.done $0x0  }
0x25: {  	[sflag:s13] =	ssyncadd.s32 $0xFFFFC000  }
0x26: {  	_ =	swait.ge [sflag:s13], $0x4000  }
0x27: {  	[sflag:s13] =	ssyncset.done $0x0  }
0x28: {  	[sflag:s13] =	ssyncadd.s32 $0xFFFFC000  }
0x29: {  	_ =	swait.ge [sflag:s13], $0x4000  }
0x2a: {  	[sflag:s13] =	ssyncset.done $0x0  }
0x2b: {  	[sflag:s13] =	ssyncadd.s32 $0xFFFFC000  }
0x2c: {  	[hbm4b:s16+s2] =	stream.linear.scatter [tilespmem:s8], [sflag:$0x3], $0xC000, $0x38;
	[tilespmem:$0x18600] =	vst v63  }
0x2d: {  	_ =	swait.ge [sflag:s7], $0xC000  }
0x2e: {  	[sflag:s7] =	ssyncset.done $0x0  }
0x2f: {  	[sflag:s7] =	ssyncadd.s32 $0xFFFF4000  }
0x30: {  	[tilespmem:s8], [sflag:$0x1] =	stream.indirect.gather [hbm4b:s4+s10], $0x80, s22, s10, $0xb8;
	[tilespmem:$0x18600] =	vst v63  }
0x31: {  	_ = 	snop  }
0x32: {  	[tilespmem:s17], [sflag:$0x1] =	stream.indirect.gather [hbm4b:s4+s10], $0x80, s23, s10, $0xb8;
	[tilespmem:$0x18600] =	vst v63  }
0x33: {  	_ = 	snop  }
0x34: {  	[tilespmem:s18], [sflag:$0x1] =	stream.indirect.gather [hbm4b:s4+s10], $0x80, s24, s10, $0xb8;
	[tilespmem:$0x18600] =	vst v63  }
0x35: {  	_ =	swait.ge [sflag:s11], $0x4000  }
0x36: {  	[sflag:s11] =	ssyncset.done $0x0  }
0x37: {  	[sflag:s11] =	ssyncadd.s32 $0xFFFFC000  }
0x38: {  	_ =	swait.ge [sflag:s11], $0x4000  }
0x39: {  	[sflag:s11] =	ssyncset.done $0x0  }
0x3a: {  	[sflag:s11] =	ssyncadd.s32 $0xFFFFC000  }
0x3b: {  	_ =	swait.ge [sflag:s11], $0x4000  }
0x3c: {  	[sflag:s11] =	ssyncset.done $0x0  }
0x3d: {  	[sflag:s11] =	ssyncadd.s32 $0xFFFFC000  }
0x3e: {  	[hbm4b:s12+s2] =	stream.linear.scatter [tilespmem:s6], [sflag:$0x4], $0xC000, $0x38;
	[tilespmem:$0x18600] =	vst v63  }
0x3f: {  	_ =	swait.ge [sflag:s9], $0xC000  }
0x40: {  	[sflag:s9] =	ssyncset.done $0x0  }
0x41: {  	[sflag:s9] =	ssyncadd.s32 $0xFFFF4000  }
0x42: {  	[tilespmem:s6], [sflag:$0x2] =	stream.indirect.gather [hbm4b:s4+s10], $0x80, s19, s10, $0xb8;
	[tilespmem:$0x18600] =	vst v63  }
0x43: {  	_ = 	snop  }
0x44: {  	[tilespmem:s14], [sflag:$0x2] =	stream.indirect.gather [hbm4b:s4+s10], $0x80, s20, s10, $0xb8;
	[tilespmem:$0x18600] =	vst v63  }
0x45: {  	_ = 	snop  }
0x46: {  	[tilespmem:s15], [sflag:$0x2] =	stream.indirect.gather [hbm4b:s4+s10], $0x80, s21, s10, $0xb8;
	[tilespmem:$0x18600] =	vst v63  }
0x47: {  	_ =	swait.ge [sflag:s13], $0x4000  }
0x48: {  	[sflag:s13] =	ssyncset.done $0x0  }
0x49: {  	[sflag:s13] =	ssyncadd.s32 $0xFFFFC000  }
0x4a: {  	_ =	swait.ge [sflag:s13], $0x4000  }
0x4b: {  	[sflag:s13] =	ssyncset.done $0x0  }
0x4c: {  	[sflag:s13] =	ssyncadd.s32 $0xFFFFC000  }
0x4d: {  	_ =	swait.ge [sflag:s13], $0x4000  }
0x4e: {  	[sflag:s13] =	ssyncset.done $0x0  }
0x4f: {  	[sflag:s13] =	ssyncadd.s32 $0xFFFFC000  }
0x50: {  	[hbm4b:s5+s2] =	stream.linear.scatter [tilespmem:s8], [sflag:$0x3], $0xC000, $0x38;
	[tilespmem:$0x18600] =	vst v63  }
0x51: {  	_ =	swait.ge [sflag:s11], $0x4000  }
0x52: {  	[sflag:s11] =	ssyncset.done $0x0  }
0x53: {  	[sflag:s11] =	ssyncadd.s32 $0xFFFFC000  }
0x54: {  	_ =	swait.ge [sflag:s11], $0x4000  }
0x55: {  	[sflag:s11] =	ssyncset.done $0x0  }
0x56: {  	[sflag:s11] =	ssyncadd.s32 $0xFFFFC000  }
0x57: {  	_ =	swait.ge [sflag:s11], $0x4000  }
0x58: {  	[sflag:s11] =	ssyncset.done $0x0  }
0x59: {  	p1 =	sne.s32 s31, $0x1;
	[sflag:s11] =	ssyncadd.s32 $0xFFFFC000  }
0x5a: {  	[hbm4b:s3+s2] =	stream.linear.scatter [tilespmem:s6], [sflag:$0x4], $0xC000, $0x38;
	[tilespmem:$0x18600] =	vst v63  }
.Ltmp1:
0x5b: {  	_ =	swait.ge [sflag:s7], $0xC000;
	(pc) =	sbr.rel @!p1 .LBB2_3-.Ltmp1, $4  }
0x5c: {  	[sflag:s7] =	ssyncset.done $0x0  }
0x5d: {  	[sflag:s7] =	ssyncadd.s32 $0xFFFF4000  }
0x5e: {  	s31 =	sadd.s32 $0xFFFFFFFF, s31;
	_ =	swait.ge [sflag:s9], $0xC000  }
0x5f: {  	p0 =	por $0x1, $0x1;
	s1 =	rddreg [dreg:$0x2];
	[sflag:s9] =	ssyncset.done $0x0  }
.LBB2_2:
0x60: {  	[sflag:s9] =	ssyncadd.s32 $0xFFFF4000  }
0x61: {  	[tilespmem:s2], [sflag:$0x5] =	stream.linear.gather [hbm4b:s1+s2], $0x600, $0x38;
	[tilespmem:$0x18600] =	vst v63  }
0x62: {  	_ =	swait.ge [sflag:s25], $0x600  }
0x63: {  	[sflag:s25] =	ssyncset.done $0x0  }
0x64: {  	[sflag:s25] =	ssyncadd.s32 $0xFFFFFA00  }
0x65: {  	[tilespmem:s8], [sflag:$0x1] =	stream.indirect.gather [hbm4b:s4+s10], $0x80, s2, s10, $0xb8;
	[tilespmem:$0x18600] =	vst v63  }
0x66: {  	_ = 	snop  }
0x67: {  	[tilespmem:s17], [sflag:$0x1] =	stream.indirect.gather [hbm4b:s4+s10], $0x80, s10, s10, $0xb8;
	[tilespmem:$0x18600] =	vst v63  }
0x68: {  	_ = 	snop  }
0x69: {  	[tilespmem:s18], [sflag:$0x1] =	stream.indirect.gather [hbm4b:s4+s10], $0x80, s26, s10, $0xb8;
	[tilespmem:$0x18600] =	vst v63  }
0x6a: {  	_ = 	snop  }
0x6b: {  	[tilespmem:s6], [sflag:$0x2] =	stream.indirect.gather [hbm4b:s4+s10], $0x80, s28, s10, $0xb8;
	[tilespmem:$0x18600] =	vst v63  }
0x6c: {  	_ = 	snop  }
0x6d: {  	[tilespmem:s14], [sflag:$0x2] =	stream.indirect.gather [hbm4b:s4+s10], $0x80, s29, s10, $0xb8;
	[tilespmem:$0x18600] =	vst v63  }
0x6e: {  	_ = 	snop  }
0x6f: {  	[tilespmem:s15], [sflag:$0x2] =	stream.indirect.gather [hbm4b:s4+s10], $0x80, s30, s10, $0xb8;
	[tilespmem:$0x18600] =	vst v63  }
0x70: {  	_ =	swait.ge [sflag:s13], $0x4000  }
0x71: {  	[sflag:s13] =	ssyncset.done $0x0  }
0x72: {  	[sflag:s13] =	ssyncadd.s32 $0xFFFFC000  }
0x73: {  	_ =	swait.ge [sflag:s13], $0x4000  }
0x74: {  	[sflag:s13] =	ssyncset.done $0x0  }
0x75: {  	[sflag:s13] =	ssyncadd.s32 $0xFFFFC000  }
0x76: {  	_ =	swait.ge [sflag:s13], $0x4000  }
0x77: {  	[sflag:s13] =	ssyncset.done $0x0  }
0x78: {  	[sflag:s13] =	ssyncadd.s32 $0xFFFFC000  }
0x79: {  	[hbm4b:s16+s2] =	stream.linear.scatter [tilespmem:s8], [sflag:$0x3], $0xC000, $0x38;
	[tilespmem:$0x18600] =	vst v63  }
0x7a: {  	_ =	swait.ge [sflag:s7], $0xC000  }
0x7b: {  	[sflag:s7] =	ssyncset.done $0x0  }
0x7c: {  	[sflag:s7] =	ssyncadd.s32 $0xFFFF4000  }
0x7d: {  	[tilespmem:s8], [sflag:$0x1] =	stream.indirect.gather [hbm4b:s4+s10], $0x80, s22, s10, $0xb8;
	[tilespmem:$0x18600] =	vst v63  }
0x7e: {  	_ = 	snop  }
0x7f: {  	[tilespmem:s17], [sflag:$0x1] =	stream.indirect.gather [hbm4b:s4+s10], $0x80, s23, s10, $0xb8;
	[tilespmem:$0x18600] =	vst v63  }
0x80: {  	_ = 	snop  }
0x81: {  	[tilespmem:s18], [sflag:$0x1] =	stream.indirect.gather [hbm4b:s4+s10], $0x80, s24, s10, $0xb8;
	[tilespmem:$0x18600] =	vst v63  }
0x82: {  	_ =	swait.ge [sflag:s11], $0x4000  }
0x83: {  	[sflag:s11] =	ssyncset.done $0x0  }
0x84: {  	[sflag:s11] =	ssyncadd.s32 $0xFFFFC000  }
0x85: {  	_ =	swait.ge [sflag:s11], $0x4000  }
0x86: {  	[sflag:s11] =	ssyncset.done $0x0  }
0x87: {  	[sflag:s11] =	ssyncadd.s32 $0xFFFFC000  }
0x88: {  	_ =	swait.ge [sflag:s11], $0x4000  }
0x89: {  	[sflag:s11] =	ssyncset.done $0x0  }
0x8a: {  	[sflag:s11] =	ssyncadd.s32 $0xFFFFC000  }
0x8b: {  	[hbm4b:s12+s2] =	stream.linear.scatter [tilespmem:s6], [sflag:$0x4], $0xC000, $0x38;
	[tilespmem:$0x18600] =	vst v63  }
0x8c: {  	_ =	swait.ge [sflag:s9], $0xC000  }
0x8d: {  	[sflag:s9] =	ssyncset.done $0x0  }
0x8e: {  	[sflag:s9] =	ssyncadd.s32 $0xFFFF4000  }
0x8f: {  	[tilespmem:s6], [sflag:$0x2] =	stream.indirect.gather [hbm4b:s4+s10], $0x80, s19, s10, $0xb8;
	[tilespmem:$0x18600] =	vst v63  }
0x90: {  	_ = 	snop  }
0x91: {  	[tilespmem:s14], [sflag:$0x2] =	stream.indirect.gather [hbm4b:s4+s10], $0x80, s20, s10, $0xb8;
	[tilespmem:$0x18600] =	vst v63  }
0x92: {  	_ = 	snop  }
0x93: {  	[tilespmem:s15], [sflag:$0x2] =	stream.indirect.gather [hbm4b:s4+s10], $0x80, s21, s10, $0xb8;
	[tilespmem:$0x18600] =	vst v63  }
0x94: {  	_ =	swait.ge [sflag:s13], $0x4000  }
0x95: {  	[sflag:s13] =	ssyncset.done $0x0  }
0x96: {  	[sflag:s13] =	ssyncadd.s32 $0xFFFFC000  }
0x97: {  	_ =	swait.ge [sflag:s13], $0x4000  }
0x98: {  	[sflag:s13] =	ssyncset.done $0x0  }
0x99: {  	[sflag:s13] =	ssyncadd.s32 $0xFFFFC000  }
0x9a: {  	_ =	swait.ge [sflag:s13], $0x4000  }
0x9b: {  	[sflag:s13] =	ssyncset.done $0x0  }
0x9c: {  	[sflag:s13] =	ssyncadd.s32 $0xFFFFC000  }
0x9d: {  	[hbm4b:s5+s2] =	stream.linear.scatter [tilespmem:s8], [sflag:$0x3], $0xC000, $0x38;
	[tilespmem:$0x18600] =	vst v63  }
0x9e: {  	_ =	swait.ge [sflag:s11], $0x4000  }
0x9f: {  	[sflag:s11] =	ssyncset.done $0x0  }
0xa0: {  	[sflag:s11] =	ssyncadd.s32 $0xFFFFC000  }
0xa1: {  	_ =	swait.ge [sflag:s11], $0x4000  }
0xa2: {  	[sflag:s11] =	ssyncset.done $0x0  }
0xa3: {  	[sflag:s11] =	ssyncadd.s32 $0xFFFFC000  }
0xa4: {  	_ =	swait.ge [sflag:s11], $0x4000  }
0xa5: {  	[sflag:s11] =	ssyncset.done $0x0  }
0xa6: {  	p1 =	sne.s32 s31, $0x1;
	[sflag:s11] =	ssyncadd.s32 $0xFFFFC000  }
0xa7: {  	[hbm4b:s3+s2] =	stream.linear.scatter [tilespmem:s6], [sflag:$0x4], $0xC000, $0x38;
	[tilespmem:$0x18600] =	vst v63  }
.Ltmp2:
0xa8: {  	_ =	swait.ge [sflag:s7], $0xC000;
	(pc) =	sbr.rel @p1 .LBB2_2-.Ltmp2, $4  }
0xa9: {  	[sflag:s7] =	ssyncset.done $0x0  }
0xaa: {  	[sflag:s7] =	ssyncadd.s32 $0xFFFF4000  }
0xab: {  	_ =	swait.ge [sflag:s9], $0xC000  }
0xac: {  	s31 =	sadd.s32 $0xFFFFFFFF, s31;
	s1 =	rddreg [dreg:$0x2];
	[sflag:s9] =	ssyncset.done $0x0  }
.LBB2_3:
0xad: {  	[sflag:s9] =	ssyncadd.s32 @p0 $0xFFFF4000  }
0xae: {  	[tilespmem:s2], [sflag:$0x5] =	stream.linear.gather [hbm4b:s1+s2], $0x600, $0x38;
	[tilespmem:$0x18600] =	vst v63  }
0xaf: {  	_ =	swait.ge [sflag:s25], $0x600  }
0xb0: {  	[sflag:s25] =	ssyncset.done $0x0  }
0xb1: {  	[sflag:s25] =	ssyncadd.s32 $0xFFFFFA00  }
0xb2: {  	[tilespmem:s8], [sflag:$0x1] =	stream.indirect.gather [hbm4b:s4+s10], $0x80, s2, s10, $0xb8;
	[tilespmem:$0x18600] =	vst v63  }
0xb3: {  	_ = 	snop  }
0xb4: {  	[tilespmem:s17], [sflag:$0x1] =	stream.indirect.gather [hbm4b:s4+s10], $0x80, s10, s10, $0xb8;
	[tilespmem:$0x18600] =	vst v63  }
0xb5: {  	_ = 	snop  }
0xb6: {  	[tilespmem:s18], [sflag:$0x1] =	stream.indirect.gather [hbm4b:s4+s10], $0x80, s26, s10, $0xb8;
	[tilespmem:$0x18600] =	vst v63  }
0xb7: {  	_ = 	snop  }
0xb8: {  	[tilespmem:s6], [sflag:$0x2] =	stream.indirect.gather [hbm4b:s4+s10], $0x80, s28, s10, $0xb8;
	[tilespmem:$0x18600] =	vst v63  }
0xb9: {  	_ = 	snop  }
0xba: {  	[tilespmem:s14], [sflag:$0x2] =	stream.indirect.gather [hbm4b:s4+s10], $0x80, s29, s10, $0xb8;
	[tilespmem:$0x18600] =	vst v63  }
0xbb: {  	_ = 	snop  }
0xbc: {  	[tilespmem:s15], [sflag:$0x2] =	stream.indirect.gather [hbm4b:s4+s10], $0x80, s30, s10, $0xb8;
	[tilespmem:$0x18600] =	vst v63  }
0xbd: {  	_ =	swait.ge [sflag:s13], $0x4000  }
0xbe: {  	[sflag:s13] =	ssyncset.done $0x0  }
0xbf: {  	[sflag:s13] =	ssyncadd.s32 $0xFFFFC000  }
0xc0: {  	_ =	swait.ge [sflag:s13], $0x4000  }
0xc1: {  	[sflag:s13] =	ssyncset.done $0x0  }
0xc2: {  	[sflag:s13] =	ssyncadd.s32 $0xFFFFC000  }
0xc3: {  	_ =	swait.ge [sflag:s13], $0x4000  }
0xc4: {  	[sflag:s13] =	ssyncset.done $0x0  }
0xc5: {  	[sflag:s13] =	ssyncadd.s32 $0xFFFFC000  }
0xc6: {  	[hbm4b:s16+s2] =	stream.linear.scatter [tilespmem:s8], [sflag:$0x3], $0xC000, $0x38;
	[tilespmem:$0x18600] =	vst v63  }
0xc7: {  	_ =	swait.ge [sflag:s7], $0xC000  }
0xc8: {  	[sflag:s7] =	ssyncset.done $0x0  }
0xc9: {  	[sflag:s7] =	ssyncadd.s32 $0xFFFF4000  }
0xca: {  	[tilespmem:s8], [sflag:$0x1] =	stream.indirect.gather [hbm4b:s4+s10], $0x80, s22, s10, $0xb8;
	[tilespmem:$0x18600] =	vst v63  }
0xcb: {  	_ = 	snop  }
0xcc: {  	[tilespmem:s17], [sflag:$0x1] =	stream.indirect.gather [hbm4b:s4+s10], $0x80, s23, s10, $0xb8;
	[tilespmem:$0x18600] =	vst v63  }
0xcd: {  	_ = 	snop  }
0xce: {  	[tilespmem:s18], [sflag:$0x1] =	stream.indirect.gather [hbm4b:s4+s10], $0x80, s24, s10, $0xb8;
	[tilespmem:$0x18600] =	vst v63  }
0xcf: {  	_ =	swait.ge [sflag:s11], $0x4000  }
0xd0: {  	[sflag:s11] =	ssyncset.done $0x0  }
0xd1: {  	[sflag:s11] =	ssyncadd.s32 $0xFFFFC000  }
0xd2: {  	_ =	swait.ge [sflag:s11], $0x4000  }
0xd3: {  	[sflag:s11] =	ssyncset.done $0x0  }
0xd4: {  	[sflag:s11] =	ssyncadd.s32 $0xFFFFC000  }
0xd5: {  	_ =	swait.ge [sflag:s11], $0x4000  }
0xd6: {  	[sflag:s11] =	ssyncset.done $0x0  }
0xd7: {  	[sflag:s11] =	ssyncadd.s32 $0xFFFFC000  }
0xd8: {  	[hbm4b:s12+s2] =	stream.linear.scatter [tilespmem:s6], [sflag:$0x4], $0xC000, $0x38;
	[tilespmem:$0x18600] =	vst v63  }
0xd9: {  	_ =	swait.ge [sflag:s9], $0xC000  }
0xda: {  	[sflag:s9] =	ssyncset.done $0x0  }
0xdb: {  	[sflag:s9] =	ssyncadd.s32 $0xFFFF4000  }
0xdc: {  	[tilespmem:s6], [sflag:$0x2] =	stream.indirect.gather [hbm4b:s4+s10], $0x80, s19, s10, $0xb8;
	[tilespmem:$0x18600] =	vst v63  }
0xdd: {  	_ = 	snop  }
0xde: {  	[tilespmem:s14], [sflag:$0x2] =	stream.indirect.gather [hbm4b:s4+s10], $0x80, s20, s10, $0xb8;
	[tilespmem:$0x18600] =	vst v63  }
0xdf: {  	_ = 	snop  }
0xe0: {  	[tilespmem:s15], [sflag:$0x2] =	stream.indirect.gather [hbm4b:s4+s10], $0x80, s21, s10, $0xb8;
	[tilespmem:$0x18600] =	vst v63  }
0xe1: {  	_ =	swait.ge [sflag:s13], $0x4000  }
0xe2: {  	[sflag:s13] =	ssyncset.done $0x0  }
0xe3: {  	[sflag:s13] =	ssyncadd.s32 $0xFFFFC000  }
0xe4: {  	_ =	swait.ge [sflag:s13], $0x4000  }
0xe5: {  	[sflag:s13] =	ssyncset.done $0x0  }
0xe6: {  	[sflag:s13] =	ssyncadd.s32 $0xFFFFC000  }
0xe7: {  	_ =	swait.ge [sflag:s13], $0x4000  }
0xe8: {  	[sflag:s13] =	ssyncset.done $0x0  }
0xe9: {  	[sflag:s13] =	ssyncadd.s32 $0xFFFFC000  }
0xea: {  	[hbm4b:s5+s2] =	stream.linear.scatter [tilespmem:s8], [sflag:$0x3], $0xC000, $0x38;
	[tilespmem:$0x18600] =	vst v63  }
0xeb: {  	_ =	swait.ge [sflag:s11], $0x4000  }
0xec: {  	[sflag:s11] =	ssyncset.done $0x0  }
0xed: {  	[sflag:s11] =	ssyncadd.s32 $0xFFFFC000  }
0xee: {  	_ =	swait.ge [sflag:s11], $0x4000  }
0xef: {  	[sflag:s11] =	ssyncset.done $0x0  }
0xf0: {  	[sflag:s11] =	ssyncadd.s32 $0xFFFFC000  }
0xf1: {  	_ =	swait.ge [sflag:s11], $0x4000  }
0xf2: {  	[sflag:s11] =	ssyncset.done $0x0  }
0xf3: {  	[sflag:s11] =	ssyncadd.s32 $0xFFFFC000  }
0xf4: {  	[hbm4b:s3+s2] =	stream.linear.scatter [tilespmem:s6], [sflag:$0x4], $0xC000, $0x38;
	[tilespmem:$0x18600] =	vst v63  }
0xf5: {  	_ =	swait.ge [sflag:s7], $0xC000  }
0xf6: {  	[sflag:s7] =	ssyncset.done $0x0  }
0xf7: {  	[sflag:s7] =	ssyncadd.s32 $0xFFFF4000  }
0xf8: {  	_ =	swait.ge [sflag:s9], $0xC000  }
0xf9: {  	[sflag:s9] =	ssyncset.done $0x0  }
0xfa: {  	[sflag:s9] =	ssyncadd.s32 $0xFFFF4000  }
0xfb: {  	_ =	sfence.sel $0x180000  }
0xfc: {  	[bflag:$0x0] =	sbarrier.arrive $0xFFFF  }
0xfd: {  	_ =	strace $0x90000047  }
0xfe: {  	[bflag:$0x2] =	sbarrier.arrive $0xFFFF  }
0xff: {  	p0 =	sne.s32 s0, $0x0;
	s0 =	rddreg [dreg:$0x1]  }
0x100: {  	s0 =	sadd.s32 @!p0 $0x100000, s0  }
0x101: {  	[sflag:s0] =	ssyncadd.tile.s32 @!p0 $0x1;
	_ =	shalt  }
.Lfunc_end2:
_tile_overlayer_lowered:
.L_overlay_start_2:
0x102: {  	(tag) =	ssettag $0x2  }
0x103: {  	s0 =	rddreg [dreg:$0x0];
	s2 =	stileid.u32  }
0x104: {  	s1 =	rddreg [dreg:$0x1];
	p0 =	sne.s32 s2, $0x0  }
0x105: {  	s3 =	rddreg [dreg:$0x2];
	[bflag:$0x3] =	sbarrier.arrive $0xFFFF;
	s2 =	simm.s32 @!p0 $0x1C05  }
0x106: {  	[timem:s3], [sflag:s2] =	dma.local @!p0 [hbm:s0], s1  }
0x107: {  	s0 =	simm.s32 @!p0 $0x5  }
0x108: {  	_ =	swait.ge @!p0 [sflag:s0], s1  }
0x109: {  	s1 =	ssub.s32 @!p0 $0x0, s1;
	[sflag:s0] =	ssyncset.done @!p0 $0x0  }
0x10a: {  	[sflag:s0] =	ssyncadd.s32 @!p0 s1  }
0x10b: {  	[bflag:$0x3] =	sbarrier.arrive $0xFFFF  }
0x10c: {  	_ =	shalt  }

</sc_bundles>
